<compile_context>
chip_gen: v7x
topology: tpu7x:2x2x1
jax: 0.10.2.dev20260603
libtpu: 0.0.44.dev20260713+nightly
codegen_flags: <defaults>
</compile_context>

<pallas_src>
import functools

import jax
import jax.numpy as jnp
from jax import lax
from jax.experimental import pallas as pl
from jax.experimental.pallas import tpu as pltpu
from jax.experimental.pallas import tpu_sc as plsc

N = 10000
F = 128
D = 128
KHOP = 3
E = 320000
NC, NS, L = 2, 16, 16
NW = NC * NS
ET = KHOP * E
CROWS = 2
CHUNK = 320
ETP = ((ET + NW * CHUNK - 1) // (NW * CHUNK)) * NW * CHUNK
EPW = ETP // NW
NCHUNK = EPW // CHUNK
NP = 10240
ROWS_PER_TILE = NP // NS

BN = 1000


def _dense_body(x_ref, w1_ref, b1_ref, w2_ref, b2_ref, wb_ref, wf_ref,
                wr_ref, a_ref, mn_ref, dense_ref):
    x = x_ref[...]
    h = jnp.maximum(
        jnp.dot(x, w1_ref[...], preferred_element_type=jnp.float32)
        + b1_ref[...][None, :], 0.0)
    le = (jnp.dot(h, w2_ref[...], preferred_element_type=jnp.float32)
          + b2_ref[...][None, :])
    a = jnp.clip(a_ref[...], 0.0, 1.0)
    wcomb = jnp.sum(a) * wb_ref[...] + jnp.sum(
        a[:, None, None] * wr_ref[...], axis=0)
    dense_ref[...] = jnp.dot(le, wcomb, preferred_element_type=jnp.float32)
    for hop in range(KHOP):
        mn_ref[hop] = jnp.dot(x, wf_ref[hop],
                              preferred_element_type=jnp.float32)


def _dense_call(x, w1, b1, w2, b2, wb, wf, wr, a):
    grid = (N // BN,)
    full = lambda shape: pl.BlockSpec(shape, lambda i: tuple(0 for _ in shape))
    return pl.pallas_call(
        _dense_body,
        grid=grid,
        in_specs=[
            pl.BlockSpec((BN, F), lambda i: (i, 0)),
            full((F, 2 * D)),
            full((2 * D,)),
            full((2 * D, D)),
            full((D,)),
            full((D, D)),
            full((KHOP, F, D)),
            full((KHOP, D, D)),
            full((KHOP,)),
        ],
        out_specs=[
            pl.BlockSpec((KHOP, BN, D), lambda i: (0, i, 0)),
            pl.BlockSpec((BN, D), lambda i: (i, 0)),
        ],
        out_shape=[
            jax.ShapeDtypeStruct((KHOP, N, D), jnp.float32),
            jax.ShapeDtypeStruct((N, D), jnp.float32),
        ],
    )(x, w1, b1, w2, b2, wb, wf, wr, a)


def _sc_body(mn_hbm, srcg_hbm, dst_hbm, val_hbm, zeros_hbm, out_hbm,
             acc_sh, idx_v, dst_v, val_v, rows_v, sem):
    c = lax.axis_index("c")
    s = lax.axis_index("s")
    w = s * NC + c

    pltpu.sync_copy(zeros_hbm.at[pl.ds(s * ROWS_PER_TILE, ROWS_PER_TILE)],
                    acc_sh.at[pl.ds(s * ROWS_PER_TILE, ROWS_PER_TILE)])
    plsc.subcore_barrier()

    def chunk_body(i, carry):
        base = w * EPW + i * CHUNK
        pltpu.sync_copy(srcg_hbm.at[pl.ds(base, CHUNK)], idx_v)
        pltpu.sync_copy(dst_hbm.at[pl.ds(base, CHUNK)], dst_v)
        pltpu.sync_copy(val_hbm.at[pl.ds(base, CHUNK)], val_v)
        pltpu.async_copy(mn_hbm.at[idx_v], rows_v, sem).wait()

        def scale_group(g, carry2):
            grp = val_v[pl.ds(g * L, L)]
            for lane in range(L):
                v = grp[lane]
                e = g * L + lane
                for j in range(D // L):
                    sl = pl.ds(j * L, L)
                    rows_v[e, sl] = rows_v[e, sl] * v
            return carry2

        lax.fori_loop(0, CHUNK // L, scale_group, 0)
        pltpu.sync_copy(rows_v, acc_sh.at[dst_v], add=True)
        return carry

    lax.fori_loop(0, NCHUNK, chunk_body, 0)
    plsc.subcore_barrier()

    pltpu.sync_copy(
        acc_sh.at[pl.ds(s * ROWS_PER_TILE, ROWS_PER_TILE)],
        out_hbm.at[pl.ds(c * NP + s * ROWS_PER_TILE, ROWS_PER_TILE)])


_sc_call = pl.kernel(
    _sc_body,
    out_type=jax.ShapeDtypeStruct((NC * NP, D), jnp.float32),
    mesh=plsc.VectorSubcoreMesh(core_axis_name="c", subcore_axis_name="s"),
    scratch_types=[
        pltpu.VMEM_SHARED((NP, D), jnp.float32),
        pltpu.VMEM((CHUNK,), jnp.int32),
        pltpu.VMEM((CHUNK,), jnp.int32),
        pltpu.VMEM((CHUNK,), jnp.float32),
        pltpu.VMEM((CHUNK, D), jnp.float32),
        pltpu.SemaphoreType.DMA,
    ],
)


def _finish_body(acc_ref, dense_ref, out_ref):
    out_ref[...] = jnp.maximum(acc_ref[0] + acc_ref[1] + dense_ref[...], 0.0)


def _finish_call(accs, dense):
    return pl.pallas_call(
        _finish_body,
        grid=(N // BN,),
        in_specs=[
            pl.BlockSpec((NC, BN, D), lambda i: (0, i, 0)),
            pl.BlockSpec((BN, D), lambda i: (i, 0)),
        ],
        out_specs=pl.BlockSpec((BN, D), lambda i: (i, 0)),
        out_shape=jax.ShapeDtypeStruct((N, D), jnp.float32),
    )(accs, dense)


def kernel(node_features, edge_index, adj_values, W_emb1, b_emb1, W_emb2,
           b_emb2, W_base, W_feat, W_res, alpha):
    mn, dense = _dense_call(node_features, W_emb1, b_emb1, W_emb2, b_emb2,
                            W_base, W_feat, W_res, alpha)
    mn_flat = mn.reshape(KHOP * N, D)

    src = edge_index[:, 0, :]
    dst = edge_index[:, 1, :]
    srcg = (src + (jnp.arange(KHOP, dtype=jnp.int32) * N)[:, None]).reshape(-1)
    dstf = dst.reshape(-1)
    valf = adj_values.reshape(-1)
    pad = ETP - ET
    srcg = jnp.concatenate([srcg, jnp.zeros((pad,), jnp.int32)])
    dstf = jnp.concatenate([dstf, jnp.zeros((pad,), jnp.int32)])
    valf = jnp.concatenate([valf, jnp.zeros((pad,), jnp.float32)])
    zeros = jnp.zeros((NP, D), jnp.float32)

    accs = _sc_call(mn_flat, srcg, dstf, valf, zeros)
    accs = accs.reshape(NC, NP, D)[:, :N, :]
    return _finish_call(accs, dense)

# --- scband reference (transcript-rebuilt; emitter-appended) ---
"""Pipeline reference for scband-inductive-layer-14388140442300 (READ-ONLY COPY).

The authoritative reference and input builder live on the scoring server;
editing this copy changes nothing except your own understanding.
"""

import jax, jax.numpy as jnp
import numpy as np

N = 10000
F = 128
D = 128
K = 2
E = 320000


def setup_inputs(seed: int = 0) -> dict:
    key = jax.random.key(seed)
    ks = jax.random.split(key, 10)
    node_features = jax.random.normal(ks[0], (N, F), dtype=jnp.float32)
    edge_index = jax.random.randint(ks[1], (K + 1, 2, E), 0, N, dtype=jnp.int32)
    adj_values = jax.random.uniform(ks[2], (K + 1, E), dtype=jnp.float32)
    # learned parameters (per __init__: embedding MLP, base kernel, per-hop feature/residual kernels, alpha)
    W_emb1 = jax.random.normal(ks[3], (F, 2 * D), dtype=jnp.float32) * 0.05
    b_emb1 = jnp.zeros((2 * D,), dtype=jnp.float32)
    W_emb2 = jax.random.normal(ks[4], (2 * D, D), dtype=jnp.float32) * 0.05
    b_emb2 = jnp.zeros((D,), dtype=jnp.float32)
    W_base = jax.random.normal(ks[5], (D, D), dtype=jnp.float32) * 0.05
    W_feat = jax.random.normal(ks[6], (K + 1, F, D), dtype=jnp.float32) * 0.05
    W_res = jax.random.normal(ks[7], (K + 1, D, D), dtype=jnp.float32) * 0.05
    alpha = jnp.full((K + 1,), 0.1, dtype=jnp.float32)
    return {
        "node_features": node_features,
        "edge_index": edge_index,
        "adj_values": adj_values,
        "W_emb1": W_emb1,
        "b_emb1": b_emb1,
        "W_emb2": W_emb2,
        "b_emb2": b_emb2,
        "W_base": W_base,
        "W_feat": W_feat,
        "W_res": W_res,
        "alpha": alpha,
    }


def reference(node_features, edge_index, adj_values, W_emb1, b_emb1, W_emb2, b_emb2, W_base, W_feat, W_res, alpha):
    n = node_features.shape[0]
    # embedding MLP: Dense(2*out, relu) -> Dense(out)
    learned_embeddings = jnp.maximum(node_features @ W_emb1 + b_emb1, 0.0) @ W_emb2 + b_emb2
    embedding_base = learned_embeddings @ W_base
    alpha_c = jnp.clip(alpha, 0.0, 1.0)
    output = jnp.zeros((n, W_feat.shape[-1]), dtype=node_features.dtype)
    for hop in range(K + 1):
        src = edge_index[hop, 0]
        dst = edge_index[hop, 1]
        matrix_nodes = node_features @ W_feat[hop]
        # sparse_dense_matmul: out[dst] += A_val * matrix_nodes[src]
        msg = matrix_nodes[src] * adj_values[hop][:, None]
        matmul_result = jax.ops.segment_sum(msg, dst, num_segments=n)
        learned = embedding_base + learned_embeddings @ W_res[hop]
        output = output + matmul_result + alpha_c[hop] * learned
    output = jnp.maximum(output, 0.0)
    # dropout is identity at inference (training=False)
    return output

if __name__ == "__main__":
    import jax
    _d = setup_inputs()
    print(jax.jit(kernel)(*tuple(_d.values())))

</pallas_src>

<mosaic_0001>
#map = affine_map<(d0, d1) -> (0, 0)>
#map1 = affine_map<(d0, d1) -> (0)>
module attributes {stable_mosaic.version = 14 : i64} {
  func.func @_sc_body(%arg0: i32, %arg1: i32, %arg2: memref<30000x128xf32, #tpu.memory_space<hbm>>, %arg3: memref<962560xi32, #tpu.memory_space<hbm>>, %arg4: memref<962560xi32, #tpu.memory_space<hbm>>, %arg5: memref<962560xf32, #tpu.memory_space<hbm>>, %arg6: memref<10240x128xf32, #tpu.memory_space<hbm>>, %arg7: memref<20480x128xf32, #tpu.memory_space<hbm>>, %arg8: memref<10240x128xf32, #tpu.memory_space<vmem_shared>>, %arg9: memref<320xi32, #tpu.memory_space<vmem>>, %arg10: memref<320xi32, #tpu.memory_space<vmem>>, %arg11: memref<320xf32, #tpu.memory_space<vmem>>, %arg12: memref<320x128xf32, #tpu.memory_space<vmem>>, %arg13: memref<!tpu.dma_semaphore, #tpu.memory_space<semaphore_mem>>) attributes {dimension_semantics = [#tpu.dimension_semantics<core_parallel>, #tpu.dimension_semantics<subcore_parallel>], iteration_bounds = array<i64: 2, 16>, scalar_prefetch = 0 : i64, scratch_operands = 6 : i64, tpu.core_type = #tpu.core_type<sc_vector_subcore>, window_params = [{transform_indices = #map}, {transform_indices = #map1}, {transform_indices = #map1}, {transform_indices = #map1}, {transform_indices = #map}, {transform_indices = #map}]} {
    %mul3A = arith.constant 2 : i32
    %mul3A_0 = arith.muli %arg1, %mul3A : i32
    %add3A = arith.addi %mul3A_0, %arg0 : i32
    %mul3A_1 = arith.constant 640 : i32
    %mul3A_2 = arith.muli %arg1, %mul3A_1 : i32
    %mul3A_3 = arith.constant 640 : i32
    %mul3A_4 = arith.muli %arg1, %mul3A_3 : i32
    "tpu.region"() ({
      %run_scoped3A = tpu.sem_alloc : memref<!tpu.dma_semaphore, #tpu.memory_space<semaphore_mem>>
      %dma_start3A = arith.constant 0 : i32
      %dma_start3A_18 = tpu.memref_slice %arg8[%mul3A_4, %dma_start3A] : memref<10240x128xf32, #tpu.memory_space<vmem_shared>> -> memref<640x128xf32, #tpu.memory_space<vmem_shared>>
      %dma_start3A_19 = arith.constant 0 : i32
      %dma_start3A_20 = tpu.memref_slice %arg6[%mul3A_2, %dma_start3A_19] : memref<10240x128xf32, #tpu.memory_space<hbm>> -> memref<640x128xf32, #tpu.memory_space<hbm>>
      tpu.enqueue_dma source(%dma_start3A_20 : memref<640x128xf32, #tpu.memory_space<hbm>>) target(%dma_start3A_18 : memref<640x128xf32, #tpu.memory_space<vmem_shared>>) target_semaphore(%run_scoped3A : memref<!tpu.dma_semaphore, #tpu.memory_space<semaphore_mem>>)
      %dma_wait3A = arith.constant 0 : i32
      %dma_wait3A_21 = tpu.memref_slice %arg8[%mul3A_4, %dma_wait3A] : memref<10240x128xf32, #tpu.memory_space<vmem_shared>> -> memref<640x128xf32, #tpu.memory_space<vmem_shared>>
      %dma_wait3A_22 = arith.constant 0 : i32
      %dma_wait3A_23 = tpu.memref_slice %arg6[%mul3A_2, %dma_wait3A_22] : memref<10240x128xf32, #tpu.memory_space<hbm>> -> memref<640x128xf32, #tpu.memory_space<hbm>>
      tpu.wait_dma2 semaphore(%run_scoped3A : memref<!tpu.dma_semaphore, #tpu.memory_space<semaphore_mem>>) src(%dma_wait3A_23 : memref<640x128xf32, #tpu.memory_space<hbm>>) dst(%dma_wait3A_21 : memref<640x128xf32, #tpu.memory_space<vmem_shared>>)
      tpu.yield
    }) : () -> ()
    %barrier3A = arith.constant 0 : index
    tpu.barrier barrier_id(%barrier3A)
    %scan3A = arith.constant 0 : i32
    %scan3A_5 = arith.constant 0 : i32
    %scan3A_6 = arith.constant 94 : i32
    %scan3A_7 = arith.addi %scan3A_5, %scan3A_6 : i32
    %scan3A_8 = arith.constant 1 : i32
    scf.for %scan3A_18 = %scan3A_5 to %scan3A_7 step %scan3A_8  : i32 {
      %mul3A_19 = arith.constant 30080 : i32
      %mul3A_20 = arith.muli %add3A, %mul3A_19 : i32
      %mul3A_21 = arith.constant 320 : i32
      %mul3A_22 = arith.muli %scan3A_18, %mul3A_21 : i32
      %add3A_23 = arith.addi %mul3A_20, %mul3A_22 : i32
      "tpu.region"() ({
        %run_scoped3A = tpu.sem_alloc : memref<!tpu.dma_semaphore, #tpu.memory_space<semaphore_mem>>
        %dma_start3A_34 = tpu.memref_slice %arg3[%add3A_23] : memref<962560xi32, #tpu.memory_space<hbm>> -> memref<320xi32, #tpu.memory_space<hbm>>
        %dma_start3A_35 = tpu.memref_slice %arg3[%add3A_23] : memref<962560xi32, #tpu.memory_space<hbm>> -> memref<320xi32, #tpu.memory_space<hbm>>
        tpu.enqueue_dma source(%dma_start3A_35 : memref<320xi32, #tpu.memory_space<hbm>>) target(%arg9 : memref<320xi32, #tpu.memory_space<vmem>>) target_semaphore(%run_scoped3A : memref<!tpu.dma_semaphore, #tpu.memory_space<semaphore_mem>>)
        %dma_wait3A_36 = tpu.memref_slice %arg3[%add3A_23] : memref<962560xi32, #tpu.memory_space<hbm>> -> memref<320xi32, #tpu.memory_space<hbm>>
        %dma_wait3A_37 = tpu.memref_slice %arg3[%add3A_23] : memref<962560xi32, #tpu.memory_space<hbm>> -> memref<320xi32, #tpu.memory_space<hbm>>
        tpu.wait_dma2 semaphore(%run_scoped3A : memref<!tpu.dma_semaphore, #tpu.memory_space<semaphore_mem>>) src(%dma_wait3A_37 : memref<320xi32, #tpu.memory_space<hbm>>) dst(%arg9 : memref<320xi32, #tpu.memory_space<vmem>>)
        tpu.yield
      }) : () -> ()
      "tpu.region"() ({
        %run_scoped3A = tpu.sem_alloc : memref<!tpu.dma_semaphore, #tpu.memory_space<semaphore_mem>>
        %dma_start3A_34 = tpu.memref_slice %arg4[%add3A_23] : memref<962560xi32, #tpu.memory_space<hbm>> -> memref<320xi32, #tpu.memory_space<hbm>>
        %dma_start3A_35 = tpu.memref_slice %arg4[%add3A_23] : memref<962560xi32, #tpu.memory_space<hbm>> -> memref<320xi32, #tpu.memory_space<hbm>>
        tpu.enqueue_dma source(%dma_start3A_35 : memref<320xi32, #tpu.memory_space<hbm>>) target(%arg10 : memref<320xi32, #tpu.memory_space<vmem>>) target_semaphore(%run_scoped3A : memref<!tpu.dma_semaphore, #tpu.memory_space<semaphore_mem>>)
        %dma_wait3A_36 = tpu.memref_slice %arg4[%add3A_23] : memref<962560xi32, #tpu.memory_space<hbm>> -> memref<320xi32, #tpu.memory_space<hbm>>
        %dma_wait3A_37 = tpu.memref_slice %arg4[%add3A_23] : memref<962560xi32, #tpu.memory_space<hbm>> -> memref<320xi32, #tpu.memory_space<hbm>>
        tpu.wait_dma2 semaphore(%run_scoped3A : memref<!tpu.dma_semaphore, #tpu.memory_space<semaphore_mem>>) src(%dma_wait3A_37 : memref<320xi32, #tpu.memory_space<hbm>>) dst(%arg10 : memref<320xi32, #tpu.memory_space<vmem>>)
        tpu.yield
      }) : () -> ()
      "tpu.region"() ({
        %run_scoped3A = tpu.sem_alloc : memref<!tpu.dma_semaphore, #tpu.memory_space<semaphore_mem>>
        %dma_start3A_34 = tpu.memref_slice %arg5[%add3A_23] : memref<962560xf32, #tpu.memory_space<hbm>> -> memref<320xf32, #tpu.memory_space<hbm>>
        %dma_start3A_35 = tpu.memref_slice %arg5[%add3A_23] : memref<962560xf32, #tpu.memory_space<hbm>> -> memref<320xf32, #tpu.memory_space<hbm>>
        tpu.enqueue_dma source(%dma_start3A_35 : memref<320xf32, #tpu.memory_space<hbm>>) target(%arg11 : memref<320xf32, #tpu.memory_space<vmem>>) target_semaphore(%run_scoped3A : memref<!tpu.dma_semaphore, #tpu.memory_space<semaphore_mem>>)
        %dma_wait3A_36 = tpu.memref_slice %arg5[%add3A_23] : memref<962560xf32, #tpu.memory_space<hbm>> -> memref<320xf32, #tpu.memory_space<hbm>>
        %dma_wait3A_37 = tpu.memref_slice %arg5[%add3A_23] : memref<962560xf32, #tpu.memory_space<hbm>> -> memref<320xf32, #tpu.memory_space<hbm>>
        tpu.wait_dma2 semaphore(%run_scoped3A : memref<!tpu.dma_semaphore, #tpu.memory_space<semaphore_mem>>) src(%dma_wait3A_37 : memref<320xf32, #tpu.memory_space<hbm>>) dst(%arg11 : memref<320xf32, #tpu.memory_space<vmem>>)
        tpu.yield
      }) : () -> ()
      %dma_start3A = arith.constant 0 : i32
      %dma_start3A_24 = arith.constant 0 : i32
      %dma_start3A_25 = tpu.memref_slice %arg2[%dma_start3A, %dma_start3A_24] : memref<30000x128xf32, #tpu.memory_space<hbm>> -> memref<30000x128xf32, #tpu.memory_space<hbm>>
      tpu.enqueue_indirect_dma source(%dma_start3A_25 : memref<30000x128xf32, #tpu.memory_space<hbm>>) target(%arg12 : memref<320x128xf32, #tpu.memory_space<vmem>>) offsets(%arg9 : memref<320xi32, #tpu.memory_space<vmem>>) semaphore(%arg13 : memref<!tpu.dma_semaphore, #tpu.memory_space<semaphore_mem>>)
      %dma_wait3A = arith.constant 0 : i32
      %dma_wait3A_26 = arith.constant 0 : i32
      %dma_wait3A_27 = tpu.memref_slice %arg2[%dma_wait3A, %dma_wait3A_26] : memref<30000x128xf32, #tpu.memory_space<hbm>> -> memref<30000x128xf32, #tpu.memory_space<hbm>>
      tpu.wait_indirect_dma semaphore(%arg13 : memref<!tpu.dma_semaphore, #tpu.memory_space<semaphore_mem>>) src(%dma_wait3A_27 : memref<30000x128xf32, #tpu.memory_space<hbm>>) dst(%arg12 : memref<320x128xf32, #tpu.memory_space<vmem>>)
      %scan3A_28 = arith.constant 0 : i32
      %scan3A_29 = arith.constant 0 : i32
      %scan3A_30 = arith.constant 20 : i32
      %scan3A_31 = arith.addi %scan3A_29, %scan3A_30 : i32
      %scan3A_32 = arith.constant 1 : i32
      scf.for %scan3A_34 = %scan3A_29 to %scan3A_31 step %scan3A_32  : i32 {
        %mul3A_35 = arith.constant 16 : i32
        %mul3A_36 = arith.muli %scan3A_34, %mul3A_35 : i32
        %get3A = arith.index_cast %mul3A_36 : i32 to index
        %get3A_37 = tpu.vector_load %arg11[%get3A] {strides = array<i32>} : memref<320xf32, #tpu.memory_space<vmem>>, vector<16xf32>,
        %get3A_38 = vector.shape_cast %get3A_37 : vector<16xf32> to vector<16xf32>
        %slice3A = vector.extract_strided_slice %get3A_38 {offsets = [0], sizes = [1], strides = [1]} : vector<16xf32> to vector<1xf32>
        %squeeze3A = vector.extract %slice3A[0] : f32 from vector<1xf32>
        %mul3A_39 = arith.constant 16 : i32
        %mul3A_40 = arith.muli %scan3A_34, %mul3A_39 : i32
        %add3A_41 = arith.constant 0 : i32
        %add3A_42 = arith.addi %mul3A_40, %add3A_41 : i32
        %get3A_43 = arith.index_cast %add3A_42 : i32 to index
        %get3A_44 = arith.constant 0 : index
        %get3A_45 = tpu.vector_load %arg12[%get3A_43, %get3A_44] {strides = array<i32>} : memref<320x128xf32, #tpu.memory_space<vmem>>, vector<1x16xf32>,
        %get3A_46 = vector.shape_cast %get3A_45 : vector<1x16xf32> to vector<16xf32>
        %mul3A_47 = vector.broadcast %squeeze3A : f32 to vector<16xf32>
        %mul3A_48 = arith.mulf %get3A_46, %mul3A_47 : vector<16xf32>
        %swap3A = arith.index_cast %add3A_42 : i32 to index
        %swap3A_49 = arith.constant 0 : index
        %swap3A_50 = tpu.vector_load %arg12[%swap3A, %swap3A_49] {strides = array<i32>} : memref<320x128xf32, #tpu.memory_space<vmem>>, vector<1x16xf32>,
        %swap3A_51 = vector.shape_cast %swap3A_50 : vector<1x16xf32> to vector<16xf32>
        %swap3A_52 = vector.shape_cast %mul3A_48 : vector<16xf32> to vector<1x16xf32>
        tpu.vector_store %arg12[%swap3A, %swap3A_49], %swap3A_52 {strides = array<i32>} : memref<320x128xf32, #tpu.memory_space<vmem>>, vector<1x16xf32>,
        %get3A_53 = arith.index_cast %add3A_42 : i32 to index
        %get3A_54 = arith.constant 16 : index
        %get3A_55 = tpu.vector_load %arg12[%get3A_53, %get3A_54] {strides = array<i32>} : memref<320x128xf32, #tpu.memory_space<vmem>>, vector<1x16xf32>,
        %get3A_56 = vector.shape_cast %get3A_55 : vector<1x16xf32> to vector<16xf32>
        %mul3A_57 = vector.broadcast %squeeze3A : f32 to vector<16xf32>
        %mul3A_58 = arith.mulf %get3A_56, %mul3A_57 : vector<16xf32>
        %swap3A_59 = arith.index_cast %add3A_42 : i32 to index
        %swap3A_60 = arith.constant 16 : index
        %swap3A_61 = tpu.vector_load %arg12[%swap3A_59, %swap3A_60] {strides = array<i32>} : memref<320x128xf32, #tpu.memory_space<vmem>>, vector<1x16xf32>,
        %swap3A_62 = vector.shape_cast %swap3A_61 : vector<1x16xf32> to vector<16xf32>
        %swap3A_63 = vector.shape_cast %mul3A_58 : vector<16xf32> to vector<1x16xf32>
        tpu.vector_store %arg12[%swap3A_59, %swap3A_60], %swap3A_63 {strides = array<i32>} : memref<320x128xf32, #tpu.memory_space<vmem>>, vector<1x16xf32>,
        %get3A_64 = arith.index_cast %add3A_42 : i32 to index
        %get3A_65 = arith.constant 32 : index
        %get3A_66 = tpu.vector_load %arg12[%get3A_64, %get3A_65] {strides = array<i32>} : memref<320x128xf32, #tpu.memory_space<vmem>>, vector<1x16xf32>,
        %get3A_67 = vector.shape_cast %get3A_66 : vector<1x16xf32> to vector<16xf32>
        %mul3A_68 = vector.broadcast %squeeze3A : f32 to vector<16xf32>
        %mul3A_69 = arith.mulf %get3A_67, %mul3A_68 : vector<16xf32>
        %swap3A_70 = arith.index_cast %add3A_42 : i32 to index
        %swap3A_71 = arith.constant 32 : index
        %swap3A_72 = tpu.vector_load %arg12[%swap3A_70, %swap3A_71] {strides = array<i32>} : memref<320x128xf32, #tpu.memory_space<vmem>>, vector<1x16xf32>,
        %swap3A_73 = vector.shape_cast %swap3A_72 : vector<1x16xf32> to vector<16xf32>
        %swap3A_74 = vector.shape_cast %mul3A_69 : vector<16xf32> to vector<1x16xf32>
        tpu.vector_store %arg12[%swap3A_70, %swap3A_71], %swap3A_74 {strides = array<i32>} : memref<320x128xf32, #tpu.memory_space<vmem>>, vector<1x16xf32>,
        %get3A_75 = arith.index_cast %add3A_42 : i32 to index
        %get3A_76 = arith.constant 48 : index
        %get3A_77 = tpu.vector_load %arg12[%get3A_75, %get3A_76] {strides = array<i32>} : memref<320x128xf32, #tpu.memory_space<vmem>>, vector<1x16xf32>,
        %get3A_78 = vector.shape_cast %get3A_77 : vector<1x16xf32> to vector<16xf32>
        %mul3A_79 = vector.broadcast %squeeze3A : f32 to vector<16xf32>
        %mul3A_80 = arith.mulf %get3A_78, %mul3A_79 : vector<16xf32>
        %swap3A_81 = arith.index_cast %add3A_42 : i32 to index
        %swap3A_82 = arith.constant 48 : index
        %swap3A_83 = tpu.vector_load %arg12[%swap3A_81, %swap3A_82] {strides = array<i32>} : memref<320x128xf32, #tpu.memory_space<vmem>>, vector<1x16xf32>,
        %swap3A_84 = vector.shape_cast %swap3A_83 : vector<1x16xf32> to vector<16xf32>
        %swap3A_85 = vector.shape_cast %mul3A_80 : vector<16xf32> to vector<1x16xf32>
        tpu.vector_store %arg12[%swap3A_81, %swap3A_82], %swap3A_85 {strides = array<i32>} : memref<320x128xf32, #tpu.memory_space<vmem>>, vector<1x16xf32>,
        %get3A_86 = arith.index_cast %add3A_42 : i32 to index
        %get3A_87 = arith.constant 64 : index
        %get3A_88 = tpu.vector_load %arg12[%get3A_86, %get3A_87] {strides = array<i32>} : memref<320x128xf32, #tpu.memory_space<vmem>>, vector<1x16xf32>,
        %get3A_89 = vector.shape_cast %get3A_88 : vector<1x16xf32> to vector<16xf32>
        %mul3A_90 = vector.broadcast %squeeze3A : f32 to vector<16xf32>
        %mul3A_91 = arith.mulf %get3A_89, %mul3A_90 : vector<16xf32>
        %swap3A_92 = arith.index_cast %add3A_42 : i32 to index
        %swap3A_93 = arith.constant 64 : index
        %swap3A_94 = tpu.vector_load %arg12[%swap3A_92, %swap3A_93] {strides = array<i32>} : memref<320x128xf32, #tpu.memory_space<vmem>>, vector<1x16xf32>,
        %swap3A_95 = vector.shape_cast %swap3A_94 : vector<1x16xf32> to vector<16xf32>
        %swap3A_96 = vector.shape_cast %mul3A_91 : vector<16xf32> to vector<1x16xf32>
        tpu.vector_store %arg12[%swap3A_92, %swap3A_93], %swap3A_96 {strides = array<i32>} : memref<320x128xf32, #tpu.memory_space<vmem>>, vector<1x16xf32>,
        %get3A_97 = arith.index_cast %add3A_42 : i32 to index
        %get3A_98 = arith.constant 80 : index
        %get3A_99 = tpu.vector_load %arg12[%get3A_97, %get3A_98] {strides = array<i32>} : memref<320x128xf32, #tpu.memory_space<vmem>>, vector<1x16xf32>,
        %get3A_100 = vector.shape_cast %get3A_99 : vector<1x16xf32> to vector<16xf32>
        %mul3A_101 = vector.broadcast %squeeze3A : f32 to vector<16xf32>
        %mul3A_102 = arith.mulf %get3A_100, %mul3A_101 : vector<16xf32>
        %swap3A_103 = arith.index_cast %add3A_42 : i32 to index
        %swap3A_104 = arith.constant 80 : index
        %swap3A_105 = tpu.vector_load %arg12[%swap3A_103, %swap3A_104] {strides = array<i32>} : memref<320x128xf32, #tpu.memory_space<vmem>>, vector<1x16xf32>,
        %swap3A_106 = vector.shape_cast %swap3A_105 : vector<1x16xf32> to vector<16xf32>
        %swap3A_107 = vector.shape_cast %mul3A_102 : vector<16xf32> to vector<1x16xf32>
        tpu.vector_store %arg12[%swap3A_103, %swap3A_104], %swap3A_107 {strides = array<i32>} : memref<320x128xf32, #tpu.memory_space<vmem>>, vector<1x16xf32>,
        %get3A_108 = arith.index_cast %add3A_42 : i32 to index
        %get3A_109 = arith.constant 96 : index
        %get3A_110 = tpu.vector_load %arg12[%get3A_108, %get3A_109] {strides = array<i32>} : memref<320x128xf32, #tpu.memory_space<vmem>>, vector<1x16xf32>,
        %get3A_111 = vector.shape_cast %get3A_110 : vector<1x16xf32> to vector<16xf32>
        %mul3A_112 = vector.broadcast %squeeze3A : f32 to vector<16xf32>
        %mul3A_113 = arith.mulf %get3A_111, %mul3A_112 : vector<16xf32>
        %swap3A_114 = arith.index_cast %add3A_42 : i32 to index
        %swap3A_115 = arith.constant 96 : index
        %swap3A_116 = tpu.vector_load %arg12[%swap3A_114, %swap3A_115] {strides = array<i32>} : memref<320x128xf32, #tpu.memory_space<vmem>>, vector<1x16xf32>,
        %swap3A_117 = vector.shape_cast %swap3A_116 : vector<1x16xf32> to vector<16xf32>
        %swap3A_118 = vector.shape_cast %mul3A_113 : vector<16xf32> to vector<1x16xf32>
        tpu.vector_store %arg12[%swap3A_114, %swap3A_115], %swap3A_118 {strides = array<i32>} : memref<320x128xf32, #tpu.memory_space<vmem>>, vector<1x16xf32>,
        %get3A_119 = arith.index_cast %add3A_42 : i32 to index
        %get3A_120 = arith.constant 112 : index
        %get3A_121 = tpu.vector_load %arg12[%get3A_119, %get3A_120] {strides = array<i32>} : memref<320x128xf32, #tpu.memory_space<vmem>>, vector<1x16xf32>,
        %get3A_122 = vector.shape_cast %get3A_121 : vector<1x16xf32> to vector<16xf32>
        %mul3A_123 = vector.broadcast %squeeze3A : f32 to vector<16xf32>
        %mul3A_124 = arith.mulf %get3A_122, %mul3A_123 : vector<16xf32>
        %swap3A_125 = arith.index_cast %add3A_42 : i32 to index
        %swap3A_126 = arith.constant 112 : index
        %swap3A_127 = tpu.vector_load %arg12[%swap3A_125, %swap3A_126] {strides = array<i32>} : memref<320x128xf32, #tpu.memory_space<vmem>>, vector<1x16xf32>,
        %swap3A_128 = vector.shape_cast %swap3A_127 : vector<1x16xf32> to vector<16xf32>
        %swap3A_129 = vector.shape_cast %mul3A_124 : vector<16xf32> to vector<1x16xf32>
        tpu.vector_store %arg12[%swap3A_125, %swap3A_126], %swap3A_129 {strides = array<i32>} : memref<320x128xf32, #tpu.memory_space<vmem>>, vector<1x16xf32>,
        %slice3A_130 = vector.extract_strided_slice %get3A_38 {offsets = [1], sizes = [1], strides = [1]} : vector<16xf32> to vector<1xf32>
        %squeeze3A_131 = vector.extract %slice3A_130[0] : f32 from vector<1xf32>
        %mul3A_132 = arith.constant 16 : i32
        %mul3A_133 = arith.muli %scan3A_34, %mul3A_132 : i32
        %add3A_134 = arith.constant 1 : i32
        %add3A_135 = arith.addi %mul3A_133, %add3A_134 : i32
        %get3A_136 = arith.index_cast %add3A_135 : i32 to index
        %get3A_137 = arith.constant 0 : index
        %get3A_138 = tpu.vector_load %arg12[%get3A_136, %get3A_137] {strides = array<i32>} : memref<320x128xf32, #tpu.memory_space<vmem>>, vector<1x16xf32>,
        %get3A_139 = vector.shape_cast %get3A_138 : vector<1x16xf32> to vector<16xf32>
        %mul3A_140 = vector.broadcast %squeeze3A_131 : f32 to vector<16xf32>
        %mul3A_141 = arith.mulf %get3A_139, %mul3A_140 : vector<16xf32>
        %swap3A_142 = arith.index_cast %add3A_135 : i32 to index
        %swap3A_143 = arith.constant 0 : index
        %swap3A_144 = tpu.vector_load %arg12[%swap3A_142, %swap3A_143] {strides = array<i32>} : memref<320x128xf32, #tpu.memory_space<vmem>>, vector<1x16xf32>,
        %swap3A_145 = vector.shape_cast %swap3A_144 : vector<1x16xf32> to vector<16xf32>
        %swap3A_146 = vector.shape_cast %mul3A_141 : vector<16xf32> to vector<1x16xf32>
        tpu.vector_store %arg12[%swap3A_142, %swap3A_143], %swap3A_146 {strides = array<i32>} : memref<320x128xf32, #tpu.memory_space<vmem>>, vector<1x16xf32>,
        %get3A_147 = arith.index_cast %add3A_135 : i32 to index
        %get3A_148 = arith.constant 16 : index
        %get3A_149 = tpu.vector_load %arg12[%get3A_147, %get3A_148] {strides = array<i32>} : memref<320x128xf32, #tpu.memory_space<vmem>>, vector<1x16xf32>,
        %get3A_150 = vector.shape_cast %get3A_149 : vector<1x16xf32> to vector<16xf32>
        %mul3A_151 = vector.broadcast %squeeze3A_131 : f32 to vector<16xf32>
        %mul3A_152 = arith.mulf %get3A_150, %mul3A_151 : vector<16xf32>
        %swap3A_153 = arith.index_cast %add3A_135 : i32 to index
        %swap3A_154 = arith.constant 16 : index
        %swap3A_155 = tpu.vector_load %arg12[%swap3A_153, %swap3A_154] {strides = array<i32>} : memref<320x128xf32, #tpu.memory_space<vmem>>, vector<1x16xf32>,
        %swap3A_156 = vector.shape_cast %swap3A_155 : vector<1x16xf32> to vector<16xf32>
        %swap3A_157 = vector.shape_cast %mul3A_152 : vector<16xf32> to vector<1x16xf32>
        tpu.vector_store %arg12[%swap3A_153, %swap3A_154], %swap3A_157 {strides = array<i32>} : memref<320x128xf32, #tpu.memory_space<vmem>>, vector<1x16xf32>,
        %get3A_158 = arith.index_cast %add3A_135 : i32 to index
        %get3A_159 = arith.constant 32 : index
        %get3A_160 = tpu.vector_load %arg12[%get3A_158, %get3A_159] {strides = array<i32>} : memref<320x128xf32, #tpu.memory_space<vmem>>, vector<1x16xf32>,
        %get3A_161 = vector.shape_cast %get3A_160 : vector<1x16xf32> to vector<16xf32>
        %mul3A_162 = vector.broadcast %squeeze3A_131 : f32 to vector<16xf32>
        %mul3A_163 = arith.mulf %get3A_161, %mul3A_162 : vector<16xf32>
        %swap3A_164 = arith.index_cast %add3A_135 : i32 to index
        %swap3A_165 = arith.constant 32 : index
        %swap3A_166 = tpu.vector_load %arg12[%swap3A_164, %swap3A_165] {strides = array<i32>} : memref<320x128xf32, #tpu.memory_space<vmem>>, vector<1x16xf32>,
        %swap3A_167 = vector.shape_cast %swap3A_166 : vector<1x16xf32> to vector<16xf32>
        %swap3A_168 = vector.shape_cast %mul3A_163 : vector<16xf32> to vector<1x16xf32>
        tpu.vector_store %arg12[%swap3A_164, %swap3A_165], %swap3A_168 {strides = array<i32>} : memref<320x128xf32, #tpu.memory_space<vmem>>, vector<1x16xf32>,
        %get3A_169 = arith.index_cast %add3A_135 : i32 to index
        %get3A_170 = arith.constant 48 : index
        %get3A_171 = tpu.vector_load %arg12[%get3A_169, %get3A_170] {strides = array<i32>} : memref<320x128xf32, #tpu.memory_space<vmem>>, vector<1x16xf32>,
        %get3A_172 = vector.shape_cast %get3A_171 : vector<1x16xf32> to vector<16xf32>
        %mul3A_173 = vector.broadcast %squeeze3A_131 : f32 to vector<16xf32>
        %mul3A_174 = arith.mulf %get3A_172, %mul3A_173 : vector<16xf32>
        %swap3A_175 = arith.index_cast %add3A_135 : i32 to index
        %swap3A_176 = arith.constant 48 : index
        %swap3A_177 = tpu.vector_load %arg12[%swap3A_175, %swap3A_176] {strides = array<i32>} : memref<320x128xf32, #tpu.memory_space<vmem>>, vector<1x16xf32>,
        %swap3A_178 = vector.shape_cast %swap3A_177 : vector<1x16xf32> to vector<16xf32>
        %swap3A_179 = vector.shape_cast %mul3A_174 : vector<16xf32> to vector<1x16xf32>
        tpu.vector_store %arg12[%swap3A_175, %swap3A_176], %swap3A_179 {strides = array<i32>} : memref<320x128xf32, #tpu.memory_space<vmem>>, vector<1x16xf32>,
        %get3A_180 = arith.index_cast %add3A_135 : i32 to index
        %get3A_181 = arith.constant 64 : index
        %get3A_182 = tpu.vector_load %arg12[%get3A_180, %get3A_181] {strides = array<i32>} : memref<320x128xf32, #tpu.memory_space<vmem>>, vector<1x16xf32>,
        %get3A_183 = vector.shape_cast %get3A_182 : vector<1x16xf32> to vector<16xf32>
        %mul3A_184 = vector.broadcast %squeeze3A_131 : f32 to vector<16xf32>
        %mul3A_185 = arith.mulf %get3A_183, %mul3A_184 : vector<16xf32>
        %swap3A_186 = arith.index_cast %add3A_135 : i32 to index
        %swap3A_187 = arith.constant 64 : index
        %swap3A_188 = tpu.vector_load %arg12[%swap3A_186, %swap3A_187] {strides = array<i32>} : memref<320x128xf32, #tpu.memory_space<vmem>>, vector<1x16xf32>,
        %swap3A_189 = vector.shape_cast %swap3A_188 : vector<1x16xf32> to vector<16xf32>
        %swap3A_190 = vector.shape_cast %mul3A_185 : vector<16xf32> to vector<1x16xf32>
        tpu.vector_store %arg12[%swap3A_186, %swap3A_187], %swap3A_190 {strides = array<i32>} : memref<320x128xf32, #tpu.memory_space<vmem>>, vector<1x16xf32>,
        %get3A_191 = arith.index_cast %add3A_135 : i32 to index
        %get3A_192 = arith.constant 80 : index
        %get3A_193 = tpu.vector_load %arg12[%get3A_191, %get3A_192] {strides = array<i32>} : memref<320x128xf32, #tpu.memory_space<vmem>>, vector<1x16xf32>,
        %get3A_194 = vector.shape_cast %get3A_193 : vector<1x16xf32> to vector<16xf32>
        %mul3A_195 = vector.broadcast %squeeze3A_131 : f32 to vector<16xf32>
        %mul3A_196 = arith.mulf %get3A_194, %mul3A_195 : vector<16xf32>
        %swap3A_197 = arith.index_cast %add3A_135 : i32 to index
        %swap3A_198 = arith.constant 80 : index
        %swap3A_199 = tpu.vector_load %arg12[%swap3A_197, %swap3A_198] {strides = array<i32>} : memref<320x128xf32, #tpu.memory_space<vmem>>, vector<1x16xf32>,
        %swap3A_200 = vector.shape_cast %swap3A_199 : vector<1x16xf32> to vector<16xf32>
        %swap3A_201 = vector.shape_cast %mul3A_196 : vector<16xf32> to vector<1x16xf32>
        tpu.vector_store %arg12[%swap3A_197, %swap3A_198], %swap3A_201 {strides = array<i32>} : memref<320x128xf32, #tpu.memory_space<vmem>>, vector<1x16xf32>,
        %get3A_202 = arith.index_cast %add3A_135 : i32 to index
        %get3A_203 = arith.constant 96 : index
        %get3A_204 = tpu.vector_load %arg12[%get3A_202, %get3A_203] {strides = array<i32>} : memref<320x128xf32, #tpu.memory_space<vmem>>, vector<1x16xf32>,
        %get3A_205 = vector.shape_cast %get3A_204 : vector<1x16xf32> to vector<16xf32>
        %mul3A_206 = vector.broadcast %squeeze3A_131 : f32 to vector<16xf32>
        %mul3A_207 = arith.mulf %get3A_205, %mul3A_206 : vector<16xf32>
        %swap3A_208 = arith.index_cast %add3A_135 : i32 to index
        %swap3A_209 = arith.constant 96 : index
        %swap3A_210 = tpu.vector_load %arg12[%swap3A_208, %swap3A_209] {strides = array<i32>} : memref<320x128xf32, #tpu.memory_space<vmem>>, vector<1x16xf32>,
        %swap3A_211 = vector.shape_cast %swap3A_210 : vector<1x16xf32> to vector<16xf32>
        %swap3A_212 = vector.shape_cast %mul3A_207 : vector<16xf32> to vector<1x16xf32>
        tpu.vector_store %arg12[%swap3A_208, %swap3A_209], %swap3A_212 {strides = array<i32>} : memref<320x128xf32, #tpu.memory_space<vmem>>, vector<1x16xf32>,
        %get3A_213 = arith.index_cast %add3A_135 : i32 to index
        %get3A_214 = arith.constant 112 : index
        %get3A_215 = tpu.vector_load %arg12[%get3A_213, %get3A_214] {strides = array<i32>} : memref<320x128xf32, #tpu.memory_space<vmem>>, vector<1x16xf32>,
        %get3A_216 = vector.shape_cast %get3A_215 : vector<1x16xf32> to vector<16xf32>
        %mul3A_217 = vector.broadcast %squeeze3A_131 : f32 to vector<16xf32>
        %mul3A_218 = arith.mulf %get3A_216, %mul3A_217 : vector<16xf32>
        %swap3A_219 = arith.index_cast %add3A_135 : i32 to index
        %swap3A_220 = arith.constant 112 : index
        %swap3A_221 = tpu.vector_load %arg12[%swap3A_219, %swap3A_220] {strides = array<i32>} : memref<320x128xf32, #tpu.memory_space<vmem>>, vector<1x16xf32>,
        %swap3A_222 = vector.shape_cast %swap3A_221 : vector<1x16xf32> to vector<16xf32>
        %swap3A_223 = vector.shape_cast %mul3A_218 : vector<16xf32> to vector<1x16xf32>
        tpu.vector_store %arg12[%swap3A_219, %swap3A_220], %swap3A_223 {strides = array<i32>} : memref<320x128xf32, #tpu.memory_space<vmem>>, vector<1x16xf32>,
        %slice3A_224 = vector.extract_strided_slice %get3A_38 {offsets = [2], sizes = [1], strides = [1]} : vector<16xf32> to vector<1xf32>
        %squeeze3A_225 = vector.extract %slice3A_224[0] : f32 from vector<1xf32>
        %mul3A_226 = arith.constant 16 : i32
        %mul3A_227 = arith.muli %scan3A_34, %mul3A_226 : i32
        %add3A_228 = arith.constant 2 : i32
        %add3A_229 = arith.addi %mul3A_227, %add3A_228 : i32
        %get3A_230 = arith.index_cast %add3A_229 : i32 to index
        %get3A_231 = arith.constant 0 : index
        %get3A_232 = tpu.vector_load %arg12[%get3A_230, %get3A_231] {strides = array<i32>} : memref<320x128xf32, #tpu.memory_space<vmem>>, vector<1x16xf32>,
        %get3A_233 = vector.shape_cast %get3A_232 : vector<1x16xf32> to vector<16xf32>
        %mul3A_234 = vector.broadcast %squeeze3A_225 : f32 to vector<16xf32>
        %mul3A_235 = arith.mulf %get3A_233, %mul3A_234 : vector<16xf32>
        %swap3A_236 = arith.index_cast %add3A_229 : i32 to index
        %swap3A_237 = arith.constant 0 : index
        %swap3A_238 = tpu.vector_load %arg12[%swap3A_236, %swap3A_237] {strides = array<i32>} : memref<320x128xf32, #tpu.memory_space<vmem>>, vector<1x16xf32>,
        %swap3A_239 = vector.shape_cast %swap3A_238 : vector<1x16xf32> to vector<16xf32>
        %swap3A_240 = vector.shape_cast %mul3A_235 : vector<16xf32> to vector<1x16xf32>
        tpu.vector_store %arg12[%swap3A_236, %swap3A_237], %swap3A_240 {strides = array<i32>} : memref<320x128xf32, #tpu.memory_space<vmem>>, vector<1x16xf32>,
        %get3A_241 = arith.index_cast %add3A_229 : i32 to index
        %get3A_242 = arith.constant 16 : index
        %get3A_243 = tpu.vector_load %arg12[%get3A_241, %get3A_242] {strides = array<i32>} : memref<320x128xf32, #tpu.memory_space<vmem>>, vector<1x16xf32>,
        %get3A_244 = vector.shape_cast %get3A_243 : vector<1x16xf32> to vector<16xf32>
        %mul3A_245 = vector.broadcast %squeeze3A_225 : f32 to vector<16xf32>
        %mul3A_246 = arith.mulf %get3A_244, %mul3A_245 : vector<16xf32>
        %swap3A_247 = arith.index_cast %add3A_229 : i32 to index
        %swap3A_248 = arith.constant 16 : index
        %swap3A_249 = tpu.vector_load %arg12[%swap3A_247, %swap3A_248] {strides = array<i32>} : memref<320x128xf32, #tpu.memory_space<vmem>>, vector<1x16xf32>,
        %swap3A_250 = vector.shape_cast %swap3A_249 : vector<1x16xf32> to vector<16xf32>
        %swap3A_251 = vector.shape_cast %mul3A_246 : vector<16xf32> to vector<1x16xf32>
        tpu.vector_store %arg12[%swap3A_247, %swap3A_248], %swap3A_251 {strides = array<i32>} : memref<320x128xf32, #tpu.memory_space<vmem>>, vector<1x16xf32>,
        %get3A_252 = arith.index_cast %add3A_229 : i32 to index
        %get3A_253 = arith.constant 32 : index
        %get3A_254 = tpu.vector_load %arg12[%get3A_252, %get3A_253] {strides = array<i32>} : memref<320x128xf32, #tpu.memory_space<vmem>>, vector<1x16xf32>,
        %get3A_255 = vector.shape_cast %get3A_254 : vector<1x16xf32> to vector<16xf32>
        %mul3A_256 = vector.broadcast %squeeze3A_225 : f32 to vector<16xf32>
        %mul3A_257 = arith.mulf %get3A_255, %mul3A_256 : vector<16xf32>
        %swap3A_258 = arith.index_cast %add3A_229 : i32 to index
        %swap3A_259 = arith.constant 32 : index
        %swap3A_260 = tpu.vector_load %arg12[%swap3A_258, %swap3A_259] {strides = array<i32>} : memref<320x128xf32, #tpu.memory_space<vmem>>, vector<1x16xf32>,
        %swap3A_261 = vector.shape_cast %swap3A_260 : vector<1x16xf32> to vector<16xf32>
        %swap3A_262 = vector.shape_cast %mul3A_257 : vector<16xf32> to vector<1x16xf32>
        tpu.vector_store %arg12[%swap3A_258, %swap3A_259], %swap3A_262 {strides = array<i32>} : memref<320x128xf32, #tpu.memory_space<vmem>>, vector<1x16xf32>,
        %get3A_263 = arith.index_cast %add3A_229 : i32 to index
        %get3A_264 = arith.constant 48 : index
        %get3A_265 = tpu.vector_load %arg12[%get3A_263, %get3A_264] {strides = array<i32>} : memref<320x128xf32, #tpu.memory_space<vmem>>, vector<1x16xf32>,
        %get3A_266 = vector.shape_cast %get3A_265 : vector<1x16xf32> to vector<16xf32>
        %mul3A_267 = vector.broadcast %squeeze3A_225 : f32 to vector<16xf32>
        %mul3A_268 = arith.mulf %get3A_266, %mul3A_267 : vector<16xf32>
        %swap3A_269 = arith.index_cast %add3A_229 : i32 to index
        %swap3A_270 = arith.constant 48 : index
        %swap3A_271 = tpu.vector_load %arg12[%swap3A_269, %swap3A_270] {strides = array<i32>} : memref<320x128xf32, #tpu.memory_space<vmem>>, vector<1x16xf32>,
        %swap3A_272 = vector.shape_cast %swap3A_271 : vector<1x16xf32> to vector<16xf32>
        %swap3A_273 = vector.shape_cast %mul3A_268 : vector<16xf32> to vector<1x16xf32>
        tpu.vector_store %arg12[%swap3A_269, %swap3A_270], %swap3A_273 {strides = array<i32>} : memref<320x128xf32, #tpu.memory_space<vmem>>, vector<1x16xf32>,
        %get3A_274 = arith.index_cast %add3A_229 : i32 to index
        %get3A_275 = arith.constant 64 : index
        %get3A_276 = tpu.vector_load %arg12[%get3A_274, %get3A_275] {strides = array<i32>} : memref<320x128xf32, #tpu.memory_space<vmem>>, vector<1x16xf32>,
        %get3A_277 = vector.shape_cast %get3A_276 : vector<1x16xf32> to vector<16xf32>
        %mul3A_278 = vector.broadcast %squeeze3A_225 : f32 to vector<16xf32>
        %mul3A_279 = arith.mulf %get3A_277, %mul3A_278 : vector<16xf32>
        %swap3A_280 = arith.index_cast %add3A_229 : i32 to index
        %swap3A_281 = arith.constant 64 : index
        %swap3A_282 = tpu.vector_load %arg12[%swap3A_280, %swap3A_281] {strides = array<i32>} : memref<320x128xf32, #tpu.memory_space<vmem>>, vector<1x16xf32>,
        %swap3A_283 = vector.shape_cast %swap3A_282 : vector<1x16xf32> to vector<16xf32>
        %swap3A_284 = vector.shape_cast %mul3A_279 : vector<16xf32> to vector<1x16xf32>
        tpu.vector_store %arg12[%swap3A_280, %swap3A_281], %swap3A_284 {strides = array<i32>} : memref<320x128xf32, #tpu.memory_space<vmem>>, vector<1x16xf32>,
        %get3A_285 = arith.index_cast %add3A_229 : i32 to index
        %get3A_286 = arith.constant 80 : index
        %get3A_287 = tpu.vector_load %arg12[%get3A_285, %get3A_286] {strides = array<i32>} : memref<320x128xf32, #tpu.memory_space<vmem>>, vector<1x16xf32>,
        %get3A_288 = vector.shape_cast %get3A_287 : vector<1x16xf32> to vector<16xf32>
        %mul3A_289 = vector.broadcast %squeeze3A_225 : f32 to vector<16xf32>
        %mul3A_290 = arith.mulf %get3A_288, %mul3A_289 : vector<16xf32>
        %swap3A_291 = arith.index_cast %add3A_229 : i32 to index
        %swap3A_292 = arith.constant 80 : index
        %swap3A_293 = tpu.vector_load %arg12[%swap3A_291, %swap3A_292] {strides = array<i32>} : memref<320x128xf32, #tpu.memory_space<vmem>>, vector<1x16xf32>,
        %swap3A_294 = vector.shape_cast %swap3A_293 : vector<1x16xf32> to vector<16xf32>
        %swap3A_295 = vector.shape_cast %mul3A_290 : vector<16xf32> to vector<1x16xf32>
        tpu.vector_store %arg12[%swap3A_291, %swap3A_292], %swap3A_295 {strides = array<i32>} : memref<320x128xf32, #tpu.memory_space<vmem>>, vector<1x16xf32>,
        %get3A_296 = arith.index_cast %add3A_229 : i32 to index
        %get3A_297 = arith.constant 96 : index
        %get3A_298 = tpu.vector_load %arg12[%get3A_296, %get3A_297] {strides = array<i32>} : memref<320x128xf32, #tpu.memory_space<vmem>>, vector<1x16xf32>,
        %get3A_299 = vector.shape_cast %get3A_298 : vector<1x16xf32> to vector<16xf32>
        %mul3A_300 = vector.broadcast %squeeze3A_225 : f32 to vector<16xf32>
        %mul3A_301 = arith.mulf %get3A_299, %mul3A_300 : vector<16xf32>
        %swap3A_302 = arith.index_cast %add3A_229 : i32 to index
        %swap3A_303 = arith.constant 96 : index
        %swap3A_304 = tpu.vector_load %arg12[%swap3A_302, %swap3A_303] {strides = array<i32>} : memref<320x128xf32, #tpu.memory_space<vmem>>, vector<1x16xf32>,
        %swap3A_305 = vector.shape_cast %swap3A_304 : vector<1x16xf32> to vector<16xf32>
        %swap3A_306 = vector.shape_cast %mul3A_301 : vector<16xf32> to vector<1x16xf32>
        tpu.vector_store %arg12[%swap3A_302, %swap3A_303], %swap3A_306 {strides = array<i32>} : memref<320x128xf32, #tpu.memory_space<vmem>>, vector<1x16xf32>,
        %get3A_307 = arith.index_cast %add3A_229 : i32 to index
        %get3A_308 = arith.constant 112 : index
        %get3A_309 = tpu.vector_load %arg12[%get3A_307, %get3A_308] {strides = array<i32>} : memref<320x128xf32, #tpu.memory_space<vmem>>, vector<1x16xf32>,
        %get3A_310 = vector.shape_cast %get3A_309 : vector<1x16xf32> to vector<16xf32>
        %mul3A_311 = vector.broadcast %squeeze3A_225 : f32 to vector<16xf32>
        %mul3A_312 = arith.mulf %get3A_310, %mul3A_311 : vector<16xf32>
        %swap3A_313 = arith.index_cast %add3A_229 : i32 to index
        %swap3A_314 = arith.constant 112 : index
        %swap3A_315 = tpu.vector_load %arg12[%swap3A_313, %swap3A_314] {strides = array<i32>} : memref<320x128xf32, #tpu.memory_space<vmem>>, vector<1x16xf32>,
        %swap3A_316 = vector.shape_cast %swap3A_315 : vector<1x16xf32> to vector<16xf32>
        %swap3A_317 = vector.shape_cast %mul3A_312 : vector<16xf32> to vector<1x16xf32>
        tpu.vector_store %arg12[%swap3A_313, %swap3A_314], %swap3A_317 {strides = array<i32>} : memref<320x128xf32, #tpu.memory_space<vmem>>, vector<1x16xf32>,
        %slice3A_318 = vector.extract_strided_slice %get3A_38 {offsets = [3], sizes = [1], strides = [1]} : vector<16xf32> to vector<1xf32>
        %squeeze3A_319 = vector.extract %slice3A_318[0] : f32 from vector<1xf32>
        %mul3A_320 = arith.constant 16 : i32
        %mul3A_321 = arith.muli %scan3A_34, %mul3A_320 : i32
        %add3A_322 = arith.constant 3 : i32
        %add3A_323 = arith.addi %mul3A_321, %add3A_322 : i32
        %get3A_324 = arith.index_cast %add3A_323 : i32 to index
        %get3A_325 = arith.constant 0 : index
        %get3A_326 = tpu.vector_load %arg12[%get3A_324, %get3A_325] {strides = array<i32>} : memref<320x128xf32, #tpu.memory_space<vmem>>, vector<1x16xf32>,
        %get3A_327 = vector.shape_cast %get3A_326 : vector<1x16xf32> to vector<16xf32>
        %mul3A_328 = vector.broadcast %squeeze3A_319 : f32 to vector<16xf32>
        %mul3A_329 = arith.mulf %get3A_327, %mul3A_328 : vector<16xf32>
        %swap3A_330 = arith.index_cast %add3A_323 : i32 to index
        %swap3A_331 = arith.constant 0 : index
        %swap3A_332 = tpu.vector_load %arg12[%swap3A_330, %swap3A_331] {strides = array<i32>} : memref<320x128xf32, #tpu.memory_space<vmem>>, vector<1x16xf32>,
        %swap3A_333 = vector.shape_cast %swap3A_332 : vector<1x16xf32> to vector<16xf32>
        %swap3A_334 = vector.shape_cast %mul3A_329 : vector<16xf32> to vector<1x16xf32>
        tpu.vector_store %arg12[%swap3A_330, %swap3A_331], %swap3A_334 {strides = array<i32>} : memref<320x128xf32, #tpu.memory_space<vmem>>, vector<1x16xf32>,
        %get3A_335 = arith.index_cast %add3A_323 : i32 to index
        %get3A_336 = arith.constant 16 : index
        %get3A_337 = tpu.vector_load %arg12[%get3A_335, %get3A_336] {strides = array<i32>} : memref<320x128xf32, #tpu.memory_space<vmem>>, vector<1x16xf32>,
        %get3A_338 = vector.shape_cast %get3A_337 : vector<1x16xf32> to vector<16xf32>
        %mul3A_339 = vector.broadcast %squeeze3A_319 : f32 to vector<16xf32>
        %mul3A_340 = arith.mulf %get3A_338, %mul3A_339 : vector<16xf32>
        %swap3A_341 = arith.index_cast %add3A_323 : i32 to index
        %swap3A_342 = arith.constant 16 : index
        %swap3A_343 = tpu.vector_load %arg12[%swap3A_341, %swap3A_342] {strides = array<i32>} : memref<320x128xf32, #tpu.memory_space<vmem>>, vector<1x16xf32>,
        %swap3A_344 = vector.shape_cast %swap3A_343 : vector<1x16xf32> to vector<16xf32>
        %swap3A_345 = vector.shape_cast %mul3A_340 : vector<16xf32> to vector<1x16xf32>
        tpu.vector_store %arg12[%swap3A_341, %swap3A_342], %swap3A_345 {strides = array<i32>} : memref<320x128xf32, #tpu.memory_space<vmem>>, vector<1x16xf32>,
        %get3A_346 = arith.index_cast %add3A_323 : i32 to index
        %get3A_347 = arith.constant 32 : index
        %get3A_348 = tpu.vector_load %arg12[%get3A_346, %get3A_347] {strides = array<i32>} : memref<320x128xf32, #tpu.memory_space<vmem>>, vector<1x16xf32>,
        %get3A_349 = vector.shape_cast %get3A_348 : vector<1x16xf32> to vector<16xf32>
        %mul3A_350 = vector.broadcast %squeeze3A_319 : f32 to vector<16xf32>
        %mul3A_351 = arith.mulf %get3A_349, %mul3A_350 : vector<16xf32>
        %swap3A_352 = arith.index_cast %add3A_323 : i32 to index
        %swap3A_353 = arith.constant 32 : index
        %swap3A_354 = tpu.vector_load %arg12[%swap3A_352, %swap3A_353] {strides = array<i32>} : memref<320x128xf32, #tpu.memory_space<vmem>>, vector<1x16xf32>,
        %swap3A_355 = vector.shape_cast %swap3A_354 : vector<1x16xf32> to vector<16xf32>
        %swap3A_356 = vector.shape_cast %mul3A_351 : vector<16xf32> to vector<1x16xf32>
        tpu.vector_store %arg12[%swap3A_352, %swap3A_353], %swap3A_356 {strides = array<i32>} : memref<320x128xf32, #tpu.memory_space<vmem>>, vector<1x16xf32>,
        %get3A_357 = arith.index_cast %add3A_323 : i32 to index
        %get3A_358 = arith.constant 48 : index
        %get3A_359 = tpu.vector_load %arg12[%get3A_357, %get3A_358] {strides = array<i32>} : memref<320x128xf32, #tpu.memory_space<vmem>>, vector<1x16xf32>,
        %get3A_360 = vector.shape_cast %get3A_359 : vector<1x16xf32> to vector<16xf32>
        %mul3A_361 = vector.broadcast %squeeze3A_319 : f32 to vector<16xf32>
        %mul3A_362 = arith.mulf %get3A_360, %mul3A_361 : vector<16xf32>
        %swap3A_363 = arith.index_cast %add3A_323 : i32 to index
        %swap3A_364 = arith.constant 48 : index
        %swap3A_365 = tpu.vector_load %arg12[%swap3A_363, %swap3A_364] {strides = array<i32>} : memref<320x128xf32, #tpu.memory_space<vmem>>, vector<1x16xf32>,
        %swap3A_366 = vector.shape_cast %swap3A_365 : vector<1x16xf32> to vector<16xf32>
        %swap3A_367 = vector.shape_cast %mul3A_362 : vector<16xf32> to vector<1x16xf32>
        tpu.vector_store %arg12[%swap3A_363, %swap3A_364], %swap3A_367 {strides = array<i32>} : memref<320x128xf32, #tpu.memory_space<vmem>>, vector<1x16xf32>,
        %get3A_368 = arith.index_cast %add3A_323 : i32 to index
        %get3A_369 = arith.constant 64 : index
        %get3A_370 = tpu.vector_load %arg12[%get3A_368, %get3A_369] {strides = array<i32>} : memref<320x128xf32, #tpu.memory_space<vmem>>, vector<1x16xf32>,
        %get3A_371 = vector.shape_cast %get3A_370 : vector<1x16xf32> to vector<16xf32>
        %mul3A_372 = vector.broadcast %squeeze3A_319 : f32 to vector<16xf32>
        %mul3A_373 = arith.mulf %get3A_371, %mul3A_372 : vector<16xf32>
        %swap3A_374 = arith.index_cast %add3A_323 : i32 to index
        %swap3A_375 = arith.constant 64 : index
        %swap3A_376 = tpu.vector_load %arg12[%swap3A_374, %swap3A_375] {strides = array<i32>} : memref<320x128xf32, #tpu.memory_space<vmem>>, vector<1x16xf32>,
        %swap3A_377 = vector.shape_cast %swap3A_376 : vector<1x16xf32> to vector<16xf32>
        %swap3A_378 = vector.shape_cast %mul3A_373 : vector<16xf32> to vector<1x16xf32>
        tpu.vector_store %arg12[%swap3A_374, %swap3A_375], %swap3A_378 {strides = array<i32>} : memref<320x128xf32, #tpu.memory_space<vmem>>, vector<1x16xf32>,
        %get3A_379 = arith.index_cast %add3A_323 : i32 to index
        %get3A_380 = arith.constant 80 : index
        %get3A_381 = tpu.vector_load %arg12[%get3A_379, %get3A_380] {strides = array<i32>} : memref<320x128xf32, #tpu.memory_space<vmem>>, vector<1x16xf32>,
        %get3A_382 = vector.shape_cast %get3A_381 : vector<1x16xf32> to vector<16xf32>
        %mul3A_383 = vector.broadcast %squeeze3A_319 : f32 to vector<16xf32>
        %mul3A_384 = arith.mulf %get3A_382, %mul3A_383 : vector<16xf32>
        %swap3A_385 = arith.index_cast %add3A_323 : i32 to index
        %swap3A_386 = arith.constant 80 : index
        %swap3A_387 = tpu.vector_load %arg12[%swap3A_385, %swap3A_386] {strides = array<i32>} : memref<320x128xf32, #tpu.memory_space<vmem>>, vector<1x16xf32>,
        %swap3A_388 = vector.shape_cast %swap3A_387 : vector<1x16xf32> to vector<16xf32>
        %swap3A_389 = vector.shape_cast %mul3A_384 : vector<16xf32> to vector<1x16xf32>
        tpu.vector_store %arg12[%swap3A_385, %swap3A_386], %swap3A_389 {strides = array<i32>} : memref<320x128xf32, #tpu.memory_space<vmem>>, vector<1x16xf32>,
        %get3A_390 = arith.index_cast %add3A_323 : i32 to index
        %get3A_391 = arith.constant 96 : index
        %get3A_392 = tpu.vector_load %arg12[%get3A_390, %get3A_391] {strides = array<i32>} : memref<320x128xf32, #tpu.memory_space<vmem>>, vector<1x16xf32>,
        %get3A_393 = vector.shape_cast %get3A_392 : vector<1x16xf32> to vector<16xf32>
        %mul3A_394 = vector.broadcast %squeeze3A_319 : f32 to vector<16xf32>
        %mul3A_395 = arith.mulf %get3A_393, %mul3A_394 : vector<16xf32>
        %swap3A_396 = arith.index_cast %add3A_323 : i32 to index
        %swap3A_397 = arith.constant 96 : index
        %swap3A_398 = tpu.vector_load %arg12[%swap3A_396, %swap3A_397] {strides = array<i32>} : memref<320x128xf32, #tpu.memory_space<vmem>>, vector<1x16xf32>,
        %swap3A_399 = vector.shape_cast %swap3A_398 : vector<1x16xf32> to vector<16xf32>
        %swap3A_400 = vector.shape_cast %mul3A_395 : vector<16xf32> to vector<1x16xf32>
        tpu.vector_store %arg12[%swap3A_396, %swap3A_397], %swap3A_400 {strides = array<i32>} : memref<320x128xf32, #tpu.memory_space<vmem>>, vector<1x16xf32>,
        %get3A_401 = arith.index_cast %add3A_323 : i32 to index
        %get3A_402 = arith.constant 112 : index
        %get3A_403 = tpu.vector_load %arg12[%get3A_401, %get3A_402] {strides = array<i32>} : memref<320x128xf32, #tpu.memory_space<vmem>>, vector<1x16xf32>,
        %get3A_404 = vector.shape_cast %get3A_403 : vector<1x16xf32> to vector<16xf32>
        %mul3A_405 = vector.broadcast %squeeze3A_319 : f32 to vector<16xf32>
        %mul3A_406 = arith.mulf %get3A_404, %mul3A_405 : vector<16xf32>
        %swap3A_407 = arith.index_cast %add3A_323 : i32 to index
        %swap3A_408 = arith.constant 112 : index
        %swap3A_409 = tpu.vector_load %arg12[%swap3A_407, %swap3A_408] {strides = array<i32>} : memref<320x128xf32, #tpu.memory_space<vmem>>, vector<1x16xf32>,
        %swap3A_410 = vector.shape_cast %swap3A_409 : vector<1x16xf32> to vector<16xf32>
        %swap3A_411 = vector.shape_cast %mul3A_406 : vector<16xf32> to vector<1x16xf32>
        tpu.vector_store %arg12[%swap3A_407, %swap3A_408], %swap3A_411 {strides = array<i32>} : memref<320x128xf32, #tpu.memory_space<vmem>>, vector<1x16xf32>,
        %slice3A_412 = vector.extract_strided_slice %get3A_38 {offsets = [4], sizes = [1], strides = [1]} : vector<16xf32> to vector<1xf32>
        %squeeze3A_413 = vector.extract %slice3A_412[0] : f32 from vector<1xf32>
        %mul3A_414 = arith.constant 16 : i32
        %mul3A_415 = arith.muli %scan3A_34, %mul3A_414 : i32
        %add3A_416 = arith.constant 4 : i32
        %add3A_417 = arith.addi %mul3A_415, %add3A_416 : i32
        %get3A_418 = arith.index_cast %add3A_417 : i32 to index
        %get3A_419 = arith.constant 0 : index
        %get3A_420 = tpu.vector_load %arg12[%get3A_418, %get3A_419] {strides = array<i32>} : memref<320x128xf32, #tpu.memory_space<vmem>>, vector<1x16xf32>,
        %get3A_421 = vector.shape_cast %get3A_420 : vector<1x16xf32> to vector<16xf32>
        %mul3A_422 = vector.broadcast %squeeze3A_413 : f32 to vector<16xf32>
        %mul3A_423 = arith.mulf %get3A_421, %mul3A_422 : vector<16xf32>
        %swap3A_424 = arith.index_cast %add3A_417 : i32 to index
        %swap3A_425 = arith.constant 0 : index
        %swap3A_426 = tpu.vector_load %arg12[%swap3A_424, %swap3A_425] {strides = array<i32>} : memref<320x128xf32, #tpu.memory_space<vmem>>, vector<1x16xf32>,
        %swap3A_427 = vector.shape_cast %swap3A_426 : vector<1x16xf32> to vector<16xf32>
        %swap3A_428 = vector.shape_cast %mul3A_423 : vector<16xf32> to vector<1x16xf32>
        tpu.vector_store %arg12[%swap3A_424, %swap3A_425], %swap3A_428 {strides = array<i32>} : memref<320x128xf32, #tpu.memory_space<vmem>>, vector<1x16xf32>,
        %get3A_429 = arith.index_cast %add3A_417 : i32 to index
        %get3A_430 = arith.constant 16 : index
        %get3A_431 = tpu.vector_load %arg12[%get3A_429, %get3A_430] {strides = array<i32>} : memref<320x128xf32, #tpu.memory_space<vmem>>, vector<1x16xf32>,
        %get3A_432 = vector.shape_cast %get3A_431 : vector<1x16xf32> to vector<16xf32>
        %mul3A_433 = vector.broadcast %squeeze3A_413 : f32 to vector<16xf32>
        %mul3A_434 = arith.mulf %get3A_432, %mul3A_433 : vector<16xf32>
        %swap3A_435 = arith.index_cast %add3A_417 : i32 to index
        %swap3A_436 = arith.constant 16 : index
        %swap3A_437 = tpu.vector_load %arg12[%swap3A_435, %swap3A_436] {strides = array<i32>} : memref<320x128xf32, #tpu.memory_space<vmem>>, vector<1x16xf32>,
        %swap3A_438 = vector.shape_cast %swap3A_437 : vector<1x16xf32> to vector<16xf32>
        %swap3A_439 = vector.shape_cast %mul3A_434 : vector<16xf32> to vector<1x16xf32>
        tpu.vector_store %arg12[%swap3A_435, %swap3A_436], %swap3A_439 {strides = array<i32>} : memref<320x128xf32, #tpu.memory_space<vmem>>, vector<1x16xf32>,
        %get3A_440 = arith.index_cast %add3A_417 : i32 to index
        %get3A_441 = arith.constant 32 : index
        %get3A_442 = tpu.vector_load %arg12[%get3A_440, %get3A_441] {strides = array<i32>} : memref<320x128xf32, #tpu.memory_space<vmem>>, vector<1x16xf32>,
        %get3A_443 = vector.shape_cast %get3A_442 : vector<1x16xf32> to vector<16xf32>
        %mul3A_444 = vector.broadcast %squeeze3A_413 : f32 to vector<16xf32>
        %mul3A_445 = arith.mulf %get3A_443, %mul3A_444 : vector<16xf32>
        %swap3A_446 = arith.index_cast %add3A_417 : i32 to index
        %swap3A_447 = arith.constant 32 : index
        %swap3A_448 = tpu.vector_load %arg12[%swap3A_446, %swap3A_447] {strides = array<i32>} : memref<320x128xf32, #tpu.memory_space<vmem>>, vector<1x16xf32>,
        %swap3A_449 = vector.shape_cast %swap3A_448 : vector<1x16xf32> to vector<16xf32>
        %swap3A_450 = vector.shape_cast %mul3A_445 : vector<16xf32> to vector<1x16xf32>
        tpu.vector_store %arg12[%swap3A_446, %swap3A_447], %swap3A_450 {strides = array<i32>} : memref<320x128xf32, #tpu.memory_space<vmem>>, vector<1x16xf32>,
        %get3A_451 = arith.index_cast %add3A_417 : i32 to index
        %get3A_452 = arith.constant 48 : index
        %get3A_453 = tpu.vector_load %arg12[%get3A_451, %get3A_452] {strides = array<i32>} : memref<320x128xf32, #tpu.memory_space<vmem>>, vector<1x16xf32>,
        %get3A_454 = vector.shape_cast %get3A_453 : vector<1x16xf32> to vector<16xf32>
        %mul3A_455 = vector.broadcast %squeeze3A_413 : f32 to vector<16xf32>
        %mul3A_456 = arith.mulf %get3A_454, %mul3A_455 : vector<16xf32>
        %swap3A_457 = arith.index_cast %add3A_417 : i32 to index
        %swap3A_458 = arith.constant 48 : index
        %swap3A_459 = tpu.vector_load %arg12[%swap3A_457, %swap3A_458] {strides = array<i32>} : memref<320x128xf32, #tpu.memory_space<vmem>>, vector<1x16xf32>,
        %swap3A_460 = vector.shape_cast %swap3A_459 : vector<1x16xf32> to vector<16xf32>
        %swap3A_461 = vector.shape_cast %mul3A_456 : vector<16xf32> to vector<1x16xf32>
        tpu.vector_store %arg12[%swap3A_457, %swap3A_458], %swap3A_461 {strides = array<i32>} : memref<320x128xf32, #tpu.memory_space<vmem>>, vector<1x16xf32>,
        %get3A_462 = arith.index_cast %add3A_417 : i32 to index
        %get3A_463 = arith.constant 64 : index
        %get3A_464 = tpu.vector_load %arg12[%get3A_462, %get3A_463] {strides = array<i32>} : memref<320x128xf32, #tpu.memory_space<vmem>>, vector<1x16xf32>,
        %get3A_465 = vector.shape_cast %get3A_464 : vector<1x16xf32> to vector<16xf32>
        %mul3A_466 = vector.broadcast %squeeze3A_413 : f32 to vector<16xf32>
        %mul3A_467 = arith.mulf %get3A_465, %mul3A_466 : vector<16xf32>
        %swap3A_468 = arith.index_cast %add3A_417 : i32 to index
        %swap3A_469 = arith.constant 64 : index
        %swap3A_470 = tpu.vector_load %arg12[%swap3A_468, %swap3A_469] {strides = array<i32>} : memref<320x128xf32, #tpu.memory_space<vmem>>, vector<1x16xf32>,
        %swap3A_471 = vector.shape_cast %swap3A_470 : vector<1x16xf32> to vector<16xf32>
        %swap3A_472 = vector.shape_cast %mul3A_467 : vector<16xf32> to vector<1x16xf32>
        tpu.vector_store %arg12[%swap3A_468, %swap3A_469], %swap3A_472 {strides = array<i32>} : memref<320x128xf32, #tpu.memory_space<vmem>>, vector<1x16xf32>,
        %get3A_473 = arith.index_cast %add3A_417 : i32 to index
        %get3A_474 = arith.constant 80 : index
        %get3A_475 = tpu.vector_load %arg12[%get3A_473, %get3A_474] {strides = array<i32>} : memref<320x128xf32, #tpu.memory_space<vmem>>, vector<1x16xf32>,
        %get3A_476 = vector.shape_cast %get3A_475 : vector<1x16xf32> to vector<16xf32>
        %mul3A_477 = vector.broadcast %squeeze3A_413 : f32 to vector<16xf32>
        %mul3A_478 = arith.mulf %get3A_476, %mul3A_477 : vector<16xf32>
        %swap3A_479 = arith.index_cast %add3A_417 : i32 to index
        %swap3A_480 = arith.constant 80 : index
        %swap3A_481 = tpu.vector_load %arg12[%swap3A_479, %swap3A_480] {strides = array<i32>} : memref<320x128xf32, #tpu.memory_space<vmem>>, vector<1x16xf32>,
        %swap3A_482 = vector.shape_cast %swap3A_481 : vector<1x16xf32> to vector<16xf32>
        %swap3A_483 = vector.shape_cast %mul3A_478 : vector<16xf32> to vector<1x16xf32>
        tpu.vector_store %arg12[%swap3A_479, %swap3A_480], %swap3A_483 {strides = array<i32>} : memref<320x128xf32, #tpu.memory_space<vmem>>, vector<1x16xf32>,
        %get3A_484 = arith.index_cast %add3A_417 : i32 to index
        %get3A_485 = arith.constant 96 : index
        %get3A_486 = tpu.vector_load %arg12[%get3A_484, %get3A_485] {strides = array<i32>} : memref<320x128xf32, #tpu.memory_space<vmem>>, vector<1x16xf32>,
        %get3A_487 = vector.shape_cast %get3A_486 : vector<1x16xf32> to vector<16xf32>
        %mul3A_488 = vector.broadcast %squeeze3A_413 : f32 to vector<16xf32>
        %mul3A_489 = arith.mulf %get3A_487, %mul3A_488 : vector<16xf32>
        %swap3A_490 = arith.index_cast %add3A_417 : i32 to index
        %swap3A_491 = arith.constant 96 : index
        %swap3A_492 = tpu.vector_load %arg12[%swap3A_490, %swap3A_491] {strides = array<i32>} : memref<320x128xf32, #tpu.memory_space<vmem>>, vector<1x16xf32>,
        %swap3A_493 = vector.shape_cast %swap3A_492 : vector<1x16xf32> to vector<16xf32>
        %swap3A_494 = vector.shape_cast %mul3A_489 : vector<16xf32> to vector<1x16xf32>
        tpu.vector_store %arg12[%swap3A_490, %swap3A_491], %swap3A_494 {strides = array<i32>} : memref<320x128xf32, #tpu.memory_space<vmem>>, vector<1x16xf32>,
        %get3A_495 = arith.index_cast %add3A_417 : i32 to index
        %get3A_496 = arith.constant 112 : index
        %get3A_497 = tpu.vector_load %arg12[%get3A_495, %get3A_496] {strides = array<i32>} : memref<320x128xf32, #tpu.memory_space<vmem>>, vector<1x16xf32>,
        %get3A_498 = vector.shape_cast %get3A_497 : vector<1x16xf32> to vector<16xf32>
        %mul3A_499 = vector.broadcast %squeeze3A_413 : f32 to vector<16xf32>
        %mul3A_500 = arith.mulf %get3A_498, %mul3A_499 : vector<16xf32>
        %swap3A_501 = arith.index_cast %add3A_417 : i32 to index
        %swap3A_502 = arith.constant 112 : index
        %swap3A_503 = tpu.vector_load %arg12[%swap3A_501, %swap3A_502] {strides = array<i32>} : memref<320x128xf32, #tpu.memory_space<vmem>>, vector<1x16xf32>,
        %swap3A_504 = vector.shape_cast %swap3A_503 : vector<1x16xf32> to vector<16xf32>
        %swap3A_505 = vector.shape_cast %mul3A_500 : vector<16xf32> to vector<1x16xf32>
        tpu.vector_store %arg12[%swap3A_501, %swap3A_502], %swap3A_505 {strides = array<i32>} : memref<320x128xf32, #tpu.memory_space<vmem>>, vector<1x16xf32>,
        %slice3A_506 = vector.extract_strided_slice %get3A_38 {offsets = [5], sizes = [1], strides = [1]} : vector<16xf32> to vector<1xf32>
        %squeeze3A_507 = vector.extract %slice3A_506[0] : f32 from vector<1xf32>
        %mul3A_508 = arith.constant 16 : i32
        %mul3A_509 = arith.muli %scan3A_34, %mul3A_508 : i32
        %add3A_510 = arith.constant 5 : i32
        %add3A_511 = arith.addi %mul3A_509, %add3A_510 : i32
        %get3A_512 = arith.index_cast %add3A_511 : i32 to index
        %get3A_513 = arith.constant 0 : index
        %get3A_514 = tpu.vector_load %arg12[%get3A_512, %get3A_513] {strides = array<i32>} : memref<320x128xf32, #tpu.memory_space<vmem>>, vector<1x16xf32>,
        %get3A_515 = vector.shape_cast %get3A_514 : vector<1x16xf32> to vector<16xf32>
        %mul3A_516 = vector.broadcast %squeeze3A_507 : f32 to vector<16xf32>
        %mul3A_517 = arith.mulf %get3A_515, %mul3A_516 : vector<16xf32>
        %swap3A_518 = arith.index_cast %add3A_511 : i32 to index
        %swap3A_519 = arith.constant 0 : index
        %swap3A_520 = tpu.vector_load %arg12[%swap3A_518, %swap3A_519] {strides = array<i32>} : memref<320x128xf32, #tpu.memory_space<vmem>>, vector<1x16xf32>,
        %swap3A_521 = vector.shape_cast %swap3A_520 : vector<1x16xf32> to vector<16xf32>
        %swap3A_522 = vector.shape_cast %mul3A_517 : vector<16xf32> to vector<1x16xf32>
        tpu.vector_store %arg12[%swap3A_518, %swap3A_519], %swap3A_522 {strides = array<i32>} : memref<320x128xf32, #tpu.memory_space<vmem>>, vector<1x16xf32>,
        %get3A_523 = arith.index_cast %add3A_511 : i32 to index
        %get3A_524 = arith.constant 16 : index
        %get3A_525 = tpu.vector_load %arg12[%get3A_523, %get3A_524] {strides = array<i32>} : memref<320x128xf32, #tpu.memory_space<vmem>>, vector<1x16xf32>,
        %get3A_526 = vector.shape_cast %get3A_525 : vector<1x16xf32> to vector<16xf32>
        %mul3A_527 = vector.broadcast %squeeze3A_507 : f32 to vector<16xf32>
        %mul3A_528 = arith.mulf %get3A_526, %mul3A_527 : vector<16xf32>
        %swap3A_529 = arith.index_cast %add3A_511 : i32 to index
        %swap3A_530 = arith.constant 16 : index
        %swap3A_531 = tpu.vector_load %arg12[%swap3A_529, %swap3A_530] {strides = array<i32>} : memref<320x128xf32, #tpu.memory_space<vmem>>, vector<1x16xf32>,
        %swap3A_532 = vector.shape_cast %swap3A_531 : vector<1x16xf32> to vector<16xf32>
        %swap3A_533 = vector.shape_cast %mul3A_528 : vector<16xf32> to vector<1x16xf32>
        tpu.vector_store %arg12[%swap3A_529, %swap3A_530], %swap3A_533 {strides = array<i32>} : memref<320x128xf32, #tpu.memory_space<vmem>>, vector<1x16xf32>,
        %get3A_534 = arith.index_cast %add3A_511 : i32 to index
        %get3A_535 = arith.constant 32 : index
        %get3A_536 = tpu.vector_load %arg12[%get3A_534, %get3A_535] {strides = array<i32>} : memref<320x128xf32, #tpu.memory_space<vmem>>, vector<1x16xf32>,
        %get3A_537 = vector.shape_cast %get3A_536 : vector<1x16xf32> to vector<16xf32>
        %mul3A_538 = vector.broadcast %squeeze3A_507 : f32 to vector<16xf32>
        %mul3A_539 = arith.mulf %get3A_537, %mul3A_538 : vector<16xf32>
        %swap3A_540 = arith.index_cast %add3A_511 : i32 to index
        %swap3A_541 = arith.constant 32 : index
        %swap3A_542 = tpu.vector_load %arg12[%swap3A_540, %swap3A_541] {strides = array<i32>} : memref<320x128xf32, #tpu.memory_space<vmem>>, vector<1x16xf32>,
        %swap3A_543 = vector.shape_cast %swap3A_542 : vector<1x16xf32> to vector<16xf32>
        %swap3A_544 = vector.shape_cast %mul3A_539 : vector<16xf32> to vector<1x16xf32>
        tpu.vector_store %arg12[%swap3A_540, %swap3A_541], %swap3A_544 {strides = array<i32>} : memref<320x128xf32, #tpu.memory_space<vmem>>, vector<1x16xf32>,
        %get3A_545 = arith.index_cast %add3A_511 : i32 to index
        %get3A_546 = arith.constant 48 : index
        %get3A_547 = tpu.vector_load %arg12[%get3A_545, %get3A_546] {strides = array<i32>} : memref<320x128xf32, #tpu.memory_space<vmem>>, vector<1x16xf32>,
        %get3A_548 = vector.shape_cast %get3A_547 : vector<1x16xf32> to vector<16xf32>
        %mul3A_549 = vector.broadcast %squeeze3A_507 : f32 to vector<16xf32>
        %mul3A_550 = arith.mulf %get3A_548, %mul3A_549 : vector<16xf32>
        %swap3A_551 = arith.index_cast %add3A_511 : i32 to index
        %swap3A_552 = arith.constant 48 : index
        %swap3A_553 = tpu.vector_load %arg12[%swap3A_551, %swap3A_552] {strides = array<i32>} : memref<320x128xf32, #tpu.memory_space<vmem>>, vector<1x16xf32>,
        %swap3A_554 = vector.shape_cast %swap3A_553 : vector<1x16xf32> to vector<16xf32>
        %swap3A_555 = vector.shape_cast %mul3A_550 : vector<16xf32> to vector<1x16xf32>
        tpu.vector_store %arg12[%swap3A_551, %swap3A_552], %swap3A_555 {strides = array<i32>} : memref<320x128xf32, #tpu.memory_space<vmem>>, vector<1x16xf32>,
        %get3A_556 = arith.index_cast %add3A_511 : i32 to index
        %get3A_557 = arith.constant 64 : index
        %get3A_558 = tpu.vector_load %arg12[%get3A_556, %get3A_557] {strides = array<i32>} : memref<320x128xf32, #tpu.memory_space<vmem>>, vector<1x16xf32>,
        %get3A_559 = vector.shape_cast %get3A_558 : vector<1x16xf32> to vector<16xf32>
        %mul3A_560 = vector.broadcast %squeeze3A_507 : f32 to vector<16xf32>
        %mul3A_561 = arith.mulf %get3A_559, %mul3A_560 : vector<16xf32>
        %swap3A_562 = arith.index_cast %add3A_511 : i32 to index
        %swap3A_563 = arith.constant 64 : index
        %swap3A_564 = tpu.vector_load %arg12[%swap3A_562, %swap3A_563] {strides = array<i32>} : memref<320x128xf32, #tpu.memory_space<vmem>>, vector<1x16xf32>,
        %swap3A_565 = vector.shape_cast %swap3A_564 : vector<1x16xf32> to vector<16xf32>
        %swap3A_566 = vector.shape_cast %mul3A_561 : vector<16xf32> to vector<1x16xf32>
        tpu.vector_store %arg12[%swap3A_562, %swap3A_563], %swap3A_566 {strides = array<i32>} : memref<320x128xf32, #tpu.memory_space<vmem>>, vector<1x16xf32>,
        %get3A_567 = arith.index_cast %add3A_511 : i32 to index
        %get3A_568 = arith.constant 80 : index
        %get3A_569 = tpu.vector_load %arg12[%get3A_567, %get3A_568] {strides = array<i32>} : memref<320x128xf32, #tpu.memory_space<vmem>>, vector<1x16xf32>,
        %get3A_570 = vector.shape_cast %get3A_569 : vector<1x16xf32> to vector<16xf32>
        %mul3A_571 = vector.broadcast %squeeze3A_507 : f32 to vector<16xf32>
        %mul3A_572 = arith.mulf %get3A_570, %mul3A_571 : vector<16xf32>
        %swap3A_573 = arith.index_cast %add3A_511 : i32 to index
        %swap3A_574 = arith.constant 80 : index
        %swap3A_575 = tpu.vector_load %arg12[%swap3A_573, %swap3A_574] {strides = array<i32>} : memref<320x128xf32, #tpu.memory_space<vmem>>, vector<1x16xf32>,
        %swap3A_576 = vector.shape_cast %swap3A_575 : vector<1x16xf32> to vector<16xf32>
        %swap3A_577 = vector.shape_cast %mul3A_572 : vector<16xf32> to vector<1x16xf32>
        tpu.vector_store %arg12[%swap3A_573, %swap3A_574], %swap3A_577 {strides = array<i32>} : memref<320x128xf32, #tpu.memory_space<vmem>>, vector<1x16xf32>,
        %get3A_578 = arith.index_cast %add3A_511 : i32 to index
        %get3A_579 = arith.constant 96 : index
        %get3A_580 = tpu.vector_load %arg12[%get3A_578, %get3A_579] {strides = array<i32>} : memref<320x128xf32, #tpu.memory_space<vmem>>, vector<1x16xf32>,
        %get3A_581 = vector.shape_cast %get3A_580 : vector<1x16xf32> to vector<16xf32>
        %mul3A_582 = vector.broadcast %squeeze3A_507 : f32 to vector<16xf32>
        %mul3A_583 = arith.mulf %get3A_581, %mul3A_582 : vector<16xf32>
        %swap3A_584 = arith.index_cast %add3A_511 : i32 to index
        %swap3A_585 = arith.constant 96 : index
        %swap3A_586 = tpu.vector_load %arg12[%swap3A_584, %swap3A_585] {strides = array<i32>} : memref<320x128xf32, #tpu.memory_space<vmem>>, vector<1x16xf32>,
        %swap3A_587 = vector.shape_cast %swap3A_586 : vector<1x16xf32> to vector<16xf32>
        %swap3A_588 = vector.shape_cast %mul3A_583 : vector<16xf32> to vector<1x16xf32>
        tpu.vector_store %arg12[%swap3A_584, %swap3A_585], %swap3A_588 {strides = array<i32>} : memref<320x128xf32, #tpu.memory_space<vmem>>, vector<1x16xf32>,
        %get3A_589 = arith.index_cast %add3A_511 : i32 to index
        %get3A_590 = arith.constant 112 : index
        %get3A_591 = tpu.vector_load %arg12[%get3A_589, %get3A_590] {strides = array<i32>} : memref<320x128xf32, #tpu.memory_space<vmem>>, vector<1x16xf32>,
        %get3A_592 = vector.shape_cast %get3A_591 : vector<1x16xf32> to vector<16xf32>
        %mul3A_593 = vector.broadcast %squeeze3A_507 : f32 to vector<16xf32>
        %mul3A_594 = arith.mulf %get3A_592, %mul3A_593 : vector<16xf32>
        %swap3A_595 = arith.index_cast %add3A_511 : i32 to index
        %swap3A_596 = arith.constant 112 : index
        %swap3A_597 = tpu.vector_load %arg12[%swap3A_595, %swap3A_596] {strides = array<i32>} : memref<320x128xf32, #tpu.memory_space<vmem>>, vector<1x16xf32>,
        %swap3A_598 = vector.shape_cast %swap3A_597 : vector<1x16xf32> to vector<16xf32>
        %swap3A_599 = vector.shape_cast %mul3A_594 : vector<16xf32> to vector<1x16xf32>
        tpu.vector_store %arg12[%swap3A_595, %swap3A_596], %swap3A_599 {strides = array<i32>} : memref<320x128xf32, #tpu.memory_space<vmem>>, vector<1x16xf32>,
        %slice3A_600 = vector.extract_strided_slice %get3A_38 {offsets = [6], sizes = [1], strides = [1]} : vector<16xf32> to vector<1xf32>
        %squeeze3A_601 = vector.extract %slice3A_600[0] : f32 from vector<1xf32>
        %mul3A_602 = arith.constant 16 : i32
        %mul3A_603 = arith.muli %scan3A_34, %mul3A_602 : i32
        %add3A_604 = arith.constant 6 : i32
        %add3A_605 = arith.addi %mul3A_603, %add3A_604 : i32
        %get3A_606 = arith.index_cast %add3A_605 : i32 to index
        %get3A_607 = arith.constant 0 : index
        %get3A_608 = tpu.vector_load %arg12[%get3A_606, %get3A_607] {strides = array<i32>} : memref<320x128xf32, #tpu.memory_space<vmem>>, vector<1x16xf32>,
        %get3A_609 = vector.shape_cast %get3A_608 : vector<1x16xf32> to vector<16xf32>
        %mul3A_610 = vector.broadcast %squeeze3A_601 : f32 to vector<16xf32>
        %mul3A_611 = arith.mulf %get3A_609, %mul3A_610 : vector<16xf32>
        %swap3A_612 = arith.index_cast %add3A_605 : i32 to index
        %swap3A_613 = arith.constant 0 : index
        %swap3A_614 = tpu.vector_load %arg12[%swap3A_612, %swap3A_613] {strides = array<i32>} : memref<320x128xf32, #tpu.memory_space<vmem>>, vector<1x16xf32>,
        %swap3A_615 = vector.shape_cast %swap3A_614 : vector<1x16xf32> to vector<16xf32>
        %swap3A_616 = vector.shape_cast %mul3A_611 : vector<16xf32> to vector<1x16xf32>
        tpu.vector_store %arg12[%swap3A_612, %swap3A_613], %swap3A_616 {strides = array<i32>} : memref<320x128xf32, #tpu.memory_space<vmem>>, vector<1x16xf32>,
        %get3A_617 = arith.index_cast %add3A_605 : i32 to index
        %get3A_618 = arith.constant 16 : index
        %get3A_619 = tpu.vector_load %arg12[%get3A_617, %get3A_618] {strides = array<i32>} : memref<320x128xf32, #tpu.memory_space<vmem>>, vector<1x16xf32>,
        %get3A_620 = vector.shape_cast %get3A_619 : vector<1x16xf32> to vector<16xf32>
        %mul3A_621 = vector.broadcast %squeeze3A_601 : f32 to vector<16xf32>
        %mul3A_622 = arith.mulf %get3A_620, %mul3A_621 : vector<16xf32>
        %swap3A_623 = arith.index_cast %add3A_605 : i32 to index
        %swap3A_624 = arith.constant 16 : index
        %swap3A_625 = tpu.vector_load %arg12[%swap3A_623, %swap3A_624] {strides = array<i32>} : memref<320x128xf32, #tpu.memory_space<vmem>>, vector<1x16xf32>,
        %swap3A_626 = vector.shape_cast %swap3A_625 : vector<1x16xf32> to vector<16xf32>
        %swap3A_627 = vector.shape_cast %mul3A_622 : vector<16xf32> to vector<1x16xf32>
        tpu.vector_store %arg12[%swap3A_623, %swap3A_624], %swap3A_627 {strides = array<i32>} : memref<320x128xf32, #tpu.memory_space<vmem>>, vector<1x16xf32>,
        %get3A_628 = arith.index_cast %add3A_605 : i32 to index
        %get3A_629 = arith.constant 32 : index
        %get3A_630 = tpu.vector_load %arg12[%get3A_628, %get3A_629] {strides = array<i32>} : memref<320x128xf32, #tpu.memory_space<vmem>>, vector<1x16xf32>,
        %get3A_631 = vector.shape_cast %get3A_630 : vector<1x16xf32> to vector<16xf32>
        %mul3A_632 = vector.broadcast %squeeze3A_601 : f32 to vector<16xf32>
        %mul3A_633 = arith.mulf %get3A_631, %mul3A_632 : vector<16xf32>
        %swap3A_634 = arith.index_cast %add3A_605 : i32 to index
        %swap3A_635 = arith.constant 32 : index
        %swap3A_636 = tpu.vector_load %arg12[%swap3A_634, %swap3A_635] {strides = array<i32>} : memref<320x128xf32, #tpu.memory_space<vmem>>, vector<1x16xf32>,
        %swap3A_637 = vector.shape_cast %swap3A_636 : vector<1x16xf32> to vector<16xf32>
        %swap3A_638 = vector.shape_cast %mul3A_633 : vector<16xf32> to vector<1x16xf32>
        tpu.vector_store %arg12[%swap3A_634, %swap3A_635], %swap3A_638 {strides = array<i32>} : memref<320x128xf32, #tpu.memory_space<vmem>>, vector<1x16xf32>,
        %get3A_639 = arith.index_cast %add3A_605 : i32 to index
        %get3A_640 = arith.constant 48 : index
        %get3A_641 = tpu.vector_load %arg12[%get3A_639, %get3A_640] {strides = array<i32>} : memref<320x128xf32, #tpu.memory_space<vmem>>, vector<1x16xf32>,
        %get3A_642 = vector.shape_cast %get3A_641 : vector<1x16xf32> to vector<16xf32>
        %mul3A_643 = vector.broadcast %squeeze3A_601 : f32 to vector<16xf32>
        %mul3A_644 = arith.mulf %get3A_642, %mul3A_643 : vector<16xf32>
        %swap3A_645 = arith.index_cast %add3A_605 : i32 to index
        %swap3A_646 = arith.constant 48 : index
        %swap3A_647 = tpu.vector_load %arg12[%swap3A_645, %swap3A_646] {strides = array<i32>} : memref<320x128xf32, #tpu.memory_space<vmem>>, vector<1x16xf32>,
        %swap3A_648 = vector.shape_cast %swap3A_647 : vector<1x16xf32> to vector<16xf32>
        %swap3A_649 = vector.shape_cast %mul3A_644 : vector<16xf32> to vector<1x16xf32>
        tpu.vector_store %arg12[%swap3A_645, %swap3A_646], %swap3A_649 {strides = array<i32>} : memref<320x128xf32, #tpu.memory_space<vmem>>, vector<1x16xf32>,
        %get3A_650 = arith.index_cast %add3A_605 : i32 to index
        %get3A_651 = arith.constant 64 : index
        %get3A_652 = tpu.vector_load %arg12[%get3A_650, %get3A_651] {strides = array<i32>} : memref<320x128xf32, #tpu.memory_space<vmem>>, vector<1x16xf32>,
        %get3A_653 = vector.shape_cast %get3A_652 : vector<1x16xf32> to vector<16xf32>
        %mul3A_654 = vector.broadcast %squeeze3A_601 : f32 to vector<16xf32>
        %mul3A_655 = arith.mulf %get3A_653, %mul3A_654 : vector<16xf32>
        %swap3A_656 = arith.index_cast %add3A_605 : i32 to index
        %swap3A_657 = arith.constant 64 : index
        %swap3A_658 = tpu.vector_load %arg12[%swap3A_656, %swap3A_657] {strides = array<i32>} : memref<320x128xf32, #tpu.memory_space<vmem>>, vector<1x16xf32>,
        %swap3A_659 = vector.shape_cast %swap3A_658 : vector<1x16xf32> to vector<16xf32>
        %swap3A_660 = vector.shape_cast %mul3A_655 : vector<16xf32> to vector<1x16xf32>
        tpu.vector_store %arg12[%swap3A_656, %swap3A_657], %swap3A_660 {strides = array<i32>} : memref<320x128xf32, #tpu.memory_space<vmem>>, vector<1x16xf32>,
        %get3A_661 = arith.index_cast %add3A_605 : i32 to index
        %get3A_662 = arith.constant 80 : index
        %get3A_663 = tpu.vector_load %arg12[%get3A_661, %get3A_662] {strides = array<i32>} : memref<320x128xf32, #tpu.memory_space<vmem>>, vector<1x16xf32>,
        %get3A_664 = vector.shape_cast %get3A_663 : vector<1x16xf32> to vector<16xf32>
        %mul3A_665 = vector.broadcast %squeeze3A_601 : f32 to vector<16xf32>
        %mul3A_666 = arith.mulf %get3A_664, %mul3A_665 : vector<16xf32>
        %swap3A_667 = arith.index_cast %add3A_605 : i32 to index
        %swap3A_668 = arith.constant 80 : index
        %swap3A_669 = tpu.vector_load %arg12[%swap3A_667, %swap3A_668] {strides = array<i32>} : memref<320x128xf32, #tpu.memory_space<vmem>>, vector<1x16xf32>,
        %swap3A_670 = vector.shape_cast %swap3A_669 : vector<1x16xf32> to vector<16xf32>
        %swap3A_671 = vector.shape_cast %mul3A_666 : vector<16xf32> to vector<1x16xf32>
        tpu.vector_store %arg12[%swap3A_667, %swap3A_668], %swap3A_671 {strides = array<i32>} : memref<320x128xf32, #tpu.memory_space<vmem>>, vector<1x16xf32>,
        %get3A_672 = arith.index_cast %add3A_605 : i32 to index
        %get3A_673 = arith.constant 96 : index
        %get3A_674 = tpu.vector_load %arg12[%get3A_672, %get3A_673] {strides = array<i32>} : memref<320x128xf32, #tpu.memory_space<vmem>>, vector<1x16xf32>,
        %get3A_675 = vector.shape_cast %get3A_674 : vector<1x16xf32> to vector<16xf32>
        %mul3A_676 = vector.broadcast %squeeze3A_601 : f32 to vector<16xf32>
        %mul3A_677 = arith.mulf %get3A_675, %mul3A_676 : vector<16xf32>
        %swap3A_678 = arith.index_cast %add3A_605 : i32 to index
        %swap3A_679 = arith.constant 96 : index
        %swap3A_680 = tpu.vector_load %arg12[%swap3A_678, %swap3A_679] {strides = array<i32>} : memref<320x128xf32, #tpu.memory_space<vmem>>, vector<1x16xf32>,
        %swap3A_681 = vector.shape_cast %swap3A_680 : vector<1x16xf32> to vector<16xf32>
        %swap3A_682 = vector.shape_cast %mul3A_677 : vector<16xf32> to vector<1x16xf32>
        tpu.vector_store %arg12[%swap3A_678, %swap3A_679], %swap3A_682 {strides = array<i32>} : memref<320x128xf32, #tpu.memory_space<vmem>>, vector<1x16xf32>,
        %get3A_683 = arith.index_cast %add3A_605 : i32 to index
        %get3A_684 = arith.constant 112 : index
        %get3A_685 = tpu.vector_load %arg12[%get3A_683, %get3A_684] {strides = array<i32>} : memref<320x128xf32, #tpu.memory_space<vmem>>, vector<1x16xf32>,
        %get3A_686 = vector.shape_cast %get3A_685 : vector<1x16xf32> to vector<16xf32>
        %mul3A_687 = vector.broadcast %squeeze3A_601 : f32 to vector<16xf32>
        %mul3A_688 = arith.mulf %get3A_686, %mul3A_687 : vector<16xf32>
        %swap3A_689 = arith.index_cast %add3A_605 : i32 to index
        %swap3A_690 = arith.constant 112 : index
        %swap3A_691 = tpu.vector_load %arg12[%swap3A_689, %swap3A_690] {strides = array<i32>} : memref<320x128xf32, #tpu.memory_space<vmem>>, vector<1x16xf32>,
        %swap3A_692 = vector.shape_cast %swap3A_691 : vector<1x16xf32> to vector<16xf32>
        %swap3A_693 = vector.shape_cast %mul3A_688 : vector<16xf32> to vector<1x16xf32>
        tpu.vector_store %arg12[%swap3A_689, %swap3A_690], %swap3A_693 {strides = array<i32>} : memref<320x128xf32, #tpu.memory_space<vmem>>, vector<1x16xf32>,
        %slice3A_694 = vector.extract_strided_slice %get3A_38 {offsets = [7], sizes = [1], strides = [1]} : vector<16xf32> to vector<1xf32>
        %squeeze3A_695 = vector.extract %slice3A_694[0] : f32 from vector<1xf32>
        %mul3A_696 = arith.constant 16 : i32
        %mul3A_697 = arith.muli %scan3A_34, %mul3A_696 : i32
        %add3A_698 = arith.constant 7 : i32
        %add3A_699 = arith.addi %mul3A_697, %add3A_698 : i32
        %get3A_700 = arith.index_cast %add3A_699 : i32 to index
        %get3A_701 = arith.constant 0 : index
        %get3A_702 = tpu.vector_load %arg12[%get3A_700, %get3A_701] {strides = array<i32>} : memref<320x128xf32, #tpu.memory_space<vmem>>, vector<1x16xf32>,
        %get3A_703 = vector.shape_cast %get3A_702 : vector<1x16xf32> to vector<16xf32>
        %mul3A_704 = vector.broadcast %squeeze3A_695 : f32 to vector<16xf32>
        %mul3A_705 = arith.mulf %get3A_703, %mul3A_704 : vector<16xf32>
        %swap3A_706 = arith.index_cast %add3A_699 : i32 to index
        %swap3A_707 = arith.constant 0 : index
        %swap3A_708 = tpu.vector_load %arg12[%swap3A_706, %swap3A_707] {strides = array<i32>} : memref<320x128xf32, #tpu.memory_space<vmem>>, vector<1x16xf32>,
        %swap3A_709 = vector.shape_cast %swap3A_708 : vector<1x16xf32> to vector<16xf32>
        %swap3A_710 = vector.shape_cast %mul3A_705 : vector<16xf32> to vector<1x16xf32>
        tpu.vector_store %arg12[%swap3A_706, %swap3A_707], %swap3A_710 {strides = array<i32>} : memref<320x128xf32, #tpu.memory_space<vmem>>, vector<1x16xf32>,
        %get3A_711 = arith.index_cast %add3A_699 : i32 to index
        %get3A_712 = arith.constant 16 : index
        %get3A_713 = tpu.vector_load %arg12[%get3A_711, %get3A_712] {strides = array<i32>} : memref<320x128xf32, #tpu.memory_space<vmem>>, vector<1x16xf32>,
        %get3A_714 = vector.shape_cast %get3A_713 : vector<1x16xf32> to vector<16xf32>
        %mul3A_715 = vector.broadcast %squeeze3A_695 : f32 to vector<16xf32>
        %mul3A_716 = arith.mulf %get3A_714, %mul3A_715 : vector<16xf32>
        %swap3A_717 = arith.index_cast %add3A_699 : i32 to index
        %swap3A_718 = arith.constant 16 : index
        %swap3A_719 = tpu.vector_load %arg12[%swap3A_717, %swap3A_718] {strides = array<i32>} : memref<320x128xf32, #tpu.memory_space<vmem>>, vector<1x16xf32>,
        %swap3A_720 = vector.shape_cast %swap3A_719 : vector<1x16xf32> to vector<16xf32>
        %swap3A_721 = vector.shape_cast %mul3A_716 : vector<16xf32> to vector<1x16xf32>
        tpu.vector_store %arg12[%swap3A_717, %swap3A_718], %swap3A_721 {strides = array<i32>} : memref<320x128xf32, #tpu.memory_space<vmem>>, vector<1x16xf32>,
        %get3A_722 = arith.index_cast %add3A_699 : i32 to index
        %get3A_723 = arith.constant 32 : index
        %get3A_724 = tpu.vector_load %arg12[%get3A_722, %get3A_723] {strides = array<i32>} : memref<320x128xf32, #tpu.memory_space<vmem>>, vector<1x16xf32>,
        %get3A_725 = vector.shape_cast %get3A_724 : vector<1x16xf32> to vector<16xf32>
        %mul3A_726 = vector.broadcast %squeeze3A_695 : f32 to vector<16xf32>
        %mul3A_727 = arith.mulf %get3A_725, %mul3A_726 : vector<16xf32>
        %swap3A_728 = arith.index_cast %add3A_699 : i32 to index
        %swap3A_729 = arith.constant 32 : index
        %swap3A_730 = tpu.vector_load %arg12[%swap3A_728, %swap3A_729] {strides = array<i32>} : memref<320x128xf32, #tpu.memory_space<vmem>>, vector<1x16xf32>,
        %swap3A_731 = vector.shape_cast %swap3A_730 : vector<1x16xf32> to vector<16xf32>
        %swap3A_732 = vector.shape_cast %mul3A_727 : vector<16xf32> to vector<1x16xf32>
        tpu.vector_store %arg12[%swap3A_728, %swap3A_729], %swap3A_732 {strides = array<i32>} : memref<320x128xf32, #tpu.memory_space<vmem>>, vector<1x16xf32>,
        %get3A_733 = arith.index_cast %add3A_699 : i32 to index
        %get3A_734 = arith.constant 48 : index
        %get3A_735 = tpu.vector_load %arg12[%get3A_733, %get3A_734] {strides = array<i32>} : memref<320x128xf32, #tpu.memory_space<vmem>>, vector<1x16xf32>,
        %get3A_736 = vector.shape_cast %get3A_735 : vector<1x16xf32> to vector<16xf32>
        %mul3A_737 = vector.broadcast %squeeze3A_695 : f32 to vector<16xf32>
        %mul3A_738 = arith.mulf %get3A_736, %mul3A_737 : vector<16xf32>
        %swap3A_739 = arith.index_cast %add3A_699 : i32 to index
        %swap3A_740 = arith.constant 48 : index
        %swap3A_741 = tpu.vector_load %arg12[%swap3A_739, %swap3A_740] {strides = array<i32>} : memref<320x128xf32, #tpu.memory_space<vmem>>, vector<1x16xf32>,
        %swap3A_742 = vector.shape_cast %swap3A_741 : vector<1x16xf32> to vector<16xf32>
        %swap3A_743 = vector.shape_cast %mul3A_738 : vector<16xf32> to vector<1x16xf32>
        tpu.vector_store %arg12[%swap3A_739, %swap3A_740], %swap3A_743 {strides = array<i32>} : memref<320x128xf32, #tpu.memory_space<vmem>>, vector<1x16xf32>,
        %get3A_744 = arith.index_cast %add3A_699 : i32 to index
        %get3A_745 = arith.constant 64 : index
        %get3A_746 = tpu.vector_load %arg12[%get3A_744, %get3A_745] {strides = array<i32>} : memref<320x128xf32, #tpu.memory_space<vmem>>, vector<1x16xf32>,
        %get3A_747 = vector.shape_cast %get3A_746 : vector<1x16xf32> to vector<16xf32>
        %mul3A_748 = vector.broadcast %squeeze3A_695 : f32 to vector<16xf32>
        %mul3A_749 = arith.mulf %get3A_747, %mul3A_748 : vector<16xf32>
        %swap3A_750 = arith.index_cast %add3A_699 : i32 to index
        %swap3A_751 = arith.constant 64 : index
        %swap3A_752 = tpu.vector_load %arg12[%swap3A_750, %swap3A_751] {strides = array<i32>} : memref<320x128xf32, #tpu.memory_space<vmem>>, vector<1x16xf32>,
        %swap3A_753 = vector.shape_cast %swap3A_752 : vector<1x16xf32> to vector<16xf32>
        %swap3A_754 = vector.shape_cast %mul3A_749 : vector<16xf32> to vector<1x16xf32>
        tpu.vector_store %arg12[%swap3A_750, %swap3A_751], %swap3A_754 {strides = array<i32>} : memref<320x128xf32, #tpu.memory_space<vmem>>, vector<1x16xf32>,
        %get3A_755 = arith.index_cast %add3A_699 : i32 to index
        %get3A_756 = arith.constant 80 : index
        %get3A_757 = tpu.vector_load %arg12[%get3A_755, %get3A_756] {strides = array<i32>} : memref<320x128xf32, #tpu.memory_space<vmem>>, vector<1x16xf32>,
        %get3A_758 = vector.shape_cast %get3A_757 : vector<1x16xf32> to vector<16xf32>
        %mul3A_759 = vector.broadcast %squeeze3A_695 : f32 to vector<16xf32>
        %mul3A_760 = arith.mulf %get3A_758, %mul3A_759 : vector<16xf32>
        %swap3A_761 = arith.index_cast %add3A_699 : i32 to index
        %swap3A_762 = arith.constant 80 : index
        %swap3A_763 = tpu.vector_load %arg12[%swap3A_761, %swap3A_762] {strides = array<i32>} : memref<320x128xf32, #tpu.memory_space<vmem>>, vector<1x16xf32>,
        %swap3A_764 = vector.shape_cast %swap3A_763 : vector<1x16xf32> to vector<16xf32>
        %swap3A_765 = vector.shape_cast %mul3A_760 : vector<16xf32> to vector<1x16xf32>
        tpu.vector_store %arg12[%swap3A_761, %swap3A_762], %swap3A_765 {strides = array<i32>} : memref<320x128xf32, #tpu.memory_space<vmem>>, vector<1x16xf32>,
        %get3A_766 = arith.index_cast %add3A_699 : i32 to index
        %get3A_767 = arith.constant 96 : index
        %get3A_768 = tpu.vector_load %arg12[%get3A_766, %get3A_767] {strides = array<i32>} : memref<320x128xf32, #tpu.memory_space<vmem>>, vector<1x16xf32>,
        %get3A_769 = vector.shape_cast %get3A_768 : vector<1x16xf32> to vector<16xf32>
        %mul3A_770 = vector.broadcast %squeeze3A_695 : f32 to vector<16xf32>
        %mul3A_771 = arith.mulf %get3A_769, %mul3A_770 : vector<16xf32>
        %swap3A_772 = arith.index_cast %add3A_699 : i32 to index
        %swap3A_773 = arith.constant 96 : index
        %swap3A_774 = tpu.vector_load %arg12[%swap3A_772, %swap3A_773] {strides = array<i32>} : memref<320x128xf32, #tpu.memory_space<vmem>>, vector<1x16xf32>,
        %swap3A_775 = vector.shape_cast %swap3A_774 : vector<1x16xf32> to vector<16xf32>
        %swap3A_776 = vector.shape_cast %mul3A_771 : vector<16xf32> to vector<1x16xf32>
        tpu.vector_store %arg12[%swap3A_772, %swap3A_773], %swap3A_776 {strides = array<i32>} : memref<320x128xf32, #tpu.memory_space<vmem>>, vector<1x16xf32>,
        %get3A_777 = arith.index_cast %add3A_699 : i32 to index
        %get3A_778 = arith.constant 112 : index
        %get3A_779 = tpu.vector_load %arg12[%get3A_777, %get3A_778] {strides = array<i32>} : memref<320x128xf32, #tpu.memory_space<vmem>>, vector<1x16xf32>,
        %get3A_780 = vector.shape_cast %get3A_779 : vector<1x16xf32> to vector<16xf32>
        %mul3A_781 = vector.broadcast %squeeze3A_695 : f32 to vector<16xf32>
        %mul3A_782 = arith.mulf %get3A_780, %mul3A_781 : vector<16xf32>
        %swap3A_783 = arith.index_cast %add3A_699 : i32 to index
        %swap3A_784 = arith.constant 112 : index
        %swap3A_785 = tpu.vector_load %arg12[%swap3A_783, %swap3A_784] {strides = array<i32>} : memref<320x128xf32, #tpu.memory_space<vmem>>, vector<1x16xf32>,
        %swap3A_786 = vector.shape_cast %swap3A_785 : vector<1x16xf32> to vector<16xf32>
        %swap3A_787 = vector.shape_cast %mul3A_782 : vector<16xf32> to vector<1x16xf32>
        tpu.vector_store %arg12[%swap3A_783, %swap3A_784], %swap3A_787 {strides = array<i32>} : memref<320x128xf32, #tpu.memory_space<vmem>>, vector<1x16xf32>,
        %slice3A_788 = vector.extract_strided_slice %get3A_38 {offsets = [8], sizes = [1], strides = [1]} : vector<16xf32> to vector<1xf32>
        %squeeze3A_789 = vector.extract %slice3A_788[0] : f32 from vector<1xf32>
        %mul3A_790 = arith.constant 16 : i32
        %mul3A_791 = arith.muli %scan3A_34, %mul3A_790 : i32
        %add3A_792 = arith.constant 8 : i32
        %add3A_793 = arith.addi %mul3A_791, %add3A_792 : i32
        %get3A_794 = arith.index_cast %add3A_793 : i32 to index
        %get3A_795 = arith.constant 0 : index
        %get3A_796 = tpu.vector_load %arg12[%get3A_794, %get3A_795] {strides = array<i32>} : memref<320x128xf32, #tpu.memory_space<vmem>>, vector<1x16xf32>,
        %get3A_797 = vector.shape_cast %get3A_796 : vector<1x16xf32> to vector<16xf32>
        %mul3A_798 = vector.broadcast %squeeze3A_789 : f32 to vector<16xf32>
        %mul3A_799 = arith.mulf %get3A_797, %mul3A_798 : vector<16xf32>
        %swap3A_800 = arith.index_cast %add3A_793 : i32 to index
        %swap3A_801 = arith.constant 0 : index
        %swap3A_802 = tpu.vector_load %arg12[%swap3A_800, %swap3A_801] {strides = array<i32>} : memref<320x128xf32, #tpu.memory_space<vmem>>, vector<1x16xf32>,
        %swap3A_803 = vector.shape_cast %swap3A_802 : vector<1x16xf32> to vector<16xf32>
        %swap3A_804 = vector.shape_cast %mul3A_799 : vector<16xf32> to vector<1x16xf32>
        tpu.vector_store %arg12[%swap3A_800, %swap3A_801], %swap3A_804 {strides = array<i32>} : memref<320x128xf32, #tpu.memory_space<vmem>>, vector<1x16xf32>,
        %get3A_805 = arith.index_cast %add3A_793 : i32 to index
        %get3A_806 = arith.constant 16 : index
        %get3A_807 = tpu.vector_load %arg12[%get3A_805, %get3A_806] {strides = array<i32>} : memref<320x128xf32, #tpu.memory_space<vmem>>, vector<1x16xf32>,
        %get3A_808 = vector.shape_cast %get3A_807 : vector<1x16xf32> to vector<16xf32>
        %mul3A_809 = vector.broadcast %squeeze3A_789 : f32 to vector<16xf32>
        %mul3A_810 = arith.mulf %get3A_808, %mul3A_809 : vector<16xf32>
        %swap3A_811 = arith.index_cast %add3A_793 : i32 to index
        %swap3A_812 = arith.constant 16 : index
        %swap3A_813 = tpu.vector_load %arg12[%swap3A_811, %swap3A_812] {strides = array<i32>} : memref<320x128xf32, #tpu.memory_space<vmem>>, vector<1x16xf32>,
        %swap3A_814 = vector.shape_cast %swap3A_813 : vector<1x16xf32> to vector<16xf32>
        %swap3A_815 = vector.shape_cast %mul3A_810 : vector<16xf32> to vector<1x16xf32>
        tpu.vector_store %arg12[%swap3A_811, %swap3A_812], %swap3A_815 {strides = array<i32>} : memref<320x128xf32, #tpu.memory_space<vmem>>, vector<1x16xf32>,
        %get3A_816 = arith.index_cast %add3A_793 : i32 to index
        %get3A_817 = arith.constant 32 : index
        %get3A_818 = tpu.vector_load %arg12[%get3A_816, %get3A_817] {strides = array<i32>} : memref<320x128xf32, #tpu.memory_space<vmem>>, vector<1x16xf32>,
        %get3A_819 = vector.shape_cast %get3A_818 : vector<1x16xf32> to vector<16xf32>
        %mul3A_820 = vector.broadcast %squeeze3A_789 : f32 to vector<16xf32>
        %mul3A_821 = arith.mulf %get3A_819, %mul3A_820 : vector<16xf32>
        %swap3A_822 = arith.index_cast %add3A_793 : i32 to index
        %swap3A_823 = arith.constant 32 : index
        %swap3A_824 = tpu.vector_load %arg12[%swap3A_822, %swap3A_823] {strides = array<i32>} : memref<320x128xf32, #tpu.memory_space<vmem>>, vector<1x16xf32>,
        %swap3A_825 = vector.shape_cast %swap3A_824 : vector<1x16xf32> to vector<16xf32>
        %swap3A_826 = vector.shape_cast %mul3A_821 : vector<16xf32> to vector<1x16xf32>
        tpu.vector_store %arg12[%swap3A_822, %swap3A_823], %swap3A_826 {strides = array<i32>} : memref<320x128xf32, #tpu.memory_space<vmem>>, vector<1x16xf32>,
        %get3A_827 = arith.index_cast %add3A_793 : i32 to index
        %get3A_828 = arith.constant 48 : index
        %get3A_829 = tpu.vector_load %arg12[%get3A_827, %get3A_828] {strides = array<i32>} : memref<320x128xf32, #tpu.memory_space<vmem>>, vector<1x16xf32>,
        %get3A_830 = vector.shape_cast %get3A_829 : vector<1x16xf32> to vector<16xf32>
        %mul3A_831 = vector.broadcast %squeeze3A_789 : f32 to vector<16xf32>
        %mul3A_832 = arith.mulf %get3A_830, %mul3A_831 : vector<16xf32>
        %swap3A_833 = arith.index_cast %add3A_793 : i32 to index
        %swap3A_834 = arith.constant 48 : index
        %swap3A_835 = tpu.vector_load %arg12[%swap3A_833, %swap3A_834] {strides = array<i32>} : memref<320x128xf32, #tpu.memory_space<vmem>>, vector<1x16xf32>,
        %swap3A_836 = vector.shape_cast %swap3A_835 : vector<1x16xf32> to vector<16xf32>
        %swap3A_837 = vector.shape_cast %mul3A_832 : vector<16xf32> to vector<1x16xf32>
        tpu.vector_store %arg12[%swap3A_833, %swap3A_834], %swap3A_837 {strides = array<i32>} : memref<320x128xf32, #tpu.memory_space<vmem>>, vector<1x16xf32>,
        %get3A_838 = arith.index_cast %add3A_793 : i32 to index
        %get3A_839 = arith.constant 64 : index
        %get3A_840 = tpu.vector_load %arg12[%get3A_838, %get3A_839] {strides = array<i32>} : memref<320x128xf32, #tpu.memory_space<vmem>>, vector<1x16xf32>,
        %get3A_841 = vector.shape_cast %get3A_840 : vector<1x16xf32> to vector<16xf32>
        %mul3A_842 = vector.broadcast %squeeze3A_789 : f32 to vector<16xf32>
        %mul3A_843 = arith.mulf %get3A_841, %mul3A_842 : vector<16xf32>
        %swap3A_844 = arith.index_cast %add3A_793 : i32 to index
        %swap3A_845 = arith.constant 64 : index
        %swap3A_846 = tpu.vector_load %arg12[%swap3A_844, %swap3A_845] {strides = array<i32>} : memref<320x128xf32, #tpu.memory_space<vmem>>, vector<1x16xf32>,
        %swap3A_847 = vector.shape_cast %swap3A_846 : vector<1x16xf32> to vector<16xf32>
        %swap3A_848 = vector.shape_cast %mul3A_843 : vector<16xf32> to vector<1x16xf32>
        tpu.vector_store %arg12[%swap3A_844, %swap3A_845], %swap3A_848 {strides = array<i32>} : memref<320x128xf32, #tpu.memory_space<vmem>>, vector<1x16xf32>,
        %get3A_849 = arith.index_cast %add3A_793 : i32 to index
        %get3A_850 = arith.constant 80 : index
        %get3A_851 = tpu.vector_load %arg12[%get3A_849, %get3A_850] {strides = array<i32>} : memref<320x128xf32, #tpu.memory_space<vmem>>, vector<1x16xf32>,
        %get3A_852 = vector.shape_cast %get3A_851 : vector<1x16xf32> to vector<16xf32>
        %mul3A_853 = vector.broadcast %squeeze3A_789 : f32 to vector<16xf32>
        %mul3A_854 = arith.mulf %get3A_852, %mul3A_853 : vector<16xf32>
        %swap3A_855 = arith.index_cast %add3A_793 : i32 to index
        %swap3A_856 = arith.constant 80 : index
        %swap3A_857 = tpu.vector_load %arg12[%swap3A_855, %swap3A_856] {strides = array<i32>} : memref<320x128xf32, #tpu.memory_space<vmem>>, vector<1x16xf32>,
        %swap3A_858 = vector.shape_cast %swap3A_857 : vector<1x16xf32> to vector<16xf32>
        %swap3A_859 = vector.shape_cast %mul3A_854 : vector<16xf32> to vector<1x16xf32>
        tpu.vector_store %arg12[%swap3A_855, %swap3A_856], %swap3A_859 {strides = array<i32>} : memref<320x128xf32, #tpu.memory_space<vmem>>, vector<1x16xf32>,
        %get3A_860 = arith.index_cast %add3A_793 : i32 to index
        %get3A_861 = arith.constant 96 : index
        %get3A_862 = tpu.vector_load %arg12[%get3A_860, %get3A_861] {strides = array<i32>} : memref<320x128xf32, #tpu.memory_space<vmem>>, vector<1x16xf32>,
        %get3A_863 = vector.shape_cast %get3A_862 : vector<1x16xf32> to vector<16xf32>
        %mul3A_864 = vector.broadcast %squeeze3A_789 : f32 to vector<16xf32>
        %mul3A_865 = arith.mulf %get3A_863, %mul3A_864 : vector<16xf32>
        %swap3A_866 = arith.index_cast %add3A_793 : i32 to index
        %swap3A_867 = arith.constant 96 : index
        %swap3A_868 = tpu.vector_load %arg12[%swap3A_866, %swap3A_867] {strides = array<i32>} : memref<320x128xf32, #tpu.memory_space<vmem>>, vector<1x16xf32>,
        %swap3A_869 = vector.shape_cast %swap3A_868 : vector<1x16xf32> to vector<16xf32>
        %swap3A_870 = vector.shape_cast %mul3A_865 : vector<16xf32> to vector<1x16xf32>
        tpu.vector_store %arg12[%swap3A_866, %swap3A_867], %swap3A_870 {strides = array<i32>} : memref<320x128xf32, #tpu.memory_space<vmem>>, vector<1x16xf32>,
        %get3A_871 = arith.index_cast %add3A_793 : i32 to index
        %get3A_872 = arith.constant 112 : index
        %get3A_873 = tpu.vector_load %arg12[%get3A_871, %get3A_872] {strides = array<i32>} : memref<320x128xf32, #tpu.memory_space<vmem>>, vector<1x16xf32>,
        %get3A_874 = vector.shape_cast %get3A_873 : vector<1x16xf32> to vector<16xf32>
        %mul3A_875 = vector.broadcast %squeeze3A_789 : f32 to vector<16xf32>
        %mul3A_876 = arith.mulf %get3A_874, %mul3A_875 : vector<16xf32>
        %swap3A_877 = arith.index_cast %add3A_793 : i32 to index
        %swap3A_878 = arith.constant 112 : index
        %swap3A_879 = tpu.vector_load %arg12[%swap3A_877, %swap3A_878] {strides = array<i32>} : memref<320x128xf32, #tpu.memory_space<vmem>>, vector<1x16xf32>,
        %swap3A_880 = vector.shape_cast %swap3A_879 : vector<1x16xf32> to vector<16xf32>
        %swap3A_881 = vector.shape_cast %mul3A_876 : vector<16xf32> to vector<1x16xf32>
        tpu.vector_store %arg12[%swap3A_877, %swap3A_878], %swap3A_881 {strides = array<i32>} : memref<320x128xf32, #tpu.memory_space<vmem>>, vector<1x16xf32>,
        %slice3A_882 = vector.extract_strided_slice %get3A_38 {offsets = [9], sizes = [1], strides = [1]} : vector<16xf32> to vector<1xf32>
        %squeeze3A_883 = vector.extract %slice3A_882[0] : f32 from vector<1xf32>
        %mul3A_884 = arith.constant 16 : i32
        %mul3A_885 = arith.muli %scan3A_34, %mul3A_884 : i32
        %add3A_886 = arith.constant 9 : i32
        %add3A_887 = arith.addi %mul3A_885, %add3A_886 : i32
        %get3A_888 = arith.index_cast %add3A_887 : i32 to index
        %get3A_889 = arith.constant 0 : index
        %get3A_890 = tpu.vector_load %arg12[%get3A_888, %get3A_889] {strides = array<i32>} : memref<320x128xf32, #tpu.memory_space<vmem>>, vector<1x16xf32>,
        %get3A_891 = vector.shape_cast %get3A_890 : vector<1x16xf32> to vector<16xf32>
        %mul3A_892 = vector.broadcast %squeeze3A_883 : f32 to vector<16xf32>
        %mul3A_893 = arith.mulf %get3A_891, %mul3A_892 : vector<16xf32>
        %swap3A_894 = arith.index_cast %add3A_887 : i32 to index
        %swap3A_895 = arith.constant 0 : index
        %swap3A_896 = tpu.vector_load %arg12[%swap3A_894, %swap3A_895] {strides = array<i32>} : memref<320x128xf32, #tpu.memory_space<vmem>>, vector<1x16xf32>,
        %swap3A_897 = vector.shape_cast %swap3A_896 : vector<1x16xf32> to vector<16xf32>
        %swap3A_898 = vector.shape_cast %mul3A_893 : vector<16xf32> to vector<1x16xf32>
        tpu.vector_store %arg12[%swap3A_894, %swap3A_895], %swap3A_898 {strides = array<i32>} : memref<320x128xf32, #tpu.memory_space<vmem>>, vector<1x16xf32>,
        %get3A_899 = arith.index_cast %add3A_887 : i32 to index
        %get3A_900 = arith.constant 16 : index
        %get3A_901 = tpu.vector_load %arg12[%get3A_899, %get3A_900] {strides = array<i32>} : memref<320x128xf32, #tpu.memory_space<vmem>>, vector<1x16xf32>,
        %get3A_902 = vector.shape_cast %get3A_901 : vector<1x16xf32> to vector<16xf32>
        %mul3A_903 = vector.broadcast %squeeze3A_883 : f32 to vector<16xf32>
        %mul3A_904 = arith.mulf %get3A_902, %mul3A_903 : vector<16xf32>
        %swap3A_905 = arith.index_cast %add3A_887 : i32 to index
        %swap3A_906 = arith.constant 16 : index
        %swap3A_907 = tpu.vector_load %arg12[%swap3A_905, %swap3A_906] {strides = array<i32>} : memref<320x128xf32, #tpu.memory_space<vmem>>, vector<1x16xf32>,
        %swap3A_908 = vector.shape_cast %swap3A_907 : vector<1x16xf32> to vector<16xf32>
        %swap3A_909 = vector.shape_cast %mul3A_904 : vector<16xf32> to vector<1x16xf32>
        tpu.vector_store %arg12[%swap3A_905, %swap3A_906], %swap3A_909 {strides = array<i32>} : memref<320x128xf32, #tpu.memory_space<vmem>>, vector<1x16xf32>,
        %get3A_910 = arith.index_cast %add3A_887 : i32 to index
        %get3A_911 = arith.constant 32 : index
        %get3A_912 = tpu.vector_load %arg12[%get3A_910, %get3A_911] {strides = array<i32>} : memref<320x128xf32, #tpu.memory_space<vmem>>, vector<1x16xf32>,
        %get3A_913 = vector.shape_cast %get3A_912 : vector<1x16xf32> to vector<16xf32>
        %mul3A_914 = vector.broadcast %squeeze3A_883 : f32 to vector<16xf32>
        %mul3A_915 = arith.mulf %get3A_913, %mul3A_914 : vector<16xf32>
        %swap3A_916 = arith.index_cast %add3A_887 : i32 to index
        %swap3A_917 = arith.constant 32 : index
        %swap3A_918 = tpu.vector_load %arg12[%swap3A_916, %swap3A_917] {strides = array<i32>} : memref<320x128xf32, #tpu.memory_space<vmem>>, vector<1x16xf32>,
        %swap3A_919 = vector.shape_cast %swap3A_918 : vector<1x16xf32> to vector<16xf32>
        %swap3A_920 = vector.shape_cast %mul3A_915 : vector<16xf32> to vector<1x16xf32>
        tpu.vector_store %arg12[%swap3A_916, %swap3A_917], %swap3A_920 {strides = array<i32>} : memref<320x128xf32, #tpu.memory_space<vmem>>, vector<1x16xf32>,
        %get3A_921 = arith.index_cast %add3A_887 : i32 to index
        %get3A_922 = arith.constant 48 : index
        %get3A_923 = tpu.vector_load %arg12[%get3A_921, %get3A_922] {strides = array<i32>} : memref<320x128xf32, #tpu.memory_space<vmem>>, vector<1x16xf32>,
        %get3A_924 = vector.shape_cast %get3A_923 : vector<1x16xf32> to vector<16xf32>
        %mul3A_925 = vector.broadcast %squeeze3A_883 : f32 to vector<16xf32>
        %mul3A_926 = arith.mulf %get3A_924, %mul3A_925 : vector<16xf32>
        %swap3A_927 = arith.index_cast %add3A_887 : i32 to index
        %swap3A_928 = arith.constant 48 : index
        %swap3A_929 = tpu.vector_load %arg12[%swap3A_927, %swap3A_928] {strides = array<i32>} : memref<320x128xf32, #tpu.memory_space<vmem>>, vector<1x16xf32>,
        %swap3A_930 = vector.shape_cast %swap3A_929 : vector<1x16xf32> to vector<16xf32>
        %swap3A_931 = vector.shape_cast %mul3A_926 : vector<16xf32> to vector<1x16xf32>
        tpu.vector_store %arg12[%swap3A_927, %swap3A_928], %swap3A_931 {strides = array<i32>} : memref<320x128xf32, #tpu.memory_space<vmem>>, vector<1x16xf32>,
        %get3A_932 = arith.index_cast %add3A_887 : i32 to index
        %get3A_933 = arith.constant 64 : index
        %get3A_934 = tpu.vector_load %arg12[%get3A_932, %get3A_933] {strides = array<i32>} : memref<320x128xf32, #tpu.memory_space<vmem>>, vector<1x16xf32>,
        %get3A_935 = vector.shape_cast %get3A_934 : vector<1x16xf32> to vector<16xf32>
        %mul3A_936 = vector.broadcast %squeeze3A_883 : f32 to vector<16xf32>
        %mul3A_937 = arith.mulf %get3A_935, %mul3A_936 : vector<16xf32>
        %swap3A_938 = arith.index_cast %add3A_887 : i32 to index
        %swap3A_939 = arith.constant 64 : index
        %swap3A_940 = tpu.vector_load %arg12[%swap3A_938, %swap3A_939] {strides = array<i32>} : memref<320x128xf32, #tpu.memory_space<vmem>>, vector<1x16xf32>,
        %swap3A_941 = vector.shape_cast %swap3A_940 : vector<1x16xf32> to vector<16xf32>
        %swap3A_942 = vector.shape_cast %mul3A_937 : vector<16xf32> to vector<1x16xf32>
        tpu.vector_store %arg12[%swap3A_938, %swap3A_939], %swap3A_942 {strides = array<i32>} : memref<320x128xf32, #tpu.memory_space<vmem>>, vector<1x16xf32>,
        %get3A_943 = arith.index_cast %add3A_887 : i32 to index
        %get3A_944 = arith.constant 80 : index
        %get3A_945 = tpu.vector_load %arg12[%get3A_943, %get3A_944] {strides = array<i32>} : memref<320x128xf32, #tpu.memory_space<vmem>>, vector<1x16xf32>,
        %get3A_946 = vector.shape_cast %get3A_945 : vector<1x16xf32> to vector<16xf32>
        %mul3A_947 = vector.broadcast %squeeze3A_883 : f32 to vector<16xf32>
        %mul3A_948 = arith.mulf %get3A_946, %mul3A_947 : vector<16xf32>
        %swap3A_949 = arith.index_cast %add3A_887 : i32 to index
        %swap3A_950 = arith.constant 80 : index
        %swap3A_951 = tpu.vector_load %arg12[%swap3A_949, %swap3A_950] {strides = array<i32>} : memref<320x128xf32, #tpu.memory_space<vmem>>, vector<1x16xf32>,
        %swap3A_952 = vector.shape_cast %swap3A_951 : vector<1x16xf32> to vector<16xf32>
        %swap3A_953 = vector.shape_cast %mul3A_948 : vector<16xf32> to vector<1x16xf32>
        tpu.vector_store %arg12[%swap3A_949, %swap3A_950], %swap3A_953 {strides = array<i32>} : memref<320x128xf32, #tpu.memory_space<vmem>>, vector<1x16xf32>,
        %get3A_954 = arith.index_cast %add3A_887 : i32 to index
        %get3A_955 = arith.constant 96 : index
        %get3A_956 = tpu.vector_load %arg12[%get3A_954, %get3A_955] {strides = array<i32>} : memref<320x128xf32, #tpu.memory_space<vmem>>, vector<1x16xf32>,
        %get3A_957 = vector.shape_cast %get3A_956 : vector<1x16xf32> to vector<16xf32>
        %mul3A_958 = vector.broadcast %squeeze3A_883 : f32 to vector<16xf32>
        %mul3A_959 = arith.mulf %get3A_957, %mul3A_958 : vector<16xf32>
        %swap3A_960 = arith.index_cast %add3A_887 : i32 to index
        %swap3A_961 = arith.constant 96 : index
        %swap3A_962 = tpu.vector_load %arg12[%swap3A_960, %swap3A_961] {strides = array<i32>} : memref<320x128xf32, #tpu.memory_space<vmem>>, vector<1x16xf32>,
        %swap3A_963 = vector.shape_cast %swap3A_962 : vector<1x16xf32> to vector<16xf32>
        %swap3A_964 = vector.shape_cast %mul3A_959 : vector<16xf32> to vector<1x16xf32>
        tpu.vector_store %arg12[%swap3A_960, %swap3A_961], %swap3A_964 {strides = array<i32>} : memref<320x128xf32, #tpu.memory_space<vmem>>, vector<1x16xf32>,
        %get3A_965 = arith.index_cast %add3A_887 : i32 to index
        %get3A_966 = arith.constant 112 : index
        %get3A_967 = tpu.vector_load %arg12[%get3A_965, %get3A_966] {strides = array<i32>} : memref<320x128xf32, #tpu.memory_space<vmem>>, vector<1x16xf32>,
        %get3A_968 = vector.shape_cast %get3A_967 : vector<1x16xf32> to vector<16xf32>
        %mul3A_969 = vector.broadcast %squeeze3A_883 : f32 to vector<16xf32>
        %mul3A_970 = arith.mulf %get3A_968, %mul3A_969 : vector<16xf32>
        %swap3A_971 = arith.index_cast %add3A_887 : i32 to index
        %swap3A_972 = arith.constant 112 : index
        %swap3A_973 = tpu.vector_load %arg12[%swap3A_971, %swap3A_972] {strides = array<i32>} : memref<320x128xf32, #tpu.memory_space<vmem>>, vector<1x16xf32>,
        %swap3A_974 = vector.shape_cast %swap3A_973 : vector<1x16xf32> to vector<16xf32>
        %swap3A_975 = vector.shape_cast %mul3A_970 : vector<16xf32> to vector<1x16xf32>
        tpu.vector_store %arg12[%swap3A_971, %swap3A_972], %swap3A_975 {strides = array<i32>} : memref<320x128xf32, #tpu.memory_space<vmem>>, vector<1x16xf32>,
        %slice3A_976 = vector.extract_strided_slice %get3A_38 {offsets = [10], sizes = [1], strides = [1]} : vector<16xf32> to vector<1xf32>
        %squeeze3A_977 = vector.extract %slice3A_976[0] : f32 from vector<1xf32>
        %mul3A_978 = arith.constant 16 : i32
        %mul3A_979 = arith.muli %scan3A_34, %mul3A_978 : i32
        %add3A_980 = arith.constant 10 : i32
        %add3A_981 = arith.addi %mul3A_979, %add3A_980 : i32
        %get3A_982 = arith.index_cast %add3A_981 : i32 to index
        %get3A_983 = arith.constant 0 : index
        %get3A_984 = tpu.vector_load %arg12[%get3A_982, %get3A_983] {strides = array<i32>} : memref<320x128xf32, #tpu.memory_space<vmem>>, vector<1x16xf32>,
        %get3A_985 = vector.shape_cast %get3A_984 : vector<1x16xf32> to vector<16xf32>
        %mul3A_986 = vector.broadcast %squeeze3A_977 : f32 to vector<16xf32>
        %mul3A_987 = arith.mulf %get3A_985, %mul3A_986 : vector<16xf32>
        %swap3A_988 = arith.index_cast %add3A_981 : i32 to index
        %swap3A_989 = arith.constant 0 : index
        %swap3A_990 = tpu.vector_load %arg12[%swap3A_988, %swap3A_989] {strides = array<i32>} : memref<320x128xf32, #tpu.memory_space<vmem>>, vector<1x16xf32>,
        %swap3A_991 = vector.shape_cast %swap3A_990 : vector<1x16xf32> to vector<16xf32>
        %swap3A_992 = vector.shape_cast %mul3A_987 : vector<16xf32> to vector<1x16xf32>
        tpu.vector_store %arg12[%swap3A_988, %swap3A_989], %swap3A_992 {strides = array<i32>} : memref<320x128xf32, #tpu.memory_space<vmem>>, vector<1x16xf32>,
        %get3A_993 = arith.index_cast %add3A_981 : i32 to index
        %get3A_994 = arith.constant 16 : index
        %get3A_995 = tpu.vector_load %arg12[%get3A_993, %get3A_994] {strides = array<i32>} : memref<320x128xf32, #tpu.memory_space<vmem>>, vector<1x16xf32>,
        %get3A_996 = vector.shape_cast %get3A_995 : vector<1x16xf32> to vector<16xf32>
        %mul3A_997 = vector.broadcast %squeeze3A_977 : f32 to vector<16xf32>
        %mul3A_998 = arith.mulf %get3A_996, %mul3A_997 : vector<16xf32>
        %swap3A_999 = arith.index_cast %add3A_981 : i32 to index
        %swap3A_1000 = arith.constant 16 : index
        %swap3A_1001 = tpu.vector_load %arg12[%swap3A_999, %swap3A_1000] {strides = array<i32>} : memref<320x128xf32, #tpu.memory_space<vmem>>, vector<1x16xf32>,
        %swap3A_1002 = vector.shape_cast %swap3A_1001 : vector<1x16xf32> to vector<16xf32>
        %swap3A_1003 = vector.shape_cast %mul3A_998 : vector<16xf32> to vector<1x16xf32>
        tpu.vector_store %arg12[%swap3A_999, %swap3A_1000], %swap3A_1003 {strides = array<i32>} : memref<320x128xf32, #tpu.memory_space<vmem>>, vector<1x16xf32>,
        %get3A_1004 = arith.index_cast %add3A_981 : i32 to index
        %get3A_1005 = arith.constant 32 : index
        %get3A_1006 = tpu.vector_load %arg12[%get3A_1004, %get3A_1005] {strides = array<i32>} : memref<320x128xf32, #tpu.memory_space<vmem>>, vector<1x16xf32>,
        %get3A_1007 = vector.shape_cast %get3A_1006 : vector<1x16xf32> to vector<16xf32>
        %mul3A_1008 = vector.broadcast %squeeze3A_977 : f32 to vector<16xf32>
        %mul3A_1009 = arith.mulf %get3A_1007, %mul3A_1008 : vector<16xf32>
        %swap3A_1010 = arith.index_cast %add3A_981 : i32 to index
        %swap3A_1011 = arith.constant 32 : index
        %swap3A_1012 = tpu.vector_load %arg12[%swap3A_1010, %swap3A_1011] {strides = array<i32>} : memref<320x128xf32, #tpu.memory_space<vmem>>, vector<1x16xf32>,
        %swap3A_1013 = vector.shape_cast %swap3A_1012 : vector<1x16xf32> to vector<16xf32>
        %swap3A_1014 = vector.shape_cast %mul3A_1009 : vector<16xf32> to vector<1x16xf32>
        tpu.vector_store %arg12[%swap3A_1010, %swap3A_1011], %swap3A_1014 {strides = array<i32>} : memref<320x128xf32, #tpu.memory_space<vmem>>, vector<1x16xf32>,
        %get3A_1015 = arith.index_cast %add3A_981 : i32 to index
        %get3A_1016 = arith.constant 48 : index
        %get3A_1017 = tpu.vector_load %arg12[%get3A_1015, %get3A_1016] {strides = array<i32>} : memref<320x128xf32, #tpu.memory_space<vmem>>, vector<1x16xf32>,
        %get3A_1018 = vector.shape_cast %get3A_1017 : vector<1x16xf32> to vector<16xf32>
        %mul3A_1019 = vector.broadcast %squeeze3A_977 : f32 to vector<16xf32>
        %mul3A_1020 = arith.mulf %get3A_1018, %mul3A_1019 : vector<16xf32>
        %swap3A_1021 = arith.index_cast %add3A_981 : i32 to index
        %swap3A_1022 = arith.constant 48 : index
        %swap3A_1023 = tpu.vector_load %arg12[%swap3A_1021, %swap3A_1022] {strides = array<i32>} : memref<320x128xf32, #tpu.memory_space<vmem>>, vector<1x16xf32>,
        %swap3A_1024 = vector.shape_cast %swap3A_1023 : vector<1x16xf32> to vector<16xf32>
        %swap3A_1025 = vector.shape_cast %mul3A_1020 : vector<16xf32> to vector<1x16xf32>
        tpu.vector_store %arg12[%swap3A_1021, %swap3A_1022], %swap3A_1025 {strides = array<i32>} : memref<320x128xf32, #tpu.memory_space<vmem>>, vector<1x16xf32>,
        %get3A_1026 = arith.index_cast %add3A_981 : i32 to index
        %get3A_1027 = arith.constant 64 : index
        %get3A_1028 = tpu.vector_load %arg12[%get3A_1026, %get3A_1027] {strides = array<i32>} : memref<320x128xf32, #tpu.memory_space<vmem>>, vector<1x16xf32>,
        %get3A_1029 = vector.shape_cast %get3A_1028 : vector<1x16xf32> to vector<16xf32>
        %mul3A_1030 = vector.broadcast %squeeze3A_977 : f32 to vector<16xf32>
        %mul3A_1031 = arith.mulf %get3A_1029, %mul3A_1030 : vector<16xf32>
        %swap3A_1032 = arith.index_cast %add3A_981 : i32 to index
        %swap3A_1033 = arith.constant 64 : index
        %swap3A_1034 = tpu.vector_load %arg12[%swap3A_1032, %swap3A_1033] {strides = array<i32>} : memref<320x128xf32, #tpu.memory_space<vmem>>, vector<1x16xf32>,
        %swap3A_1035 = vector.shape_cast %swap3A_1034 : vector<1x16xf32> to vector<16xf32>
        %swap3A_1036 = vector.shape_cast %mul3A_1031 : vector<16xf32> to vector<1x16xf32>
        tpu.vector_store %arg12[%swap3A_1032, %swap3A_1033], %swap3A_1036 {strides = array<i32>} : memref<320x128xf32, #tpu.memory_space<vmem>>, vector<1x16xf32>,
        %get3A_1037 = arith.index_cast %add3A_981 : i32 to index
        %get3A_1038 = arith.constant 80 : index
        %get3A_1039 = tpu.vector_load %arg12[%get3A_1037, %get3A_1038] {strides = array<i32>} : memref<320x128xf32, #tpu.memory_space<vmem>>, vector<1x16xf32>,
        %get3A_1040 = vector.shape_cast %get3A_1039 : vector<1x16xf32> to vector<16xf32>
        %mul3A_1041 = vector.broadcast %squeeze3A_977 : f32 to vector<16xf32>
        %mul3A_1042 = arith.mulf %get3A_1040, %mul3A_1041 : vector<16xf32>
        %swap3A_1043 = arith.index_cast %add3A_981 : i32 to index
        %swap3A_1044 = arith.constant 80 : index
        %swap3A_1045 = tpu.vector_load %arg12[%swap3A_1043, %swap3A_1044] {strides = array<i32>} : memref<320x128xf32, #tpu.memory_space<vmem>>, vector<1x16xf32>,
        %swap3A_1046 = vector.shape_cast %swap3A_1045 : vector<1x16xf32> to vector<16xf32>
        %swap3A_1047 = vector.shape_cast %mul3A_1042 : vector<16xf32> to vector<1x16xf32>
        tpu.vector_store %arg12[%swap3A_1043, %swap3A_1044], %swap3A_1047 {strides = array<i32>} : memref<320x128xf32, #tpu.memory_space<vmem>>, vector<1x16xf32>,
        %get3A_1048 = arith.index_cast %add3A_981 : i32 to index
        %get3A_1049 = arith.constant 96 : index
        %get3A_1050 = tpu.vector_load %arg12[%get3A_1048, %get3A_1049] {strides = array<i32>} : memref<320x128xf32, #tpu.memory_space<vmem>>, vector<1x16xf32>,
        %get3A_1051 = vector.shape_cast %get3A_1050 : vector<1x16xf32> to vector<16xf32>
        %mul3A_1052 = vector.broadcast %squeeze3A_977 : f32 to vector<16xf32>
        %mul3A_1053 = arith.mulf %get3A_1051, %mul3A_1052 : vector<16xf32>
        %swap3A_1054 = arith.index_cast %add3A_981 : i32 to index
        %swap3A_1055 = arith.constant 96 : index
        %swap3A_1056 = tpu.vector_load %arg12[%swap3A_1054, %swap3A_1055] {strides = array<i32>} : memref<320x128xf32, #tpu.memory_space<vmem>>, vector<1x16xf32>,
        %swap3A_1057 = vector.shape_cast %swap3A_1056 : vector<1x16xf32> to vector<16xf32>
        %swap3A_1058 = vector.shape_cast %mul3A_1053 : vector<16xf32> to vector<1x16xf32>
        tpu.vector_store %arg12[%swap3A_1054, %swap3A_1055], %swap3A_1058 {strides = array<i32>} : memref<320x128xf32, #tpu.memory_space<vmem>>, vector<1x16xf32>,
        %get3A_1059 = arith.index_cast %add3A_981 : i32 to index
        %get3A_1060 = arith.constant 112 : index
        %get3A_1061 = tpu.vector_load %arg12[%get3A_1059, %get3A_1060] {strides = array<i32>} : memref<320x128xf32, #tpu.memory_space<vmem>>, vector<1x16xf32>,
        %get3A_1062 = vector.shape_cast %get3A_1061 : vector<1x16xf32> to vector<16xf32>
        %mul3A_1063 = vector.broadcast %squeeze3A_977 : f32 to vector<16xf32>
        %mul3A_1064 = arith.mulf %get3A_1062, %mul3A_1063 : vector<16xf32>
        %swap3A_1065 = arith.index_cast %add3A_981 : i32 to index
        %swap3A_1066 = arith.constant 112 : index
        %swap3A_1067 = tpu.vector_load %arg12[%swap3A_1065, %swap3A_1066] {strides = array<i32>} : memref<320x128xf32, #tpu.memory_space<vmem>>, vector<1x16xf32>,
        %swap3A_1068 = vector.shape_cast %swap3A_1067 : vector<1x16xf32> to vector<16xf32>
        %swap3A_1069 = vector.shape_cast %mul3A_1064 : vector<16xf32> to vector<1x16xf32>
        tpu.vector_store %arg12[%swap3A_1065, %swap3A_1066], %swap3A_1069 {strides = array<i32>} : memref<320x128xf32, #tpu.memory_space<vmem>>, vector<1x16xf32>,
        %slice3A_1070 = vector.extract_strided_slice %get3A_38 {offsets = [11], sizes = [1], strides = [1]} : vector<16xf32> to vector<1xf32>
        %squeeze3A_1071 = vector.extract %slice3A_1070[0] : f32 from vector<1xf32>
        %mul3A_1072 = arith.constant 16 : i32
        %mul3A_1073 = arith.muli %scan3A_34, %mul3A_1072 : i32
        %add3A_1074 = arith.constant 11 : i32
        %add3A_1075 = arith.addi %mul3A_1073, %add3A_1074 : i32
        %get3A_1076 = arith.index_cast %add3A_1075 : i32 to index
        %get3A_1077 = arith.constant 0 : index
        %get3A_1078 = tpu.vector_load %arg12[%get3A_1076, %get3A_1077] {strides = array<i32>} : memref<320x128xf32, #tpu.memory_space<vmem>>, vector<1x16xf32>,
        %get3A_1079 = vector.shape_cast %get3A_1078 : vector<1x16xf32> to vector<16xf32>
        %mul3A_1080 = vector.broadcast %squeeze3A_1071 : f32 to vector<16xf32>
        %mul3A_1081 = arith.mulf %get3A_1079, %mul3A_1080 : vector<16xf32>
        %swap3A_1082 = arith.index_cast %add3A_1075 : i32 to index
        %swap3A_1083 = arith.constant 0 : index
        %swap3A_1084 = tpu.vector_load %arg12[%swap3A_1082, %swap3A_1083] {strides = array<i32>} : memref<320x128xf32, #tpu.memory_space<vmem>>, vector<1x16xf32>,
        %swap3A_1085 = vector.shape_cast %swap3A_1084 : vector<1x16xf32> to vector<16xf32>
        %swap3A_1086 = vector.shape_cast %mul3A_1081 : vector<16xf32> to vector<1x16xf32>
        tpu.vector_store %arg12[%swap3A_1082, %swap3A_1083], %swap3A_1086 {strides = array<i32>} : memref<320x128xf32, #tpu.memory_space<vmem>>, vector<1x16xf32>,
        %get3A_1087 = arith.index_cast %add3A_1075 : i32 to index
        %get3A_1088 = arith.constant 16 : index
        %get3A_1089 = tpu.vector_load %arg12[%get3A_1087, %get3A_1088] {strides = array<i32>} : memref<320x128xf32, #tpu.memory_space<vmem>>, vector<1x16xf32>,
        %get3A_1090 = vector.shape_cast %get3A_1089 : vector<1x16xf32> to vector<16xf32>
        %mul3A_1091 = vector.broadcast %squeeze3A_1071 : f32 to vector<16xf32>
        %mul3A_1092 = arith.mulf %get3A_1090, %mul3A_1091 : vector<16xf32>
        %swap3A_1093 = arith.index_cast %add3A_1075 : i32 to index
        %swap3A_1094 = arith.constant 16 : index
        %swap3A_1095 = tpu.vector_load %arg12[%swap3A_1093, %swap3A_1094] {strides = array<i32>} : memref<320x128xf32, #tpu.memory_space<vmem>>, vector<1x16xf32>,
        %swap3A_1096 = vector.shape_cast %swap3A_1095 : vector<1x16xf32> to vector<16xf32>
        %swap3A_1097 = vector.shape_cast %mul3A_1092 : vector<16xf32> to vector<1x16xf32>
        tpu.vector_store %arg12[%swap3A_1093, %swap3A_1094], %swap3A_1097 {strides = array<i32>} : memref<320x128xf32, #tpu.memory_space<vmem>>, vector<1x16xf32>,
        %get3A_1098 = arith.index_cast %add3A_1075 : i32 to index
        %get3A_1099 = arith.constant 32 : index
        %get3A_1100 = tpu.vector_load %arg12[%get3A_1098, %get3A_1099] {strides = array<i32>} : memref<320x128xf32, #tpu.memory_space<vmem>>, vector<1x16xf32>,
        %get3A_1101 = vector.shape_cast %get3A_1100 : vector<1x16xf32> to vector<16xf32>
        %mul3A_1102 = vector.broadcast %squeeze3A_1071 : f32 to vector<16xf32>
        %mul3A_1103 = arith.mulf %get3A_1101, %mul3A_1102 : vector<16xf32>
        %swap3A_1104 = arith.index_cast %add3A_1075 : i32 to index
        %swap3A_1105 = arith.constant 32 : index
        %swap3A_1106 = tpu.vector_load %arg12[%swap3A_1104, %swap3A_1105] {strides = array<i32>} : memref<320x128xf32, #tpu.memory_space<vmem>>, vector<1x16xf32>,
        %swap3A_1107 = vector.shape_cast %swap3A_1106 : vector<1x16xf32> to vector<16xf32>
        %swap3A_1108 = vector.shape_cast %mul3A_1103 : vector<16xf32> to vector<1x16xf32>
        tpu.vector_store %arg12[%swap3A_1104, %swap3A_1105], %swap3A_1108 {strides = array<i32>} : memref<320x128xf32, #tpu.memory_space<vmem>>, vector<1x16xf32>,
        %get3A_1109 = arith.index_cast %add3A_1075 : i32 to index
        %get3A_1110 = arith.constant 48 : index
        %get3A_1111 = tpu.vector_load %arg12[%get3A_1109, %get3A_1110] {strides = array<i32>} : memref<320x128xf32, #tpu.memory_space<vmem>>, vector<1x16xf32>,
        %get3A_1112 = vector.shape_cast %get3A_1111 : vector<1x16xf32> to vector<16xf32>
        %mul3A_1113 = vector.broadcast %squeeze3A_1071 : f32 to vector<16xf32>
        %mul3A_1114 = arith.mulf %get3A_1112, %mul3A_1113 : vector<16xf32>
        %swap3A_1115 = arith.index_cast %add3A_1075 : i32 to index
        %swap3A_1116 = arith.constant 48 : index
        %swap3A_1117 = tpu.vector_load %arg12[%swap3A_1115, %swap3A_1116] {strides = array<i32>} : memref<320x128xf32, #tpu.memory_space<vmem>>, vector<1x16xf32>,
        %swap3A_1118 = vector.shape_cast %swap3A_1117 : vector<1x16xf32> to vector<16xf32>
        %swap3A_1119 = vector.shape_cast %mul3A_1114 : vector<16xf32> to vector<1x16xf32>
        tpu.vector_store %arg12[%swap3A_1115, %swap3A_1116], %swap3A_1119 {strides = array<i32>} : memref<320x128xf32, #tpu.memory_space<vmem>>, vector<1x16xf32>,
        %get3A_1120 = arith.index_cast %add3A_1075 : i32 to index
        %get3A_1121 = arith.constant 64 : index
        %get3A_1122 = tpu.vector_load %arg12[%get3A_1120, %get3A_1121] {strides = array<i32>} : memref<320x128xf32, #tpu.memory_space<vmem>>, vector<1x16xf32>,
        %get3A_1123 = vector.shape_cast %get3A_1122 : vector<1x16xf32> to vector<16xf32>
        %mul3A_1124 = vector.broadcast %squeeze3A_1071 : f32 to vector<16xf32>
        %mul3A_1125 = arith.mulf %get3A_1123, %mul3A_1124 : vector<16xf32>
        %swap3A_1126 = arith.index_cast %add3A_1075 : i32 to index
        %swap3A_1127 = arith.constant 64 : index
        %swap3A_1128 = tpu.vector_load %arg12[%swap3A_1126, %swap3A_1127] {strides = array<i32>} : memref<320x128xf32, #tpu.memory_space<vmem>>, vector<1x16xf32>,
        %swap3A_1129 = vector.shape_cast %swap3A_1128 : vector<1x16xf32> to vector<16xf32>
        %swap3A_1130 = vector.shape_cast %mul3A_1125 : vector<16xf32> to vector<1x16xf32>
        tpu.vector_store %arg12[%swap3A_1126, %swap3A_1127], %swap3A_1130 {strides = array<i32>} : memref<320x128xf32, #tpu.memory_space<vmem>>, vector<1x16xf32>,
        %get3A_1131 = arith.index_cast %add3A_1075 : i32 to index
        %get3A_1132 = arith.constant 80 : index
        %get3A_1133 = tpu.vector_load %arg12[%get3A_1131, %get3A_1132] {strides = array<i32>} : memref<320x128xf32, #tpu.memory_space<vmem>>, vector<1x16xf32>,
        %get3A_1134 = vector.shape_cast %get3A_1133 : vector<1x16xf32> to vector<16xf32>
        %mul3A_1135 = vector.broadcast %squeeze3A_1071 : f32 to vector<16xf32>
        %mul3A_1136 = arith.mulf %get3A_1134, %mul3A_1135 : vector<16xf32>
        %swap3A_1137 = arith.index_cast %add3A_1075 : i32 to index
        %swap3A_1138 = arith.constant 80 : index
        %swap3A_1139 = tpu.vector_load %arg12[%swap3A_1137, %swap3A_1138] {strides = array<i32>} : memref<320x128xf32, #tpu.memory_space<vmem>>, vector<1x16xf32>,
        %swap3A_1140 = vector.shape_cast %swap3A_1139 : vector<1x16xf32> to vector<16xf32>
        %swap3A_1141 = vector.shape_cast %mul3A_1136 : vector<16xf32> to vector<1x16xf32>
        tpu.vector_store %arg12[%swap3A_1137, %swap3A_1138], %swap3A_1141 {strides = array<i32>} : memref<320x128xf32, #tpu.memory_space<vmem>>, vector<1x16xf32>,
        %get3A_1142 = arith.index_cast %add3A_1075 : i32 to index
        %get3A_1143 = arith.constant 96 : index
        %get3A_1144 = tpu.vector_load %arg12[%get3A_1142, %get3A_1143] {strides = array<i32>} : memref<320x128xf32, #tpu.memory_space<vmem>>, vector<1x16xf32>,
        %get3A_1145 = vector.shape_cast %get3A_1144 : vector<1x16xf32> to vector<16xf32>
        %mul3A_1146 = vector.broadcast %squeeze3A_1071 : f32 to vector<16xf32>
        %mul3A_1147 = arith.mulf %get3A_1145, %mul3A_1146 : vector<16xf32>
        %swap3A_1148 = arith.index_cast %add3A_1075 : i32 to index
        %swap3A_1149 = arith.constant 96 : index
        %swap3A_1150 = tpu.vector_load %arg12[%swap3A_1148, %swap3A_1149] {strides = array<i32>} : memref<320x128xf32, #tpu.memory_space<vmem>>, vector<1x16xf32>,
        %swap3A_1151 = vector.shape_cast %swap3A_1150 : vector<1x16xf32> to vector<16xf32>
        %swap3A_1152 = vector.shape_cast %mul3A_1147 : vector<16xf32> to vector<1x16xf32>
        tpu.vector_store %arg12[%swap3A_1148, %swap3A_1149], %swap3A_1152 {strides = array<i32>} : memref<320x128xf32, #tpu.memory_space<vmem>>, vector<1x16xf32>,
        %get3A_1153 = arith.index_cast %add3A_1075 : i32 to index
        %get3A_1154 = arith.constant 112 : index
        %get3A_1155 = tpu.vector_load %arg12[%get3A_1153, %get3A_1154] {strides = array<i32>} : memref<320x128xf32, #tpu.memory_space<vmem>>, vector<1x16xf32>,
        %get3A_1156 = vector.shape_cast %get3A_1155 : vector<1x16xf32> to vector<16xf32>
        %mul3A_1157 = vector.broadcast %squeeze3A_1071 : f32 to vector<16xf32>
        %mul3A_1158 = arith.mulf %get3A_1156, %mul3A_1157 : vector<16xf32>
        %swap3A_1159 = arith.index_cast %add3A_1075 : i32 to index
        %swap3A_1160 = arith.constant 112 : index
        %swap3A_1161 = tpu.vector_load %arg12[%swap3A_1159, %swap3A_1160] {strides = array<i32>} : memref<320x128xf32, #tpu.memory_space<vmem>>, vector<1x16xf32>,
        %swap3A_1162 = vector.shape_cast %swap3A_1161 : vector<1x16xf32> to vector<16xf32>
        %swap3A_1163 = vector.shape_cast %mul3A_1158 : vector<16xf32> to vector<1x16xf32>
        tpu.vector_store %arg12[%swap3A_1159, %swap3A_1160], %swap3A_1163 {strides = array<i32>} : memref<320x128xf32, #tpu.memory_space<vmem>>, vector<1x16xf32>,
        %slice3A_1164 = vector.extract_strided_slice %get3A_38 {offsets = [12], sizes = [1], strides = [1]} : vector<16xf32> to vector<1xf32>
        %squeeze3A_1165 = vector.extract %slice3A_1164[0] : f32 from vector<1xf32>
        %mul3A_1166 = arith.constant 16 : i32
        %mul3A_1167 = arith.muli %scan3A_34, %mul3A_1166 : i32
        %add3A_1168 = arith.constant 12 : i32
        %add3A_1169 = arith.addi %mul3A_1167, %add3A_1168 : i32
        %get3A_1170 = arith.index_cast %add3A_1169 : i32 to index
        %get3A_1171 = arith.constant 0 : index
        %get3A_1172 = tpu.vector_load %arg12[%get3A_1170, %get3A_1171] {strides = array<i32>} : memref<320x128xf32, #tpu.memory_space<vmem>>, vector<1x16xf32>,
        %get3A_1173 = vector.shape_cast %get3A_1172 : vector<1x16xf32> to vector<16xf32>
        %mul3A_1174 = vector.broadcast %squeeze3A_1165 : f32 to vector<16xf32>
        %mul3A_1175 = arith.mulf %get3A_1173, %mul3A_1174 : vector<16xf32>
        %swap3A_1176 = arith.index_cast %add3A_1169 : i32 to index
        %swap3A_1177 = arith.constant 0 : index
        %swap3A_1178 = tpu.vector_load %arg12[%swap3A_1176, %swap3A_1177] {strides = array<i32>} : memref<320x128xf32, #tpu.memory_space<vmem>>, vector<1x16xf32>,
        %swap3A_1179 = vector.shape_cast %swap3A_1178 : vector<1x16xf32> to vector<16xf32>
        %swap3A_1180 = vector.shape_cast %mul3A_1175 : vector<16xf32> to vector<1x16xf32>
        tpu.vector_store %arg12[%swap3A_1176, %swap3A_1177], %swap3A_1180 {strides = array<i32>} : memref<320x128xf32, #tpu.memory_space<vmem>>, vector<1x16xf32>,
        %get3A_1181 = arith.index_cast %add3A_1169 : i32 to index
        %get3A_1182 = arith.constant 16 : index
        %get3A_1183 = tpu.vector_load %arg12[%get3A_1181, %get3A_1182] {strides = array<i32>} : memref<320x128xf32, #tpu.memory_space<vmem>>, vector<1x16xf32>,
        %get3A_1184 = vector.shape_cast %get3A_1183 : vector<1x16xf32> to vector<16xf32>
        %mul3A_1185 = vector.broadcast %squeeze3A_1165 : f32 to vector<16xf32>
        %mul3A_1186 = arith.mulf %get3A_1184, %mul3A_1185 : vector<16xf32>
        %swap3A_1187 = arith.index_cast %add3A_1169 : i32 to index
        %swap3A_1188 = arith.constant 16 : index
        %swap3A_1189 = tpu.vector_load %arg12[%swap3A_1187, %swap3A_1188] {strides = array<i32>} : memref<320x128xf32, #tpu.memory_space<vmem>>, vector<1x16xf32>,
        %swap3A_1190 = vector.shape_cast %swap3A_1189 : vector<1x16xf32> to vector<16xf32>
        %swap3A_1191 = vector.shape_cast %mul3A_1186 : vector<16xf32> to vector<1x16xf32>
        tpu.vector_store %arg12[%swap3A_1187, %swap3A_1188], %swap3A_1191 {strides = array<i32>} : memref<320x128xf32, #tpu.memory_space<vmem>>, vector<1x16xf32>,
        %get3A_1192 = arith.index_cast %add3A_1169 : i32 to index
        %get3A_1193 = arith.constant 32 : index
        %get3A_1194 = tpu.vector_load %arg12[%get3A_1192, %get3A_1193] {strides = array<i32>} : memref<320x128xf32, #tpu.memory_space<vmem>>, vector<1x16xf32>,
        %get3A_1195 = vector.shape_cast %get3A_1194 : vector<1x16xf32> to vector<16xf32>
        %mul3A_1196 = vector.broadcast %squeeze3A_1165 : f32 to vector<16xf32>
        %mul3A_1197 = arith.mulf %get3A_1195, %mul3A_1196 : vector<16xf32>
        %swap3A_1198 = arith.index_cast %add3A_1169 : i32 to index
        %swap3A_1199 = arith.constant 32 : index
        %swap3A_1200 = tpu.vector_load %arg12[%swap3A_1198, %swap3A_1199] {strides = array<i32>} : memref<320x128xf32, #tpu.memory_space<vmem>>, vector<1x16xf32>,
        %swap3A_1201 = vector.shape_cast %swap3A_1200 : vector<1x16xf32> to vector<16xf32>
        %swap3A_1202 = vector.shape_cast %mul3A_1197 : vector<16xf32> to vector<1x16xf32>
        tpu.vector_store %arg12[%swap3A_1198, %swap3A_1199], %swap3A_1202 {strides = array<i32>} : memref<320x128xf32, #tpu.memory_space<vmem>>, vector<1x16xf32>,
        %get3A_1203 = arith.index_cast %add3A_1169 : i32 to index
        %get3A_1204 = arith.constant 48 : index
        %get3A_1205 = tpu.vector_load %arg12[%get3A_1203, %get3A_1204] {strides = array<i32>} : memref<320x128xf32, #tpu.memory_space<vmem>>, vector<1x16xf32>,
        %get3A_1206 = vector.shape_cast %get3A_1205 : vector<1x16xf32> to vector<16xf32>
        %mul3A_1207 = vector.broadcast %squeeze3A_1165 : f32 to vector<16xf32>
        %mul3A_1208 = arith.mulf %get3A_1206, %mul3A_1207 : vector<16xf32>
        %swap3A_1209 = arith.index_cast %add3A_1169 : i32 to index
        %swap3A_1210 = arith.constant 48 : index
        %swap3A_1211 = tpu.vector_load %arg12[%swap3A_1209, %swap3A_1210] {strides = array<i32>} : memref<320x128xf32, #tpu.memory_space<vmem>>, vector<1x16xf32>,
        %swap3A_1212 = vector.shape_cast %swap3A_1211 : vector<1x16xf32> to vector<16xf32>
        %swap3A_1213 = vector.shape_cast %mul3A_1208 : vector<16xf32> to vector<1x16xf32>
        tpu.vector_store %arg12[%swap3A_1209, %swap3A_1210], %swap3A_1213 {strides = array<i32>} : memref<320x128xf32, #tpu.memory_space<vmem>>, vector<1x16xf32>,
        %get3A_1214 = arith.index_cast %add3A_1169 : i32 to index
        %get3A_1215 = arith.constant 64 : index
        %get3A_1216 = tpu.vector_load %arg12[%get3A_1214, %get3A_1215] {strides = array<i32>} : memref<320x128xf32, #tpu.memory_space<vmem>>, vector<1x16xf32>,
        %get3A_1217 = vector.shape_cast %get3A_1216 : vector<1x16xf32> to vector<16xf32>
        %mul3A_1218 = vector.broadcast %squeeze3A_1165 : f32 to vector<16xf32>
        %mul3A_1219 = arith.mulf %get3A_1217, %mul3A_1218 : vector<16xf32>
        %swap3A_1220 = arith.index_cast %add3A_1169 : i32 to index
        %swap3A_1221 = arith.constant 64 : index
        %swap3A_1222 = tpu.vector_load %arg12[%swap3A_1220, %swap3A_1221] {strides = array<i32>} : memref<320x128xf32, #tpu.memory_space<vmem>>, vector<1x16xf32>,
        %swap3A_1223 = vector.shape_cast %swap3A_1222 : vector<1x16xf32> to vector<16xf32>
        %swap3A_1224 = vector.shape_cast %mul3A_1219 : vector<16xf32> to vector<1x16xf32>
        tpu.vector_store %arg12[%swap3A_1220, %swap3A_1221], %swap3A_1224 {strides = array<i32>} : memref<320x128xf32, #tpu.memory_space<vmem>>, vector<1x16xf32>,
        %get3A_1225 = arith.index_cast %add3A_1169 : i32 to index
        %get3A_1226 = arith.constant 80 : index
        %get3A_1227 = tpu.vector_load %arg12[%get3A_1225, %get3A_1226] {strides = array<i32>} : memref<320x128xf32, #tpu.memory_space<vmem>>, vector<1x16xf32>,
        %get3A_1228 = vector.shape_cast %get3A_1227 : vector<1x16xf32> to vector<16xf32>
        %mul3A_1229 = vector.broadcast %squeeze3A_1165 : f32 to vector<16xf32>
        %mul3A_1230 = arith.mulf %get3A_1228, %mul3A_1229 : vector<16xf32>
        %swap3A_1231 = arith.index_cast %add3A_1169 : i32 to index
        %swap3A_1232 = arith.constant 80 : index
        %swap3A_1233 = tpu.vector_load %arg12[%swap3A_1231, %swap3A_1232] {strides = array<i32>} : memref<320x128xf32, #tpu.memory_space<vmem>>, vector<1x16xf32>,
        %swap3A_1234 = vector.shape_cast %swap3A_1233 : vector<1x16xf32> to vector<16xf32>
        %swap3A_1235 = vector.shape_cast %mul3A_1230 : vector<16xf32> to vector<1x16xf32>
        tpu.vector_store %arg12[%swap3A_1231, %swap3A_1232], %swap3A_1235 {strides = array<i32>} : memref<320x128xf32, #tpu.memory_space<vmem>>, vector<1x16xf32>,
        %get3A_1236 = arith.index_cast %add3A_1169 : i32 to index
        %get3A_1237 = arith.constant 96 : index
        %get3A_1238 = tpu.vector_load %arg12[%get3A_1236, %get3A_1237] {strides = array<i32>} : memref<320x128xf32, #tpu.memory_space<vmem>>, vector<1x16xf32>,
        %get3A_1239 = vector.shape_cast %get3A_1238 : vector<1x16xf32> to vector<16xf32>
        %mul3A_1240 = vector.broadcast %squeeze3A_1165 : f32 to vector<16xf32>
        %mul3A_1241 = arith.mulf %get3A_1239, %mul3A_1240 : vector<16xf32>
        %swap3A_1242 = arith.index_cast %add3A_1169 : i32 to index
        %swap3A_1243 = arith.constant 96 : index
        %swap3A_1244 = tpu.vector_load %arg12[%swap3A_1242, %swap3A_1243] {strides = array<i32>} : memref<320x128xf32, #tpu.memory_space<vmem>>, vector<1x16xf32>,
        %swap3A_1245 = vector.shape_cast %swap3A_1244 : vector<1x16xf32> to vector<16xf32>
        %swap3A_1246 = vector.shape_cast %mul3A_1241 : vector<16xf32> to vector<1x16xf32>
        tpu.vector_store %arg12[%swap3A_1242, %swap3A_1243], %swap3A_1246 {strides = array<i32>} : memref<320x128xf32, #tpu.memory_space<vmem>>, vector<1x16xf32>,
        %get3A_1247 = arith.index_cast %add3A_1169 : i32 to index
        %get3A_1248 = arith.constant 112 : index
        %get3A_1249 = tpu.vector_load %arg12[%get3A_1247, %get3A_1248] {strides = array<i32>} : memref<320x128xf32, #tpu.memory_space<vmem>>, vector<1x16xf32>,
        %get3A_1250 = vector.shape_cast %get3A_1249 : vector<1x16xf32> to vector<16xf32>
        %mul3A_1251 = vector.broadcast %squeeze3A_1165 : f32 to vector<16xf32>
        %mul3A_1252 = arith.mulf %get3A_1250, %mul3A_1251 : vector<16xf32>
        %swap3A_1253 = arith.index_cast %add3A_1169 : i32 to index
        %swap3A_1254 = arith.constant 112 : index
        %swap3A_1255 = tpu.vector_load %arg12[%swap3A_1253, %swap3A_1254] {strides = array<i32>} : memref<320x128xf32, #tpu.memory_space<vmem>>, vector<1x16xf32>,
        %swap3A_1256 = vector.shape_cast %swap3A_1255 : vector<1x16xf32> to vector<16xf32>
        %swap3A_1257 = vector.shape_cast %mul3A_1252 : vector<16xf32> to vector<1x16xf32>
        tpu.vector_store %arg12[%swap3A_1253, %swap3A_1254], %swap3A_1257 {strides = array<i32>} : memref<320x128xf32, #tpu.memory_space<vmem>>, vector<1x16xf32>,
        %slice3A_1258 = vector.extract_strided_slice %get3A_38 {offsets = [13], sizes = [1], strides = [1]} : vector<16xf32> to vector<1xf32>
        %squeeze3A_1259 = vector.extract %slice3A_1258[0] : f32 from vector<1xf32>
        %mul3A_1260 = arith.constant 16 : i32
        %mul3A_1261 = arith.muli %scan3A_34, %mul3A_1260 : i32
        %add3A_1262 = arith.constant 13 : i32
        %add3A_1263 = arith.addi %mul3A_1261, %add3A_1262 : i32
        %get3A_1264 = arith.index_cast %add3A_1263 : i32 to index
        %get3A_1265 = arith.constant 0 : index
        %get3A_1266 = tpu.vector_load %arg12[%get3A_1264, %get3A_1265] {strides = array<i32>} : memref<320x128xf32, #tpu.memory_space<vmem>>, vector<1x16xf32>,
        %get3A_1267 = vector.shape_cast %get3A_1266 : vector<1x16xf32> to vector<16xf32>
        %mul3A_1268 = vector.broadcast %squeeze3A_1259 : f32 to vector<16xf32>
        %mul3A_1269 = arith.mulf %get3A_1267, %mul3A_1268 : vector<16xf32>
        %swap3A_1270 = arith.index_cast %add3A_1263 : i32 to index
        %swap3A_1271 = arith.constant 0 : index
        %swap3A_1272 = tpu.vector_load %arg12[%swap3A_1270, %swap3A_1271] {strides = array<i32>} : memref<320x128xf32, #tpu.memory_space<vmem>>, vector<1x16xf32>,
        %swap3A_1273 = vector.shape_cast %swap3A_1272 : vector<1x16xf32> to vector<16xf32>
        %swap3A_1274 = vector.shape_cast %mul3A_1269 : vector<16xf32> to vector<1x16xf32>
        tpu.vector_store %arg12[%swap3A_1270, %swap3A_1271], %swap3A_1274 {strides = array<i32>} : memref<320x128xf32, #tpu.memory_space<vmem>>, vector<1x16xf32>,
        %get3A_1275 = arith.index_cast %add3A_1263 : i32 to index
        %get3A_1276 = arith.constant 16 : index
        %get3A_1277 = tpu.vector_load %arg12[%get3A_1275, %get3A_1276] {strides = array<i32>} : memref<320x128xf32, #tpu.memory_space<vmem>>, vector<1x16xf32>,
        %get3A_1278 = vector.shape_cast %get3A_1277 : vector<1x16xf32> to vector<16xf32>
        %mul3A_1279 = vector.broadcast %squeeze3A_1259 : f32 to vector<16xf32>
        %mul3A_1280 = arith.mulf %get3A_1278, %mul3A_1279 : vector<16xf32>
        %swap3A_1281 = arith.index_cast %add3A_1263 : i32 to index
        %swap3A_1282 = arith.constant 16 : index
        %swap3A_1283 = tpu.vector_load %arg12[%swap3A_1281, %swap3A_1282] {strides = array<i32>} : memref<320x128xf32, #tpu.memory_space<vmem>>, vector<1x16xf32>,
        %swap3A_1284 = vector.shape_cast %swap3A_1283 : vector<1x16xf32> to vector<16xf32>
        %swap3A_1285 = vector.shape_cast %mul3A_1280 : vector<16xf32> to vector<1x16xf32>
        tpu.vector_store %arg12[%swap3A_1281, %swap3A_1282], %swap3A_1285 {strides = array<i32>} : memref<320x128xf32, #tpu.memory_space<vmem>>, vector<1x16xf32>,
        %get3A_1286 = arith.index_cast %add3A_1263 : i32 to index
        %get3A_1287 = arith.constant 32 : index
        %get3A_1288 = tpu.vector_load %arg12[%get3A_1286, %get3A_1287] {strides = array<i32>} : memref<320x128xf32, #tpu.memory_space<vmem>>, vector<1x16xf32>,
        %get3A_1289 = vector.shape_cast %get3A_1288 : vector<1x16xf32> to vector<16xf32>
        %mul3A_1290 = vector.broadcast %squeeze3A_1259 : f32 to vector<16xf32>
        %mul3A_1291 = arith.mulf %get3A_1289, %mul3A_1290 : vector<16xf32>
        %swap3A_1292 = arith.index_cast %add3A_1263 : i32 to index
        %swap3A_1293 = arith.constant 32 : index
        %swap3A_1294 = tpu.vector_load %arg12[%swap3A_1292, %swap3A_1293] {strides = array<i32>} : memref<320x128xf32, #tpu.memory_space<vmem>>, vector<1x16xf32>,
        %swap3A_1295 = vector.shape_cast %swap3A_1294 : vector<1x16xf32> to vector<16xf32>
        %swap3A_1296 = vector.shape_cast %mul3A_1291 : vector<16xf32> to vector<1x16xf32>
        tpu.vector_store %arg12[%swap3A_1292, %swap3A_1293], %swap3A_1296 {strides = array<i32>} : memref<320x128xf32, #tpu.memory_space<vmem>>, vector<1x16xf32>,
        %get3A_1297 = arith.index_cast %add3A_1263 : i32 to index
        %get3A_1298 = arith.constant 48 : index
        %get3A_1299 = tpu.vector_load %arg12[%get3A_1297, %get3A_1298] {strides = array<i32>} : memref<320x128xf32, #tpu.memory_space<vmem>>, vector<1x16xf32>,
        %get3A_1300 = vector.shape_cast %get3A_1299 : vector<1x16xf32> to vector<16xf32>
        %mul3A_1301 = vector.broadcast %squeeze3A_1259 : f32 to vector<16xf32>
        %mul3A_1302 = arith.mulf %get3A_1300, %mul3A_1301 : vector<16xf32>
        %swap3A_1303 = arith.index_cast %add3A_1263 : i32 to index
        %swap3A_1304 = arith.constant 48 : index
        %swap3A_1305 = tpu.vector_load %arg12[%swap3A_1303, %swap3A_1304] {strides = array<i32>} : memref<320x128xf32, #tpu.memory_space<vmem>>, vector<1x16xf32>,
        %swap3A_1306 = vector.shape_cast %swap3A_1305 : vector<1x16xf32> to vector<16xf32>
        %swap3A_1307 = vector.shape_cast %mul3A_1302 : vector<16xf32> to vector<1x16xf32>
        tpu.vector_store %arg12[%swap3A_1303, %swap3A_1304], %swap3A_1307 {strides = array<i32>} : memref<320x128xf32, #tpu.memory_space<vmem>>, vector<1x16xf32>,
        %get3A_1308 = arith.index_cast %add3A_1263 : i32 to index
        %get3A_1309 = arith.constant 64 : index
        %get3A_1310 = tpu.vector_load %arg12[%get3A_1308, %get3A_1309] {strides = array<i32>} : memref<320x128xf32, #tpu.memory_space<vmem>>, vector<1x16xf32>,
        %get3A_1311 = vector.shape_cast %get3A_1310 : vector<1x16xf32> to vector<16xf32>
        %mul3A_1312 = vector.broadcast %squeeze3A_1259 : f32 to vector<16xf32>
        %mul3A_1313 = arith.mulf %get3A_1311, %mul3A_1312 : vector<16xf32>
        %swap3A_1314 = arith.index_cast %add3A_1263 : i32 to index
        %swap3A_1315 = arith.constant 64 : index
        %swap3A_1316 = tpu.vector_load %arg12[%swap3A_1314, %swap3A_1315] {strides = array<i32>} : memref<320x128xf32, #tpu.memory_space<vmem>>, vector<1x16xf32>,
        %swap3A_1317 = vector.shape_cast %swap3A_1316 : vector<1x16xf32> to vector<16xf32>
        %swap3A_1318 = vector.shape_cast %mul3A_1313 : vector<16xf32> to vector<1x16xf32>
        tpu.vector_store %arg12[%swap3A_1314, %swap3A_1315], %swap3A_1318 {strides = array<i32>} : memref<320x128xf32, #tpu.memory_space<vmem>>, vector<1x16xf32>,
        %get3A_1319 = arith.index_cast %add3A_1263 : i32 to index
        %get3A_1320 = arith.constant 80 : index
        %get3A_1321 = tpu.vector_load %arg12[%get3A_1319, %get3A_1320] {strides = array<i32>} : memref<320x128xf32, #tpu.memory_space<vmem>>, vector<1x16xf32>,
        %get3A_1322 = vector.shape_cast %get3A_1321 : vector<1x16xf32> to vector<16xf32>
        %mul3A_1323 = vector.broadcast %squeeze3A_1259 : f32 to vector<16xf32>
        %mul3A_1324 = arith.mulf %get3A_1322, %mul3A_1323 : vector<16xf32>
        %swap3A_1325 = arith.index_cast %add3A_1263 : i32 to index
        %swap3A_1326 = arith.constant 80 : index
        %swap3A_1327 = tpu.vector_load %arg12[%swap3A_1325, %swap3A_1326] {strides = array<i32>} : memref<320x128xf32, #tpu.memory_space<vmem>>, vector<1x16xf32>,
        %swap3A_1328 = vector.shape_cast %swap3A_1327 : vector<1x16xf32> to vector<16xf32>
        %swap3A_1329 = vector.shape_cast %mul3A_1324 : vector<16xf32> to vector<1x16xf32>
        tpu.vector_store %arg12[%swap3A_1325, %swap3A_1326], %swap3A_1329 {strides = array<i32>} : memref<320x128xf32, #tpu.memory_space<vmem>>, vector<1x16xf32>,
        %get3A_1330 = arith.index_cast %add3A_1263 : i32 to index
        %get3A_1331 = arith.constant 96 : index
        %get3A_1332 = tpu.vector_load %arg12[%get3A_1330, %get3A_1331] {strides = array<i32>} : memref<320x128xf32, #tpu.memory_space<vmem>>, vector<1x16xf32>,
        %get3A_1333 = vector.shape_cast %get3A_1332 : vector<1x16xf32> to vector<16xf32>
        %mul3A_1334 = vector.broadcast %squeeze3A_1259 : f32 to vector<16xf32>
        %mul3A_1335 = arith.mulf %get3A_1333, %mul3A_1334 : vector<16xf32>
        %swap3A_1336 = arith.index_cast %add3A_1263 : i32 to index
        %swap3A_1337 = arith.constant 96 : index
        %swap3A_1338 = tpu.vector_load %arg12[%swap3A_1336, %swap3A_1337] {strides = array<i32>} : memref<320x128xf32, #tpu.memory_space<vmem>>, vector<1x16xf32>,
        %swap3A_1339 = vector.shape_cast %swap3A_1338 : vector<1x16xf32> to vector<16xf32>
        %swap3A_1340 = vector.shape_cast %mul3A_1335 : vector<16xf32> to vector<1x16xf32>
        tpu.vector_store %arg12[%swap3A_1336, %swap3A_1337], %swap3A_1340 {strides = array<i32>} : memref<320x128xf32, #tpu.memory_space<vmem>>, vector<1x16xf32>,
        %get3A_1341 = arith.index_cast %add3A_1263 : i32 to index
        %get3A_1342 = arith.constant 112 : index
        %get3A_1343 = tpu.vector_load %arg12[%get3A_1341, %get3A_1342] {strides = array<i32>} : memref<320x128xf32, #tpu.memory_space<vmem>>, vector<1x16xf32>,
        %get3A_1344 = vector.shape_cast %get3A_1343 : vector<1x16xf32> to vector<16xf32>
        %mul3A_1345 = vector.broadcast %squeeze3A_1259 : f32 to vector<16xf32>
        %mul3A_1346 = arith.mulf %get3A_1344, %mul3A_1345 : vector<16xf32>
        %swap3A_1347 = arith.index_cast %add3A_1263 : i32 to index
        %swap3A_1348 = arith.constant 112 : index
        %swap3A_1349 = tpu.vector_load %arg12[%swap3A_1347, %swap3A_1348] {strides = array<i32>} : memref<320x128xf32, #tpu.memory_space<vmem>>, vector<1x16xf32>,
        %swap3A_1350 = vector.shape_cast %swap3A_1349 : vector<1x16xf32> to vector<16xf32>
        %swap3A_1351 = vector.shape_cast %mul3A_1346 : vector<16xf32> to vector<1x16xf32>
        tpu.vector_store %arg12[%swap3A_1347, %swap3A_1348], %swap3A_1351 {strides = array<i32>} : memref<320x128xf32, #tpu.memory_space<vmem>>, vector<1x16xf32>,
        %slice3A_1352 = vector.extract_strided_slice %get3A_38 {offsets = [14], sizes = [1], strides = [1]} : vector<16xf32> to vector<1xf32>
        %squeeze3A_1353 = vector.extract %slice3A_1352[0] : f32 from vector<1xf32>
        %mul3A_1354 = arith.constant 16 : i32
        %mul3A_1355 = arith.muli %scan3A_34, %mul3A_1354 : i32
        %add3A_1356 = arith.constant 14 : i32
        %add3A_1357 = arith.addi %mul3A_1355, %add3A_1356 : i32
        %get3A_1358 = arith.index_cast %add3A_1357 : i32 to index
        %get3A_1359 = arith.constant 0 : index
        %get3A_1360 = tpu.vector_load %arg12[%get3A_1358, %get3A_1359] {strides = array<i32>} : memref<320x128xf32, #tpu.memory_space<vmem>>, vector<1x16xf32>,
        %get3A_1361 = vector.shape_cast %get3A_1360 : vector<1x16xf32> to vector<16xf32>
        %mul3A_1362 = vector.broadcast %squeeze3A_1353 : f32 to vector<16xf32>
        %mul3A_1363 = arith.mulf %get3A_1361, %mul3A_1362 : vector<16xf32>
        %swap3A_1364 = arith.index_cast %add3A_1357 : i32 to index
        %swap3A_1365 = arith.constant 0 : index
        %swap3A_1366 = tpu.vector_load %arg12[%swap3A_1364, %swap3A_1365] {strides = array<i32>} : memref<320x128xf32, #tpu.memory_space<vmem>>, vector<1x16xf32>,
        %swap3A_1367 = vector.shape_cast %swap3A_1366 : vector<1x16xf32> to vector<16xf32>
        %swap3A_1368 = vector.shape_cast %mul3A_1363 : vector<16xf32> to vector<1x16xf32>
        tpu.vector_store %arg12[%swap3A_1364, %swap3A_1365], %swap3A_1368 {strides = array<i32>} : memref<320x128xf32, #tpu.memory_space<vmem>>, vector<1x16xf32>,
        %get3A_1369 = arith.index_cast %add3A_1357 : i32 to index
        %get3A_1370 = arith.constant 16 : index
        %get3A_1371 = tpu.vector_load %arg12[%get3A_1369, %get3A_1370] {strides = array<i32>} : memref<320x128xf32, #tpu.memory_space<vmem>>, vector<1x16xf32>,
        %get3A_1372 = vector.shape_cast %get3A_1371 : vector<1x16xf32> to vector<16xf32>
        %mul3A_1373 = vector.broadcast %squeeze3A_1353 : f32 to vector<16xf32>
        %mul3A_1374 = arith.mulf %get3A_1372, %mul3A_1373 : vector<16xf32>
        %swap3A_1375 = arith.index_cast %add3A_1357 : i32 to index
        %swap3A_1376 = arith.constant 16 : index
        %swap3A_1377 = tpu.vector_load %arg12[%swap3A_1375, %swap3A_1376] {strides = array<i32>} : memref<320x128xf32, #tpu.memory_space<vmem>>, vector<1x16xf32>,
        %swap3A_1378 = vector.shape_cast %swap3A_1377 : vector<1x16xf32> to vector<16xf32>
        %swap3A_1379 = vector.shape_cast %mul3A_1374 : vector<16xf32> to vector<1x16xf32>
        tpu.vector_store %arg12[%swap3A_1375, %swap3A_1376], %swap3A_1379 {strides = array<i32>} : memref<320x128xf32, #tpu.memory_space<vmem>>, vector<1x16xf32>,
        %get3A_1380 = arith.index_cast %add3A_1357 : i32 to index
        %get3A_1381 = arith.constant 32 : index
        %get3A_1382 = tpu.vector_load %arg12[%get3A_1380, %get3A_1381] {strides = array<i32>} : memref<320x128xf32, #tpu.memory_space<vmem>>, vector<1x16xf32>,
        %get3A_1383 = vector.shape_cast %get3A_1382 : vector<1x16xf32> to vector<16xf32>
        %mul3A_1384 = vector.broadcast %squeeze3A_1353 : f32 to vector<16xf32>
        %mul3A_1385 = arith.mulf %get3A_1383, %mul3A_1384 : vector<16xf32>
        %swap3A_1386 = arith.index_cast %add3A_1357 : i32 to index
        %swap3A_1387 = arith.constant 32 : index
        %swap3A_1388 = tpu.vector_load %arg12[%swap3A_1386, %swap3A_1387] {strides = array<i32>} : memref<320x128xf32, #tpu.memory_space<vmem>>, vector<1x16xf32>,
        %swap3A_1389 = vector.shape_cast %swap3A_1388 : vector<1x16xf32> to vector<16xf32>
        %swap3A_1390 = vector.shape_cast %mul3A_1385 : vector<16xf32> to vector<1x16xf32>
        tpu.vector_store %arg12[%swap3A_1386, %swap3A_1387], %swap3A_1390 {strides = array<i32>} : memref<320x128xf32, #tpu.memory_space<vmem>>, vector<1x16xf32>,
        %get3A_1391 = arith.index_cast %add3A_1357 : i32 to index
        %get3A_1392 = arith.constant 48 : index
        %get3A_1393 = tpu.vector_load %arg12[%get3A_1391, %get3A_1392] {strides = array<i32>} : memref<320x128xf32, #tpu.memory_space<vmem>>, vector<1x16xf32>,
        %get3A_1394 = vector.shape_cast %get3A_1393 : vector<1x16xf32> to vector<16xf32>
        %mul3A_1395 = vector.broadcast %squeeze3A_1353 : f32 to vector<16xf32>
        %mul3A_1396 = arith.mulf %get3A_1394, %mul3A_1395 : vector<16xf32>
        %swap3A_1397 = arith.index_cast %add3A_1357 : i32 to index
        %swap3A_1398 = arith.constant 48 : index
        %swap3A_1399 = tpu.vector_load %arg12[%swap3A_1397, %swap3A_1398] {strides = array<i32>} : memref<320x128xf32, #tpu.memory_space<vmem>>, vector<1x16xf32>,
        %swap3A_1400 = vector.shape_cast %swap3A_1399 : vector<1x16xf32> to vector<16xf32>
        %swap3A_1401 = vector.shape_cast %mul3A_1396 : vector<16xf32> to vector<1x16xf32>
        tpu.vector_store %arg12[%swap3A_1397, %swap3A_1398], %swap3A_1401 {strides = array<i32>} : memref<320x128xf32, #tpu.memory_space<vmem>>, vector<1x16xf32>,
        %get3A_1402 = arith.index_cast %add3A_1357 : i32 to index
        %get3A_1403 = arith.constant 64 : index
        %get3A_1404 = tpu.vector_load %arg12[%get3A_1402, %get3A_1403] {strides = array<i32>} : memref<320x128xf32, #tpu.memory_space<vmem>>, vector<1x16xf32>,
        %get3A_1405 = vector.shape_cast %get3A_1404 : vector<1x16xf32> to vector<16xf32>
        %mul3A_1406 = vector.broadcast %squeeze3A_1353 : f32 to vector<16xf32>
        %mul3A_1407 = arith.mulf %get3A_1405, %mul3A_1406 : vector<16xf32>
        %swap3A_1408 = arith.index_cast %add3A_1357 : i32 to index
        %swap3A_1409 = arith.constant 64 : index
        %swap3A_1410 = tpu.vector_load %arg12[%swap3A_1408, %swap3A_1409] {strides = array<i32>} : memref<320x128xf32, #tpu.memory_space<vmem>>, vector<1x16xf32>,
        %swap3A_1411 = vector.shape_cast %swap3A_1410 : vector<1x16xf32> to vector<16xf32>
        %swap3A_1412 = vector.shape_cast %mul3A_1407 : vector<16xf32> to vector<1x16xf32>
        tpu.vector_store %arg12[%swap3A_1408, %swap3A_1409], %swap3A_1412 {strides = array<i32>} : memref<320x128xf32, #tpu.memory_space<vmem>>, vector<1x16xf32>,
        %get3A_1413 = arith.index_cast %add3A_1357 : i32 to index
        %get3A_1414 = arith.constant 80 : index
        %get3A_1415 = tpu.vector_load %arg12[%get3A_1413, %get3A_1414] {strides = array<i32>} : memref<320x128xf32, #tpu.memory_space<vmem>>, vector<1x16xf32>,
        %get3A_1416 = vector.shape_cast %get3A_1415 : vector<1x16xf32> to vector<16xf32>
        %mul3A_1417 = vector.broadcast %squeeze3A_1353 : f32 to vector<16xf32>
        %mul3A_1418 = arith.mulf %get3A_1416, %mul3A_1417 : vector<16xf32>
        %swap3A_1419 = arith.index_cast %add3A_1357 : i32 to index
        %swap3A_1420 = arith.constant 80 : index
        %swap3A_1421 = tpu.vector_load %arg12[%swap3A_1419, %swap3A_1420] {strides = array<i32>} : memref<320x128xf32, #tpu.memory_space<vmem>>, vector<1x16xf32>,
        %swap3A_1422 = vector.shape_cast %swap3A_1421 : vector<1x16xf32> to vector<16xf32>
        %swap3A_1423 = vector.shape_cast %mul3A_1418 : vector<16xf32> to vector<1x16xf32>
        tpu.vector_store %arg12[%swap3A_1419, %swap3A_1420], %swap3A_1423 {strides = array<i32>} : memref<320x128xf32, #tpu.memory_space<vmem>>, vector<1x16xf32>,
        %get3A_1424 = arith.index_cast %add3A_1357 : i32 to index
        %get3A_1425 = arith.constant 96 : index
        %get3A_1426 = tpu.vector_load %arg12[%get3A_1424, %get3A_1425] {strides = array<i32>} : memref<320x128xf32, #tpu.memory_space<vmem>>, vector<1x16xf32>,
        %get3A_1427 = vector.shape_cast %get3A_1426 : vector<1x16xf32> to vector<16xf32>
        %mul3A_1428 = vector.broadcast %squeeze3A_1353 : f32 to vector<16xf32>
        %mul3A_1429 = arith.mulf %get3A_1427, %mul3A_1428 : vector<16xf32>
        %swap3A_1430 = arith.index_cast %add3A_1357 : i32 to index
        %swap3A_1431 = arith.constant 96 : index
        %swap3A_1432 = tpu.vector_load %arg12[%swap3A_1430, %swap3A_1431] {strides = array<i32>} : memref<320x128xf32, #tpu.memory_space<vmem>>, vector<1x16xf32>,
        %swap3A_1433 = vector.shape_cast %swap3A_1432 : vector<1x16xf32> to vector<16xf32>
        %swap3A_1434 = vector.shape_cast %mul3A_1429 : vector<16xf32> to vector<1x16xf32>
        tpu.vector_store %arg12[%swap3A_1430, %swap3A_1431], %swap3A_1434 {strides = array<i32>} : memref<320x128xf32, #tpu.memory_space<vmem>>, vector<1x16xf32>,
        %get3A_1435 = arith.index_cast %add3A_1357 : i32 to index
        %get3A_1436 = arith.constant 112 : index
        %get3A_1437 = tpu.vector_load %arg12[%get3A_1435, %get3A_1436] {strides = array<i32>} : memref<320x128xf32, #tpu.memory_space<vmem>>, vector<1x16xf32>,
        %get3A_1438 = vector.shape_cast %get3A_1437 : vector<1x16xf32> to vector<16xf32>
        %mul3A_1439 = vector.broadcast %squeeze3A_1353 : f32 to vector<16xf32>
        %mul3A_1440 = arith.mulf %get3A_1438, %mul3A_1439 : vector<16xf32>
        %swap3A_1441 = arith.index_cast %add3A_1357 : i32 to index
        %swap3A_1442 = arith.constant 112 : index
        %swap3A_1443 = tpu.vector_load %arg12[%swap3A_1441, %swap3A_1442] {strides = array<i32>} : memref<320x128xf32, #tpu.memory_space<vmem>>, vector<1x16xf32>,
        %swap3A_1444 = vector.shape_cast %swap3A_1443 : vector<1x16xf32> to vector<16xf32>
        %swap3A_1445 = vector.shape_cast %mul3A_1440 : vector<16xf32> to vector<1x16xf32>
        tpu.vector_store %arg12[%swap3A_1441, %swap3A_1442], %swap3A_1445 {strides = array<i32>} : memref<320x128xf32, #tpu.memory_space<vmem>>, vector<1x16xf32>,
        %slice3A_1446 = vector.extract_strided_slice %get3A_38 {offsets = [15], sizes = [1], strides = [1]} : vector<16xf32> to vector<1xf32>
        %squeeze3A_1447 = vector.extract %slice3A_1446[0] : f32 from vector<1xf32>
        %mul3A_1448 = arith.constant 16 : i32
        %mul3A_1449 = arith.muli %scan3A_34, %mul3A_1448 : i32
        %add3A_1450 = arith.constant 15 : i32
        %add3A_1451 = arith.addi %mul3A_1449, %add3A_1450 : i32
        %get3A_1452 = arith.index_cast %add3A_1451 : i32 to index
        %get3A_1453 = arith.constant 0 : index
        %get3A_1454 = tpu.vector_load %arg12[%get3A_1452, %get3A_1453] {strides = array<i32>} : memref<320x128xf32, #tpu.memory_space<vmem>>, vector<1x16xf32>,
        %get3A_1455 = vector.shape_cast %get3A_1454 : vector<1x16xf32> to vector<16xf32>
        %mul3A_1456 = vector.broadcast %squeeze3A_1447 : f32 to vector<16xf32>
        %mul3A_1457 = arith.mulf %get3A_1455, %mul3A_1456 : vector<16xf32>
        %swap3A_1458 = arith.index_cast %add3A_1451 : i32 to index
        %swap3A_1459 = arith.constant 0 : index
        %swap3A_1460 = tpu.vector_load %arg12[%swap3A_1458, %swap3A_1459] {strides = array<i32>} : memref<320x128xf32, #tpu.memory_space<vmem>>, vector<1x16xf32>,
        %swap3A_1461 = vector.shape_cast %swap3A_1460 : vector<1x16xf32> to vector<16xf32>
        %swap3A_1462 = vector.shape_cast %mul3A_1457 : vector<16xf32> to vector<1x16xf32>
        tpu.vector_store %arg12[%swap3A_1458, %swap3A_1459], %swap3A_1462 {strides = array<i32>} : memref<320x128xf32, #tpu.memory_space<vmem>>, vector<1x16xf32>,
        %get3A_1463 = arith.index_cast %add3A_1451 : i32 to index
        %get3A_1464 = arith.constant 16 : index
        %get3A_1465 = tpu.vector_load %arg12[%get3A_1463, %get3A_1464] {strides = array<i32>} : memref<320x128xf32, #tpu.memory_space<vmem>>, vector<1x16xf32>,
        %get3A_1466 = vector.shape_cast %get3A_1465 : vector<1x16xf32> to vector<16xf32>
        %mul3A_1467 = vector.broadcast %squeeze3A_1447 : f32 to vector<16xf32>
        %mul3A_1468 = arith.mulf %get3A_1466, %mul3A_1467 : vector<16xf32>
        %swap3A_1469 = arith.index_cast %add3A_1451 : i32 to index
        %swap3A_1470 = arith.constant 16 : index
        %swap3A_1471 = tpu.vector_load %arg12[%swap3A_1469, %swap3A_1470] {strides = array<i32>} : memref<320x128xf32, #tpu.memory_space<vmem>>, vector<1x16xf32>,
        %swap3A_1472 = vector.shape_cast %swap3A_1471 : vector<1x16xf32> to vector<16xf32>
        %swap3A_1473 = vector.shape_cast %mul3A_1468 : vector<16xf32> to vector<1x16xf32>
        tpu.vector_store %arg12[%swap3A_1469, %swap3A_1470], %swap3A_1473 {strides = array<i32>} : memref<320x128xf32, #tpu.memory_space<vmem>>, vector<1x16xf32>,
        %get3A_1474 = arith.index_cast %add3A_1451 : i32 to index
        %get3A_1475 = arith.constant 32 : index
        %get3A_1476 = tpu.vector_load %arg12[%get3A_1474, %get3A_1475] {strides = array<i32>} : memref<320x128xf32, #tpu.memory_space<vmem>>, vector<1x16xf32>,
        %get3A_1477 = vector.shape_cast %get3A_1476 : vector<1x16xf32> to vector<16xf32>
        %mul3A_1478 = vector.broadcast %squeeze3A_1447 : f32 to vector<16xf32>
        %mul3A_1479 = arith.mulf %get3A_1477, %mul3A_1478 : vector<16xf32>
        %swap3A_1480 = arith.index_cast %add3A_1451 : i32 to index
        %swap3A_1481 = arith.constant 32 : index
        %swap3A_1482 = tpu.vector_load %arg12[%swap3A_1480, %swap3A_1481] {strides = array<i32>} : memref<320x128xf32, #tpu.memory_space<vmem>>, vector<1x16xf32>,
        %swap3A_1483 = vector.shape_cast %swap3A_1482 : vector<1x16xf32> to vector<16xf32>
        %swap3A_1484 = vector.shape_cast %mul3A_1479 : vector<16xf32> to vector<1x16xf32>
        tpu.vector_store %arg12[%swap3A_1480, %swap3A_1481], %swap3A_1484 {strides = array<i32>} : memref<320x128xf32, #tpu.memory_space<vmem>>, vector<1x16xf32>,
        %get3A_1485 = arith.index_cast %add3A_1451 : i32 to index
        %get3A_1486 = arith.constant 48 : index
        %get3A_1487 = tpu.vector_load %arg12[%get3A_1485, %get3A_1486] {strides = array<i32>} : memref<320x128xf32, #tpu.memory_space<vmem>>, vector<1x16xf32>,
        %get3A_1488 = vector.shape_cast %get3A_1487 : vector<1x16xf32> to vector<16xf32>
        %mul3A_1489 = vector.broadcast %squeeze3A_1447 : f32 to vector<16xf32>
        %mul3A_1490 = arith.mulf %get3A_1488, %mul3A_1489 : vector<16xf32>
        %swap3A_1491 = arith.index_cast %add3A_1451 : i32 to index
        %swap3A_1492 = arith.constant 48 : index
        %swap3A_1493 = tpu.vector_load %arg12[%swap3A_1491, %swap3A_1492] {strides = array<i32>} : memref<320x128xf32, #tpu.memory_space<vmem>>, vector<1x16xf32>,
        %swap3A_1494 = vector.shape_cast %swap3A_1493 : vector<1x16xf32> to vector<16xf32>
        %swap3A_1495 = vector.shape_cast %mul3A_1490 : vector<16xf32> to vector<1x16xf32>
        tpu.vector_store %arg12[%swap3A_1491, %swap3A_1492], %swap3A_1495 {strides = array<i32>} : memref<320x128xf32, #tpu.memory_space<vmem>>, vector<1x16xf32>,
        %get3A_1496 = arith.index_cast %add3A_1451 : i32 to index
        %get3A_1497 = arith.constant 64 : index
        %get3A_1498 = tpu.vector_load %arg12[%get3A_1496, %get3A_1497] {strides = array<i32>} : memref<320x128xf32, #tpu.memory_space<vmem>>, vector<1x16xf32>,
        %get3A_1499 = vector.shape_cast %get3A_1498 : vector<1x16xf32> to vector<16xf32>
        %mul3A_1500 = vector.broadcast %squeeze3A_1447 : f32 to vector<16xf32>
        %mul3A_1501 = arith.mulf %get3A_1499, %mul3A_1500 : vector<16xf32>
        %swap3A_1502 = arith.index_cast %add3A_1451 : i32 to index
        %swap3A_1503 = arith.constant 64 : index
        %swap3A_1504 = tpu.vector_load %arg12[%swap3A_1502, %swap3A_1503] {strides = array<i32>} : memref<320x128xf32, #tpu.memory_space<vmem>>, vector<1x16xf32>,
        %swap3A_1505 = vector.shape_cast %swap3A_1504 : vector<1x16xf32> to vector<16xf32>
        %swap3A_1506 = vector.shape_cast %mul3A_1501 : vector<16xf32> to vector<1x16xf32>
        tpu.vector_store %arg12[%swap3A_1502, %swap3A_1503], %swap3A_1506 {strides = array<i32>} : memref<320x128xf32, #tpu.memory_space<vmem>>, vector<1x16xf32>,
        %get3A_1507 = arith.index_cast %add3A_1451 : i32 to index
        %get3A_1508 = arith.constant 80 : index
        %get3A_1509 = tpu.vector_load %arg12[%get3A_1507, %get3A_1508] {strides = array<i32>} : memref<320x128xf32, #tpu.memory_space<vmem>>, vector<1x16xf32>,
        %get3A_1510 = vector.shape_cast %get3A_1509 : vector<1x16xf32> to vector<16xf32>
        %mul3A_1511 = vector.broadcast %squeeze3A_1447 : f32 to vector<16xf32>
        %mul3A_1512 = arith.mulf %get3A_1510, %mul3A_1511 : vector<16xf32>
        %swap3A_1513 = arith.index_cast %add3A_1451 : i32 to index
        %swap3A_1514 = arith.constant 80 : index
        %swap3A_1515 = tpu.vector_load %arg12[%swap3A_1513, %swap3A_1514] {strides = array<i32>} : memref<320x128xf32, #tpu.memory_space<vmem>>, vector<1x16xf32>,
        %swap3A_1516 = vector.shape_cast %swap3A_1515 : vector<1x16xf32> to vector<16xf32>
        %swap3A_1517 = vector.shape_cast %mul3A_1512 : vector<16xf32> to vector<1x16xf32>
        tpu.vector_store %arg12[%swap3A_1513, %swap3A_1514], %swap3A_1517 {strides = array<i32>} : memref<320x128xf32, #tpu.memory_space<vmem>>, vector<1x16xf32>,
        %get3A_1518 = arith.index_cast %add3A_1451 : i32 to index
        %get3A_1519 = arith.constant 96 : index
        %get3A_1520 = tpu.vector_load %arg12[%get3A_1518, %get3A_1519] {strides = array<i32>} : memref<320x128xf32, #tpu.memory_space<vmem>>, vector<1x16xf32>,
        %get3A_1521 = vector.shape_cast %get3A_1520 : vector<1x16xf32> to vector<16xf32>
        %mul3A_1522 = vector.broadcast %squeeze3A_1447 : f32 to vector<16xf32>
        %mul3A_1523 = arith.mulf %get3A_1521, %mul3A_1522 : vector<16xf32>
        %swap3A_1524 = arith.index_cast %add3A_1451 : i32 to index
        %swap3A_1525 = arith.constant 96 : index
        %swap3A_1526 = tpu.vector_load %arg12[%swap3A_1524, %swap3A_1525] {strides = array<i32>} : memref<320x128xf32, #tpu.memory_space<vmem>>, vector<1x16xf32>,
        %swap3A_1527 = vector.shape_cast %swap3A_1526 : vector<1x16xf32> to vector<16xf32>
        %swap3A_1528 = vector.shape_cast %mul3A_1523 : vector<16xf32> to vector<1x16xf32>
        tpu.vector_store %arg12[%swap3A_1524, %swap3A_1525], %swap3A_1528 {strides = array<i32>} : memref<320x128xf32, #tpu.memory_space<vmem>>, vector<1x16xf32>,
        %get3A_1529 = arith.index_cast %add3A_1451 : i32 to index
        %get3A_1530 = arith.constant 112 : index
        %get3A_1531 = tpu.vector_load %arg12[%get3A_1529, %get3A_1530] {strides = array<i32>} : memref<320x128xf32, #tpu.memory_space<vmem>>, vector<1x16xf32>,
        %get3A_1532 = vector.shape_cast %get3A_1531 : vector<1x16xf32> to vector<16xf32>
        %mul3A_1533 = vector.broadcast %squeeze3A_1447 : f32 to vector<16xf32>
        %mul3A_1534 = arith.mulf %get3A_1532, %mul3A_1533 : vector<16xf32>
        %swap3A_1535 = arith.index_cast %add3A_1451 : i32 to index
        %swap3A_1536 = arith.constant 112 : index
        %swap3A_1537 = tpu.vector_load %arg12[%swap3A_1535, %swap3A_1536] {strides = array<i32>} : memref<320x128xf32, #tpu.memory_space<vmem>>, vector<1x16xf32>,
        %swap3A_1538 = vector.shape_cast %swap3A_1537 : vector<1x16xf32> to vector<16xf32>
        %swap3A_1539 = vector.shape_cast %mul3A_1534 : vector<16xf32> to vector<1x16xf32>
        tpu.vector_store %arg12[%swap3A_1535, %swap3A_1536], %swap3A_1539 {strides = array<i32>} : memref<320x128xf32, #tpu.memory_space<vmem>>, vector<1x16xf32>,
      }
      %scan3A_33 = arith.constant 20 : i32
      "tpu.region"() ({
        %run_scoped3A = tpu.sem_alloc : memref<!tpu.dma_semaphore, #tpu.memory_space<semaphore_mem>>
        %dma_start3A_34 = arith.constant 0 : i32
        %dma_start3A_35 = arith.constant 0 : i32
        %dma_start3A_36 = tpu.memref_slice %arg8[%dma_start3A_34, %dma_start3A_35] : memref<10240x128xf32, #tpu.memory_space<vmem_shared>> -> memref<10240x128xf32, #tpu.memory_space<vmem_shared>>
        tpu.enqueue_indirect_dma source(%arg12 : memref<320x128xf32, #tpu.memory_space<vmem>>) target(%dma_start3A_36 : memref<10240x128xf32, #tpu.memory_space<vmem_shared>>) offsets(%arg10 : memref<320xi32, #tpu.memory_space<vmem>>) semaphore(%run_scoped3A : memref<!tpu.dma_semaphore, #tpu.memory_space<semaphore_mem>>) {add = true}
        %dma_wait3A_37 = arith.constant 0 : i32
        %dma_wait3A_38 = arith.constant 0 : i32
        %dma_wait3A_39 = tpu.memref_slice %arg8[%dma_wait3A_37, %dma_wait3A_38] : memref<10240x128xf32, #tpu.memory_space<vmem_shared>> -> memref<10240x128xf32, #tpu.memory_space<vmem_shared>>
        tpu.wait_indirect_dma semaphore(%run_scoped3A : memref<!tpu.dma_semaphore, #tpu.memory_space<semaphore_mem>>) src(%arg12 : memref<320x128xf32, #tpu.memory_space<vmem>>) dst(%dma_wait3A_39 : memref<10240x128xf32, #tpu.memory_space<vmem_shared>>)
        tpu.yield
      }) : () -> ()
    }
    %scan3A_9 = arith.constant 94 : i32
    %barrier3A_10 = arith.constant 0 : index
    tpu.barrier barrier_id(%barrier3A_10)
    %mul3A_11 = arith.constant 640 : i32
    %mul3A_12 = arith.muli %arg1, %mul3A_11 : i32
    %mul3A_13 = arith.constant 10240 : i32
    %mul3A_14 = arith.muli %arg0, %mul3A_13 : i32
    %mul3A_15 = arith.constant 640 : i32
    %mul3A_16 = arith.muli %arg1, %mul3A_15 : i32
    %add3A_17 = arith.addi %mul3A_14, %mul3A_16 : i32
    "tpu.region"() ({
      %run_scoped3A = tpu.sem_alloc : memref<!tpu.dma_semaphore, #tpu.memory_space<semaphore_mem>>
      %dma_start3A = arith.constant 0 : i32
      %dma_start3A_18 = tpu.memref_slice %arg7[%add3A_17, %dma_start3A] : memref<20480x128xf32, #tpu.memory_space<hbm>> -> memref<640x128xf32, #tpu.memory_space<hbm>>
      %dma_start3A_19 = arith.constant 0 : i32
      %dma_start3A_20 = tpu.memref_slice %arg8[%mul3A_12, %dma_start3A_19] : memref<10240x128xf32, #tpu.memory_space<vmem_shared>> -> memref<640x128xf32, #tpu.memory_space<vmem_shared>>
      tpu.enqueue_dma source(%dma_start3A_20 : memref<640x128xf32, #tpu.memory_space<vmem_shared>>) target(%dma_start3A_18 : memref<640x128xf32, #tpu.memory_space<hbm>>) target_semaphore(%run_scoped3A : memref<!tpu.dma_semaphore, #tpu.memory_space<semaphore_mem>>)
      %dma_wait3A = arith.constant 0 : i32
      %dma_wait3A_21 = tpu.memref_slice %arg7[%add3A_17, %dma_wait3A] : memref<20480x128xf32, #tpu.memory_space<hbm>> -> memref<640x128xf32, #tpu.memory_space<hbm>>
      %dma_wait3A_22 = arith.constant 0 : i32
      %dma_wait3A_23 = tpu.memref_slice %arg8[%mul3A_12, %dma_wait3A_22] : memref<10240x128xf32, #tpu.memory_space<vmem_shared>> -> memref<640x128xf32, #tpu.memory_space<vmem_shared>>
      tpu.wait_dma2 semaphore(%run_scoped3A : memref<!tpu.dma_semaphore, #tpu.memory_space<semaphore_mem>>) src(%dma_wait3A_23 : memref<640x128xf32, #tpu.memory_space<vmem_shared>>) dst(%dma_wait3A_21 : memref<640x128xf32, #tpu.memory_space<hbm>>)
      tpu.yield
    }) : () -> ()
    return
  }
}

module attributes {stable_mosaic.version = 14 : i64} {
  func.func @_dense_body(%arg0: i32, %arg1: memref<1000x128xf32, #tpu.memory_space<vmem>>, %arg2: memref<128x256xf32, #tpu.memory_space<vmem>>, %arg3: memref<256xf32, #tpu.memory_space<vmem>>, %arg4: memref<256x128xf32, #tpu.memory_space<vmem>>, %arg5: memref<128xf32, #tpu.memory_space<vmem>>, %arg6: memref<128x128xf32, #tpu.memory_space<vmem>>, %arg7: memref<3x128x128xf32, #tpu.memory_space<vmem>>, %arg8: memref<3x128x128xf32, #tpu.memory_space<vmem>>, %arg9: memref<3xf32, #tpu.memory_space<vmem>>, %arg10: memref<3x1000x128xf32, #tpu.memory_space<vmem>>, %arg11: memref<1000x128xf32, #tpu.memory_space<vmem>>) attributes {dimension_semantics = [#tpu.dimension_semantics<arbitrary>], iteration_bounds = array<i64: 10>, scalar_prefetch = 0 : i64, scratch_operands = 0 : i64, tpu.core_type = #tpu.core_type<tc>, window_params = [{transform_indices = @transform_0, window_bounds = array<i64: 1000, 128>}, {pipeline_mode = #tpu.pipeline_mode<synchronous>, transform_indices = @transform_1, window_bounds = array<i64: 128, 256>}, {pipeline_mode = #tpu.pipeline_mode<synchronous>, transform_indices = @transform_2, window_bounds = array<i64: 256>}, {pipeline_mode = #tpu.pipeline_mode<synchronous>, transform_indices = @transform_3, window_bounds = array<i64: 256, 128>}, {pipeline_mode = #tpu.pipeline_mode<synchronous>, transform_indices = @transform_4, window_bounds = array<i64: 128>}, {pipeline_mode = #tpu.pipeline_mode<synchronous>, transform_indices = @transform_5, window_bounds = array<i64: 128, 128>}, {pipeline_mode = #tpu.pipeline_mode<synchronous>, transform_indices = @transform_6, window_bounds = array<i64: 3, 128, 128>}, {pipeline_mode = #tpu.pipeline_mode<synchronous>, transform_indices = @transform_7, window_bounds = array<i64: 3, 128, 128>}, {pipeline_mode = #tpu.pipeline_mode<synchronous>, transform_indices = @transform_8, window_bounds = array<i64: 3>}, {transform_indices = @transform_9, window_bounds = array<i64: 3, 1000, 128>}, {transform_indices = @transform_10, window_bounds = array<i64: 1000, 128>}]} {
    %get3A = arith.constant 0 : index
    %get3A_0 = arith.constant 0 : index
    %get3A_1 = vector.load %arg1[%get3A, %get3A_0] : memref<1000x128xf32, #tpu.memory_space<vmem>>, vector<1000x128xf32>
    %get3A_2 = arith.constant 0 : index
    %get3A_3 = arith.constant 0 : index
    %get3A_4 = vector.load %arg2[%get3A_2, %get3A_3] : memref<128x256xf32, #tpu.memory_space<vmem>>, vector<128x256xf32>
    %dot_general3A = arith.constant dense<0.000000e+00> : vector<1000x256xf32>
    %dot_general3A_5 = tpu.matmul %get3A_1, %get3A_4, %dot_general3A {dimension_numbers = #tpu.dot_dimension_numbers<[1], [0], [0], [1], [0, 0, 1, 1], [], []>, transpose_lhs_hint = false} : vector<1000x128xf32>, vector<128x256xf32>, vector<1000x256xf32> -> vector<1000x256xf32>
    %get3A_6 = arith.constant 0 : index
    %get3A_7 = vector.load %arg3[%get3A_6] : memref<256xf32, #tpu.memory_space<vmem>>, vector<256xf32>
    %broadcast_in_dim3A = vector.shape_cast %get3A_7 : vector<256xf32> to vector<1x256xf32>
    %add3A = vector.broadcast %broadcast_in_dim3A : vector<1x256xf32> to vector<1000x256xf32>
    %add3A_8 = arith.addf %dot_general3A_5, %add3A : vector<1000x256xf32>
    %max3A = arith.constant 0.000000e+00 : f32
    %max3A_9 = vector.broadcast %max3A : f32 to vector<1000x256xf32>
    %max3A_10 = arith.maximumf %add3A_8, %max3A_9 : vector<1000x256xf32>
    %get3A_11 = arith.constant 0 : index
    %get3A_12 = arith.constant 0 : index
    %get3A_13 = vector.load %arg4[%get3A_11, %get3A_12] : memref<256x128xf32, #tpu.memory_space<vmem>>, vector<256x128xf32>
    %dot_general3A_14 = arith.constant dense<0.000000e+00> : vector<1000x128xf32>
    %dot_general3A_15 = tpu.matmul %max3A_10, %get3A_13, %dot_general3A_14 {dimension_numbers = #tpu.dot_dimension_numbers<[1], [0], [0], [1], [0, 0, 1, 1], [], []>, transpose_lhs_hint = false} : vector<1000x256xf32>, vector<256x128xf32>, vector<1000x128xf32> -> vector<1000x128xf32>
    %get3A_16 = arith.constant 0 : index
    %get3A_17 = vector.load %arg5[%get3A_16] : memref<128xf32, #tpu.memory_space<vmem>>, vector<128xf32>
    %broadcast_in_dim3A_18 = vector.shape_cast %get3A_17 : vector<128xf32> to vector<1x128xf32>
    %add3A_19 = vector.broadcast %broadcast_in_dim3A_18 : vector<1x128xf32> to vector<1000x128xf32>
    %add3A_20 = arith.addf %dot_general3A_15, %add3A_19 : vector<1000x128xf32>
    %get3A_21 = arith.constant 0 : index
    %get3A_22 = vector.load %arg9[%get3A_21] : memref<3xf32, #tpu.memory_space<vmem>>, vector<3xf32>
    %jit3A = arith.constant 0.000000e+00 : f32
    %jit3A_23 = arith.constant 1.000000e+00 : f32
    %max3A_24 = vector.broadcast %jit3A : f32 to vector<3xf32>
    %max3A_25 = arith.maximumf %max3A_24, %get3A_22 : vector<3xf32>
    %min3A = vector.broadcast %jit3A_23 : f32 to vector<3xf32>
    %min3A_26 = arith.minimumf %min3A, %max3A_25 : vector<3xf32>
    %reduce_sum3A = vector.shape_cast %min3A_26 : vector<3xf32> to vector<1x3xf32>
    %reduce_sum3A_27 = arith.constant dense<0.000000e+00> : vector<1xf32>
    %reduce_sum3A_28 = vector.multi_reduction <add>, %reduce_sum3A, %reduce_sum3A_27 [1] : vector<1x3xf32> to vector<1xf32>
    %reduce_sum3A_29 = vector.shape_cast %reduce_sum3A_28 : vector<1xf32> to vector<1x1xf32>
    %reduce_sum3A_30 = vector.extract %reduce_sum3A_29[0, 0] : f32 from vector<1x1xf32>
    %get3A_31 = arith.constant 0 : index
    %get3A_32 = arith.constant 0 : index
    %get3A_33 = vector.load %arg6[%get3A_31, %get3A_32] : memref<128x128xf32, #tpu.memory_space<vmem>>, vector<128x128xf32>
    %mul3A = vector.broadcast %reduce_sum3A_30 : f32 to vector<128x128xf32>
    %mul3A_34 = arith.mulf %mul3A, %get3A_33 : vector<128x128xf32>
    %broadcast_in_dim3A_35 = vector.shape_cast %min3A_26 : vector<3xf32> to vector<3x1x1xf32>
    %get3A_36 = arith.constant 0 : index
    %get3A_37 = arith.constant 0 : index
    %get3A_38 = arith.constant 0 : index
    %get3A_39 = vector.load %arg8[%get3A_36, %get3A_37, %get3A_38] : memref<3x128x128xf32, #tpu.memory_space<vmem>>, vector<3x128x128xf32>
    %mul3A_40 = vector.broadcast %broadcast_in_dim3A_35 : vector<3x1x1xf32> to vector<3x128x128xf32>
    %mul3A_41 = arith.mulf %mul3A_40, %get3A_39 : vector<3x128x128xf32>
    %reduce_sum3A_42 = arith.constant dense<0.000000e+00> : vector<128x128xf32>
    %reduce_sum3A_43 = vector.multi_reduction <add>, %mul3A_41, %reduce_sum3A_42 [0] : vector<3x128x128xf32> to vector<128x128xf32>
    %add3A_44 = arith.addf %mul3A_34, %reduce_sum3A_43 : vector<128x128xf32>
    %dot_general3A_45 = arith.constant dense<0.000000e+00> : vector<1000x128xf32>
    %dot_general3A_46 = tpu.matmul %add3A_20, %add3A_44, %dot_general3A_45 {dimension_numbers = #tpu.dot_dimension_numbers<[1], [0], [0], [1], [0, 0, 1, 1], [], []>, transpose_lhs_hint = false} : vector<1000x128xf32>, vector<128x128xf32>, vector<1000x128xf32> -> vector<1000x128xf32>
    %swap3A = arith.constant 0 : index
    %swap3A_47 = arith.constant 0 : index
    %swap3A_48 = vector.load %arg11[%swap3A, %swap3A_47] : memref<1000x128xf32, #tpu.memory_space<vmem>>, vector<1000x128xf32>
    tpu.vector_store %arg11[%swap3A, %swap3A_47], %dot_general3A_46 {strides = array<i32>} : memref<1000x128xf32, #tpu.memory_space<vmem>>, vector<1000x128xf32>,
    %get3A_49 = arith.constant 0 : index
    %get3A_50 = arith.constant 0 : index
    %get3A_51 = arith.constant 0 : index
    %get3A_52 = vector.load %arg7[%get3A_49, %get3A_50, %get3A_51] : memref<3x128x128xf32, #tpu.memory_space<vmem>>, vector<1x128x128xf32>
    %get3A_53 = vector.shape_cast %get3A_52 : vector<1x128x128xf32> to vector<128x128xf32>
    %dot_general3A_54 = arith.constant dense<0.000000e+00> : vector<1000x128xf32>
    %dot_general3A_55 = tpu.matmul %get3A_1, %get3A_53, %dot_general3A_54 {dimension_numbers = #tpu.dot_dimension_numbers<[1], [0], [0], [1], [0, 0, 1, 1], [], []>, transpose_lhs_hint = false} : vector<1000x128xf32>, vector<128x128xf32>, vector<1000x128xf32> -> vector<1000x128xf32>
    %swap3A_56 = arith.constant 0 : index
    %swap3A_57 = arith.constant 0 : index
    %swap3A_58 = arith.constant 0 : index
    %swap3A_59 = vector.load %arg10[%swap3A_56, %swap3A_57, %swap3A_58] : memref<3x1000x128xf32, #tpu.memory_space<vmem>>, vector<1x1000x128xf32>
    %swap3A_60 = vector.shape_cast %swap3A_59 : vector<1x1000x128xf32> to vector<1000x128xf32>
    %swap3A_61 = vector.shape_cast %dot_general3A_55 : vector<1000x128xf32> to vector<1x1000x128xf32>
    tpu.vector_store %arg10[%swap3A_56, %swap3A_57, %swap3A_58], %swap3A_61 {strides = array<i32>} : memref<3x1000x128xf32, #tpu.memory_space<vmem>>, vector<1x1000x128xf32>,
    %get3A_62 = arith.constant 1 : index
    %get3A_63 = arith.constant 0 : index
    %get3A_64 = arith.constant 0 : index
    %get3A_65 = vector.load %arg7[%get3A_62, %get3A_63, %get3A_64] : memref<3x128x128xf32, #tpu.memory_space<vmem>>, vector<1x128x128xf32>
    %get3A_66 = vector.shape_cast %get3A_65 : vector<1x128x128xf32> to vector<128x128xf32>
    %dot_general3A_67 = arith.constant dense<0.000000e+00> : vector<1000x128xf32>
    %dot_general3A_68 = tpu.matmul %get3A_1, %get3A_66, %dot_general3A_67 {dimension_numbers = #tpu.dot_dimension_numbers<[1], [0], [0], [1], [0, 0, 1, 1], [], []>, transpose_lhs_hint = false} : vector<1000x128xf32>, vector<128x128xf32>, vector<1000x128xf32> -> vector<1000x128xf32>
    %swap3A_69 = arith.constant 1 : index
    %swap3A_70 = arith.constant 0 : index
    %swap3A_71 = arith.constant 0 : index
    %swap3A_72 = vector.load %arg10[%swap3A_69, %swap3A_70, %swap3A_71] : memref<3x1000x128xf32, #tpu.memory_space<vmem>>, vector<1x1000x128xf32>
    %swap3A_73 = vector.shape_cast %swap3A_72 : vector<1x1000x128xf32> to vector<1000x128xf32>
    %swap3A_74 = vector.shape_cast %dot_general3A_68 : vector<1000x128xf32> to vector<1x1000x128xf32>
    tpu.vector_store %arg10[%swap3A_69, %swap3A_70, %swap3A_71], %swap3A_74 {strides = array<i32>} : memref<3x1000x128xf32, #tpu.memory_space<vmem>>, vector<1x1000x128xf32>,
    %get3A_75 = arith.constant 2 : index
    %get3A_76 = arith.constant 0 : index
    %get3A_77 = arith.constant 0 : index
    %get3A_78 = vector.load %arg7[%get3A_75, %get3A_76, %get3A_77] : memref<3x128x128xf32, #tpu.memory_space<vmem>>, vector<1x128x128xf32>
    %get3A_79 = vector.shape_cast %get3A_78 : vector<1x128x128xf32> to vector<128x128xf32>
    %dot_general3A_80 = arith.constant dense<0.000000e+00> : vector<1000x128xf32>
    %dot_general3A_81 = tpu.matmul %get3A_1, %get3A_79, %dot_general3A_80 {dimension_numbers = #tpu.dot_dimension_numbers<[1], [0], [0], [1], [0, 0, 1, 1], [], []>, transpose_lhs_hint = false} : vector<1000x128xf32>, vector<128x128xf32>, vector<1000x128xf32> -> vector<1000x128xf32>
    %swap3A_82 = arith.constant 2 : index
    %swap3A_83 = arith.constant 0 : index
    %swap3A_84 = arith.constant 0 : index
    %swap3A_85 = vector.load %arg10[%swap3A_82, %swap3A_83, %swap3A_84] : memref<3x1000x128xf32, #tpu.memory_space<vmem>>, vector<1x1000x128xf32>
    %swap3A_86 = vector.shape_cast %swap3A_85 : vector<1x1000x128xf32> to vector<1000x128xf32>
    %swap3A_87 = vector.shape_cast %dot_general3A_81 : vector<1000x128xf32> to vector<1x1000x128xf32>
    tpu.vector_store %arg10[%swap3A_82, %swap3A_83, %swap3A_84], %swap3A_87 {strides = array<i32>} : memref<3x1000x128xf32, #tpu.memory_space<vmem>>, vector<1x1000x128xf32>,
    return
  }
  func.func @transform_0(%arg0: i32) -> (i32, i32) {
    %c0_i32 = arith.constant 0 : i32
    %c0_i32_0 = arith.constant 0 : i32
    return %arg0, %c0_i32 : i32, i32
  }
  func.func @transform_1(%arg0: i32) -> (i32, i32) {
    %c0_i32 = arith.constant 0 : i32
    %c0_i32_0 = arith.constant 0 : i32
    %c0_i32_1 = arith.constant 0 : i32
    return %c0_i32, %c0_i32_0 : i32, i32
  }
  func.func @transform_2(%arg0: i32) -> i32 {
    %c0_i32 = arith.constant 0 : i32
    %c0_i32_0 = arith.constant 0 : i32
    return %c0_i32 : i32
  }
  func.func @transform_3(%arg0: i32) -> (i32, i32) {
    %c0_i32 = arith.constant 0 : i32
    %c0_i32_0 = arith.constant 0 : i32
    %c0_i32_1 = arith.constant 0 : i32
    return %c0_i32, %c0_i32_0 : i32, i32
  }
  func.func @transform_4(%arg0: i32) -> i32 {
    %c0_i32 = arith.constant 0 : i32
    %c0_i32_0 = arith.constant 0 : i32
    return %c0_i32 : i32
  }
  func.func @transform_5(%arg0: i32) -> (i32, i32) {
    %c0_i32 = arith.constant 0 : i32
    %c0_i32_0 = arith.constant 0 : i32
    %c0_i32_1 = arith.constant 0 : i32
    return %c0_i32, %c0_i32_0 : i32, i32
  }
  func.func @transform_6(%arg0: i32) -> (i32, i32, i32) {
    %c0_i32 = arith.constant 0 : i32
    %c0_i32_0 = arith.constant 0 : i32
    %c0_i32_1 = arith.constant 0 : i32
    %c0_i32_2 = arith.constant 0 : i32
    return %c0_i32, %c0_i32_0, %c0_i32_1 : i32, i32, i32
  }
  func.func @transform_7(%arg0: i32) -> (i32, i32, i32) {
    %c0_i32 = arith.constant 0 : i32
    %c0_i32_0 = arith.constant 0 : i32
    %c0_i32_1 = arith.constant 0 : i32
    %c0_i32_2 = arith.constant 0 : i32
    return %c0_i32, %c0_i32_0, %c0_i32_1 : i32, i32, i32
  }
  func.func @transform_8(%arg0: i32) -> i32 {
    %c0_i32 = arith.constant 0 : i32
    %c0_i32_0 = arith.constant 0 : i32
    return %c0_i32 : i32
  }
  func.func @transform_9(%arg0: i32) -> (i32, i32, i32) {
    %c0_i32 = arith.constant 0 : i32
    %c0_i32_0 = arith.constant 0 : i32
    %c0_i32_1 = arith.constant 0 : i32
    return %c0_i32, %arg0, %c0_i32_0 : i32, i32, i32
  }
  func.func @transform_10(%arg0: i32) -> (i32, i32) {
    %c0_i32 = arith.constant 0 : i32
    %c0_i32_0 = arith.constant 0 : i32
    return %arg0, %c0_i32 : i32, i32
  }
}

module attributes {stable_mosaic.version = 14 : i64} {
  func.func @_finish_body(%arg0: i32, %arg1: memref<2x1000x128xf32, #tpu.memory_space<vmem>>, %arg2: memref<1000x128xf32, #tpu.memory_space<vmem>>, %arg3: memref<1000x128xf32, #tpu.memory_space<vmem>>) attributes {dimension_semantics = [#tpu.dimension_semantics<arbitrary>], iteration_bounds = array<i64: 10>, scalar_prefetch = 0 : i64, scratch_operands = 0 : i64, tpu.core_type = #tpu.core_type<tc>, window_params = [{transform_indices = @transform_0, window_bounds = array<i64: 2, 1000, 128>}, {transform_indices = @transform_1, window_bounds = array<i64: 1000, 128>}, {transform_indices = @transform_2, window_bounds = array<i64: 1000, 128>}]} {
    %get3A = arith.constant 0 : index
    %get3A_0 = arith.constant 0 : index
    %get3A_1 = arith.constant 0 : index
    %get3A_2 = vector.load %arg1[%get3A, %get3A_0, %get3A_1] : memref<2x1000x128xf32, #tpu.memory_space<vmem>>, vector<1x1000x128xf32>
    %get3A_3 = vector.shape_cast %get3A_2 : vector<1x1000x128xf32> to vector<1000x128xf32>
    %get3A_4 = arith.constant 1 : index
    %get3A_5 = arith.constant 0 : index
    %get3A_6 = arith.constant 0 : index
    %get3A_7 = vector.load %arg1[%get3A_4, %get3A_5, %get3A_6] : memref<2x1000x128xf32, #tpu.memory_space<vmem>>, vector<1x1000x128xf32>
    %get3A_8 = vector.shape_cast %get3A_7 : vector<1x1000x128xf32> to vector<1000x128xf32>
    %add3A = arith.addf %get3A_3, %get3A_8 : vector<1000x128xf32>
    %get3A_9 = arith.constant 0 : index
    %get3A_10 = arith.constant 0 : index
    %get3A_11 = vector.load %arg2[%get3A_9, %get3A_10] : memref<1000x128xf32, #tpu.memory_space<vmem>>, vector<1000x128xf32>
    %add3A_12 = arith.addf %add3A, %get3A_11 : vector<1000x128xf32>
    %max3A = arith.constant 0.000000e+00 : f32
    %max3A_13 = vector.broadcast %max3A : f32 to vector<1000x128xf32>
    %max3A_14 = arith.maximumf %add3A_12, %max3A_13 : vector<1000x128xf32>
    %swap3A = arith.constant 0 : index
    %swap3A_15 = arith.constant 0 : index
    %swap3A_16 = vector.load %arg3[%swap3A, %swap3A_15] : memref<1000x128xf32, #tpu.memory_space<vmem>>, vector<1000x128xf32>
    tpu.vector_store %arg3[%swap3A, %swap3A_15], %max3A_14 {strides = array<i32>} : memref<1000x128xf32, #tpu.memory_space<vmem>>, vector<1000x128xf32>,
    return
  }
  func.func @transform_0(%arg0: i32) -> (i32, i32, i32) {
    %c0_i32 = arith.constant 0 : i32
    %c0_i32_0 = arith.constant 0 : i32
    %c0_i32_1 = arith.constant 0 : i32
    return %c0_i32, %arg0, %c0_i32_0 : i32, i32, i32
  }
  func.func @transform_1(%arg0: i32) -> (i32, i32) {
    %c0_i32 = arith.constant 0 : i32
    %c0_i32_0 = arith.constant 0 : i32
    return %arg0, %c0_i32 : i32, i32
  }
  func.func @transform_2(%arg0: i32) -> (i32, i32) {
    %c0_i32 = arith.constant 0 : i32
    %c0_i32_0 = arith.constant 0 : i32
    return %arg0, %c0_i32 : i32, i32
  }
}

</mosaic_0001>

<sc_bundles>
// kernel: kernel.5.cloned.1.call-start
scs
__scs_entry_jumppad:
0x0: {  	(pc) =	sbr.rel $0x88, $3  }
0x1: {  	(tag) =	ssettag $0x0;
	lr =	simm.s32 $0x1  }
0x2: {  	[smem:$0x3F96] =	sst lr;
	_ =	strace $0xD0000000  }
0x3: {  	_ = 	snop  }
0x4: {  	_ = 	snop  }
0x5: {  	_ = 	snop  }
0x6: {  	_ = 	snop  }
0x7: {  	_ = 	snop  }
__scs_overlays_trampoline_lowered:
0x8: {  	[smem:$0x3FA5] =	sst s0  }
0x9: {  	[smem:$0x3FA6] =	sst s1  }
0xa: {  	[smem:$0x3FA7] =	sst s2  }
0xb: {  	[smem:$0x3FA8] =	sst s3  }
0xc: {  	[smem:$0x3FA9] =	sst s4  }
0xd: {  	[smem:$0x3FAA] =	sst s5  }
0xe: {  	[smem:$0x3FAB] =	sst s6  }
0xf: {  	[smem:$0x3FAC] =	sst s7  }
0x10: {  	[smem:$0x3FAD] =	sst s8  }
0x11: {  	[smem:$0x3FAE] =	sst s9;
	s0 =	simm.s32 @!p0 $0x0  }
0x12: {  	s1 =	sld [smem:$0x3F94];
	s0 =	simm.s32 @p0 $0x1  }
0x13: {  	[smem:$0x3FAF] =	sst s0;
	s0 =	simm.s32 @!p1 $0x0  }
0x14: {  	s2 =	sld [smem:$0x3F93];
	s0 =	simm.s32 @p1 $0x1  }
0x15: {  	[smem:$0x3FB0] =	sst s0;
	s0 =	simm.s32 @!p2 $0x0  }
0x16: {  	s3 =	sld [smem:$0x3FDB];
	s0 =	simm.s32 @p2 $0x1  }
0x17: {  	s4 =	simm.s32 $0x1BF5;
	[smem:$0x3FB2] =	sst s0  }
0x18: {  	s0 =	sld [smem:$0x3F95];
	_ =	swait.ge [sflag:s4], $0x0  }
0x19: {  	s7 =	sld [smem:$0x3F96]  }
0x1a: {  	s8 =	sadd.s32 $0xFFFFE003, lr  }
0x1b: {  	s9 =	sadd.s32 $0xFFFFFEF7, lr;
	s5 =	simm.s32 $0xFFFFFFFF;
	p2 =	slt.u32 s8, $0xFFFFF086  }
0x1c: {  	p1 =	slt.u32 s9, $0xF7A;
	s5 =	simm.s32 @!p2 $0x0  }
0x1d: {  	s5 =	simm.s32 @p1 $0x1;
	p0 =	seq.s32 s7, s2  }
0x1e: {  	s7 =	smul.u32 @!p0 $0xF7A, s2;
	p2 =	seq.s32 @!p0 s5, $0x0  }
0x1f: {  	s9 =	smul.u32 $0xF7A, s1;
	s8 =	simm.s32 @!p0 $0x1BF5;
	p2 =	por !p2, p0  }
0x20: {  	[sflag:s8] =	ssyncset.s32 @!p0 $0xFFFFF086;
	s6 =	sadd.s32 @!p0 s3, s7;
	s7 =	simm.s32 @!p0 $0x108  }
0x21: {  	s3 =	sadd.s32 s3, s9;
	s6 =	sadd.s32 @!p0 $0x88, s6;
	s7 =	simm.s32 @p2 $0x1082  }
0x22: {  	[simem:s7], [sflag:s8] =	dma.local @!p0 [hbm:s6], $0xF7A  }
0x23: {  	s9 =	sor.u32 $0xD0000000, s2;
	s6 =	simm.s32 $0x108;
	_ =	swait.ge @!p0 [sflag:s8], $0x0  }
0x24: {  	s3 =	sadd.s32 $0x88, s3;
	s6 =	simm.s32 @!p1 $0x1082;
	[sflag:s4] =	ssyncset.s32 $0xFFFFF086  }
0x25: {  	[simem:s6], [sflag:s4] =	dma.local [hbm:s3], $0xF7A  }
0x26: {  	[smem:$0x3F96] =	sst s1;
	(tag) =	ssettag s2;
	_ =	strace s9  }
0x27: {  	s1 =	sld [smem:$0x3FA6]  }
0x28: {  	s2 =	sld [smem:$0x3FA7]  }
0x29: {  	s4 =	sld [smem:$0x3FA9]  }
0x2a: {  	p0 =	seq.s32 s5, $0x0;
	s5 =	sld [smem:$0x3FAA]  }
0x2b: {  	s6 =	sld [smem:$0x3FAB]  }
0x2c: {  	s7 =	sld [smem:$0x3FAC]  }
0x2d: {  	s3 =	simm.s32 $0x108;
	s8 =	sld [smem:$0x3FAD]  }
0x2e: {  	s3 =	simm.s32 @!p0 $0x1082;
	s9 =	sld [smem:$0x3FAE]  }
0x2f: {  	lr =	sadd.s32 s0, s3;
	s0 =	sld [smem:$0x3FA5]  }
0x30: {  	s3 =	sld [smem:$0x3FA8]  }
0x31: {  	[smem:$0x3FB1] =	sst s10  }
0x32: {  	s10 =	sld [smem:$0x3FAF];
	_ =	sdelay $0x3  }
0x33: {  	p0 =	seq.s32 s10, $0x1;
	s10 =	sld [smem:$0x3FB1];
	_ =	sdelay $0x3  }
0x34: {  	[smem:$0x3FB1] =	sst s10  }
0x35: {  	s10 =	sld [smem:$0x3FB0];
	_ =	sdelay $0x3  }
0x36: {  	p1 =	seq.s32 s10, $0x1;
	s10 =	sld [smem:$0x3FB1];
	_ =	sdelay $0x3  }
0x37: {  	[smem:$0x3FB1] =	sst s10  }
0x38: {  	s10 =	sld [smem:$0x3FB2]  }
0x39: {  	_ = 	snop;
	(pc) =	sbr.ind lr, $3  }
0x3a: {  	_ = 	snop  }
0x3b: {  	_ = 	snop  }
0x3c: {  	p2 =	seq.s32 s10, $0x1;
	s10 =	sld [smem:$0x3FB1]  }
0x3d: {  	_ =	shalt  }
0x3e: {  	_ =	shalt  }
0x3f: {  	_ =	shalt  }
0x40: {  	_ =	shalt  }
0x41: {  	_ =	shalt  }
0x42: {  	_ =	shalt  }
0x43: {  	_ =	shalt  }
0x44: {  	_ =	shalt  }
0x45: {  	_ =	shalt  }
0x46: {  	_ =	shalt  }
0x47: {  	_ =	shalt  }
0x48: {  	_ =	shalt  }
0x49: {  	_ =	shalt  }
0x4a: {  	_ =	shalt  }
0x4b: {  	_ =	shalt  }
0x4c: {  	_ =	shalt  }
0x4d: {  	_ =	shalt  }
0x4e: {  	_ =	shalt  }
0x4f: {  	_ =	shalt  }
0x50: {  	_ =	shalt  }
0x51: {  	_ =	shalt  }
0x52: {  	_ =	shalt  }
0x53: {  	_ =	shalt  }
0x54: {  	_ =	shalt  }
0x55: {  	_ =	shalt  }
0x56: {  	_ =	shalt  }
0x57: {  	_ =	shalt  }
0x58: {  	_ =	shalt  }
0x59: {  	_ =	shalt  }
0x5a: {  	_ =	shalt  }
0x5b: {  	_ =	shalt  }
0x5c: {  	_ =	shalt  }
0x5d: {  	_ =	shalt  }
0x5e: {  	_ =	shalt  }
0x5f: {  	_ =	shalt  }
0x60: {  	_ =	shalt  }
0x61: {  	_ =	shalt  }
0x62: {  	_ =	shalt  }
0x63: {  	_ =	shalt  }
0x64: {  	_ =	shalt  }
0x65: {  	_ =	shalt  }
0x66: {  	_ =	shalt  }
0x67: {  	_ =	shalt  }
0x68: {  	_ =	shalt  }
0x69: {  	_ =	shalt  }
0x6a: {  	_ =	shalt  }
0x6b: {  	_ =	shalt  }
0x6c: {  	_ =	shalt  }
0x6d: {  	_ =	shalt  }
0x6e: {  	_ =	shalt  }
0x6f: {  	_ =	shalt  }
0x70: {  	_ =	shalt  }
0x71: {  	_ =	shalt  }
0x72: {  	_ =	shalt  }
0x73: {  	_ =	shalt  }
0x74: {  	_ =	shalt  }
0x75: {  	_ =	shalt  }
0x76: {  	_ =	shalt  }
0x77: {  	_ =	shalt  }
0x78: {  	_ =	shalt  }
0x79: {  	_ =	shalt  }
0x7a: {  	_ =	shalt  }
0x7b: {  	_ =	shalt  }
0x7c: {  	_ =	shalt  }
0x7d: {  	_ =	shalt  }
0x7e: {  	_ =	shalt  }
0x7f: {  	_ =	shalt  }
0x80: {  	_ =	shalt  }
0x81: {  	_ =	shalt  }
0x82: {  	_ =	shalt  }
0x83: {  	_ =	shalt  }
0x84: {  	_ =	shalt  }
0x85: {  	_ =	shalt  }
0x86: {  	_ =	shalt  }
0x87: {  	_ =	shalt  }
.Lfunc_end0:
.L_simem_size_0:
called_computation_lowered:
.L_overlay_start_0:
0x88: {  	s2 =	sld [smem:$0x3FD9]  }
0x89: {  	s3 =	sld [smem:$0x3FFE];
	_ =	sdelay $0x1  }
0x8a: {  	s1 =	srdreg.scid  }
0x8b: {  	s0 =	sand.u32 $0x1, s1  }
0x8c: {  	s17 =	sshll.u32 s0, $0xA;
	s2 =	sadd.s32 s3, s2  }
0x8d: {  	s2 =	sadd.s32 s2, s17  }
0x8e: {  	[smem:$0x3FBD] =	sst s2  }
0x8f: {  	_ = 	snop  }
0x90: {  	s2 =	sld [smem:$0x3FD0];
	(tm) =	ssettm $0x1  }
0x91: {  	s18 =	sld [smem:$0x3FFB];
	_ =	sdelay $0x3  }
0x92: {  	_ =	strace s18  }
0x93: {  	s3 =	sld [smem:$0x3FFC];
	_ =	sdelay $0x3  }
0x94: {  	_ =	strace s3  }
0x95: {  	s3 =	sld [smem:$0x3FFD];
	_ =	sdelay $0x3  }
0x96: {  	_ =	strace s3  }
0x97: {  	_ =	strace $0x8FFFFFFF  }
0x98: {  	s19 =	sld [smem:$0x3FDB];
	_ =	sdelay $0x1  }
0x99: {  	s4 =	simm.s32 $_scs_section_size  }
0x9a: {  	s5 =	simm.s32 $_size__tile_overlayer_lowered;
	s6 =	simm.s32 $_tile_overlayer_lowered  }
0x9b: {  	s22 =	simm.s32 $0x1BFF;
	s21 =	sshll.u32 s6, $0x1;
	s3 =	sadd.s32 s4, s19  }
0x9c: {  	s7 =	simm.s32 $0x0;
	s20 =	sshll.u32 s5, $0x1;
	s5 =	sadd.s32 s21, s3  }
0x9d: {  	[timem:s7], [sflag:s22] =	dma.local [hbm:s5], s20  }
0x9e: {  	_ =	swait.ge [sflag:s22], s20  }
0x9f: {  	s4 =	ssub.s32 $0x0, s20;
	[sflag:s22] =	ssyncset.done $0x0  }
0xa0: {  	[sflag:s22] =	ssyncadd.s32 s4;
	_ =	sdelay $0x1  }
0xa1: {  	s23 =	simm.s32 $0x1B8B  }
0xa2: {  	_ =	swait.ge [sflag:s23], $0x1  }
0xa3: {  	[sflag:s23] =	ssyncset.done $0x0  }
0xa4: {  	s25 =	simm.s32 $0x1B8E;
	s24 =	sld [smem:$0x3FFE];
	[sflag:s23] =	ssyncadd.s32 $0xFFFFFFFF  }
0xa5: {  	s26 =	simm.s32 $execute0_lowered;
	[smem:$0x3FD2] =	sst s25  }
0xa6: {  	s5 =	sshll.u32 s26, $0x1;
	_ =	strace $0x80000046;
	[dreg:$0x1] =	wrdreg $0xFFFFFFFF  }
0xa7: {  	s28 =	simm.s32 $_size_execute0_lowered;
	s3 =	sadd.s32 s3, s5;
	[dreg:$0x0] =	wrdreg $0x0  }
0xa8: {  	s5 =	sshll.u32 s28, $0x1;
	[dreg:$0x2] =	wrdreg s3  }
0xa9: {  	[dreg:$0x3] =	wrdreg s5  }
0xaa: {  	[dreg:$0x4] =	wrdreg $0xC0  }
0xab: {  	_ =	task [dreg:s7], $0x5FFFF  }
0xac: {  	[dreg:$0x1] =	wrdreg $0xFFFFFFFF  }
0xad: {  	[dreg:$0x0] =	wrdreg $0x60  }
0xae: {  	[dreg:$0x2] =	wrdreg s24  }
0xaf: {  	[dreg:$0x3] =	wrdreg s2  }
0xb0: {  	[dreg:$0x4] =	wrdreg $0x0  }
0xb1: {  	[dreg:$0x5] =	wrdreg $0x9  }
0xb2: {  	_ =	task.clear_ibuf [dreg:s7], $0x6FFFF;
	_ =	strace $0x90000046  }
0xb3: {  	s29 =	simm.s32 $0x9;
	_ =	strace $0x80000048  }
0xb4: {  	_ =	swait.ge [sflag:s29], $0x1  }
0xb5: {  	[sflag:s29] =	ssyncadd.s32 $0xFFFFFFFF  }
0xb6: {  	_ =	strace $0x90000048  }
0xb7: {  	_ =	sfence  }
0xb8: {  	s30 =	sld [smem:$0x0];
	_ =	sdelay $0x2  }
0xb9: {  	s31 =	sshll.u32 s1, $0xD;
	s1 =	sshrl.u32 s1, $0x2  }
0xba: {  	s3 =	sand.u32 $0x4000, s31;
	s1 =	sadd.s32 s1, s30  }
0xbb: {  	s0 =	sor.u32 s3, s0;
	s1 =	sshll.u32 s1, $0x11  }
0xbc: {  	s0 =	sor.u32 s1, s0  }
0xbd: {  	s0 =	sadd.s32 $0x8F2B, s0  }
0xbe: {  	[sflag:s0] =	ssyncadd.remote.s32 $0x1  }
0xbf: {  	_ =	sfence.sel $0xFFFF  }
0xc0: {  	[dreg:$0x0] =	wrdreg $0xFFFFFFFF;
	(pc) =	sbr.abs _section_cstart, $3  }
0xc1: {  	[dreg:$0x1] =	wrdreg $0xFFFFFFFF  }
0xc2: {  	_ =	task.clear_ibuf [dreg:s7], $0x2FFFF;
	_ =	strace $0x9FFFFFFF  }
0xc3: {  	(tm) =	ssettm $0x7FFFFFFF  }
tec
execute0_lowered:
.L_overlay_start_1:
0x0: {  	(tag) =	ssettag $0x1  }
0x1: {  	s8 =	rddreg [dreg:$0x0]  }
0x2: {  	s2 =	rddreg [dreg:$0x1]  }
0x3: {  	s3 =	rddreg [dreg:$0x2]  }
0x4: {  	s0 =	rddreg [dreg:$0x3]  }
0x5: {  	s4 =	simm.s32 $0x0;
	s1 =	stileid.u32;
	s5 =	srdreg.scid  }
0x6: {  	s16 =	simm.s32 $0x14180;
	s17 =	simm.s32 $0x14300;
	s18 =	simm.s32 $0x140  }
0x7: {  	s19 =	simm.s32 $0x14480;
	s20 =	simm.s32 $0x1;
	[smem:$0x7FF] =	sst s4  }
0x8: {  	s9 =	smul.u32 $0x2800, s1;
	s10 =	sand.u32 $0x1, s5;
	s5 =	sadd.s32 $0x3CA00, s8  }
0x9: {  	s6 =	sadd.s32 $0x1E00, s8;
	s7 =	sadd.s32 $0x1F400, s8;
	s13 =	smul.u32 $0x50000, s1  }
0xa: {  	s29 =	sshll.u32 s1, $0x1;
	s31 =	sshll.u32 s1, $0x6;
	_ =	strace $0x80000047  }
0xb: {  	s11 =	smul.u32 $0x28000, s10;
	s26 =	ssub.s32 $0x2, s10;
	s10 =	sor.u32 s10, s29  }
0xc: {  	s12 =	sadd.s32 s9, s8;
	s28 =	sshrl.u32 s26, $0x1;
	s30 =	sshrl.u32 s13, $0x2  }
0xd: {  	s10 =	smul.u32 $0x7580, s10;
	s9 =	sadd.s32 s9, s11;
	s15 =	ssub.s32 s26, s28  }
0xe: {  	s13 =	sadd.s32 s30, s3;
	s14 =	sadd.s32 s9, s8;
	s8 =	sadd.s32 $0xB1E00, s12  }
0xf: {  	s9 =	sor.u32 $0x1C02, s31;
	s12 =	smax.u32 s15, $0x1;
	s13 =	sshrl.u32 s13, $0x3  }
0x10: {  	s15 =	simm.s32 $0x14000;
	s11 =	sadd.s32 $0xD9E00, s14;
	s14 =	simm.s32 $0x2  }
.LBB2_1:
0x11: {  	[spmem:s13], [sflag:s9] =	dma.local [hbm:s8], $0x2800  }
0x12: {  	_ =	swait.ge [sflag:s14], $0x2800  }
0x13: {  	[sflag:s14] =	ssyncset.done $0x0  }
0x14: {  	[sflag:s14] =	ssyncadd.s32 $0xFFFFD800  }
0x15: {  	s21 =	simm.s32 $0x0;
	[bflag:$0x0] =	sbarrier.arrive $0xFFFF  }
.LBB2_2:
0x16: {  	s22 =	smul.u32 $0x140, s21;
	_ =	sdelay $0x1  }
0x17: {  	s22 =	sadd.s32 s10, s22  }
0x18: {  	s22 =	sshrl.u32 s22, $0x3  }
0x19: {  	s24 =	simm.s32 $0x0;
	s23 =	sadd.s32 s2, s22  }
0x1a: {  	[tilespmem:s15], [sflag:$0x2] =	stream.linear.gather [hbm4b:s23+s24], $0x140, $0x38;
	[tilespmem:$0x1E480] =	vst v63  }
0x1b: {  	_ =	swait.ge [sflag:s14], $0x140  }
0x1c: {  	[sflag:s14] =	ssyncset.done $0x0  }
0x1d: {  	s29 =	sadd.s32 s6, s22;
	[sflag:s14] =	ssyncadd.s32 $0xFFFFFEC0  }
0x1e: {  	[tilespmem:s16], [sflag:$0x2] =	stream.linear.gather [hbm4b:s29+s24], $0x140, $0x38;
	[tilespmem:$0x1E480] =	vst v63  }
0x1f: {  	_ =	swait.ge [sflag:s14], $0x140  }
0x20: {  	[sflag:s14] =	ssyncset.done $0x0  }
0x21: {  	s22 =	sadd.s32 s7, s22;
	[sflag:s14] =	ssyncadd.s32 $0xFFFFFEC0  }
0x22: {  	[tilespmem:s17], [sflag:$0x2] =	stream.linear.gather [hbm4b:s22+s24], $0x140, $0x38;
	[tilespmem:$0x1E480] =	vst v63  }
0x23: {  	_ =	swait.ge [sflag:s14], $0x140  }
0x24: {  	[sflag:s14] =	ssyncset.done $0x0  }
0x25: {  	[sflag:s14] =	ssyncadd.s32 $0xFFFFFEC0  }
0x26: {  	[tilespmem:s19], [sflag:$0x1] =	stream.indirect.gather [hbm4b:s5+s18], $0x80, s15, s18, $0xb8;
	[tilespmem:$0x1E480] =	vst v63  }
0x27: {  	_ =	swait.ge [sflag:s20], $0xA000  }
0x28: {  	s30 =	simm.s32 $0x0;
	[sflag:s20] =	ssyncset.done $0x0  }
0x29: {  	s31 =	simm.s32 $0x0;
	s22 =	sand.u32 $0x3FFFFFF0, s30;
	[sflag:s20] =	ssyncadd.s32 $0xFFFF6000  }
0x2a: {  	v0 =	vld [tilespmem:s22+$0x14300];
	s22 =	sand.u32 $0x3FFFF800, s31  }
0x2b: {  	v6 =	vld [tilespmem:s22+$0x14540]  }
0x2c: {  	v2 =	vld [tilespmem:s22+$0x144A0]  }
0x2d: {  	v3 =	vld [tilespmem:s22+$0x144B0]  }
0x2e: {  	v9 =	vld [tilespmem:s22+$0x144E0]  }
0x2f: {  	v10 =	vld [tilespmem:s22+$0x144F0];
	v1 =	vbroadcast v0, $0x0  }
0x30: {  	v11 =	vld [tilespmem:s22+$0x14500]  }
0x31: {  	v12 =	vld [tilespmem:s22+$0x14510];
	v2 =	vmul.f32 v2, v1  }
0x32: {  	v13 =	vld [tilespmem:s22+$0x14520];
	v3 =	vmul.f32 v3, v1  }
0x33: {  	v8 =	vld [tilespmem:s22+$0x14530];
	v28 =	vbroadcast v0, $0x1;
	v27 =	vmul.f32 v9, v1;
	[tilespmem:s22+$0x144A0] =	vst v2  }
0x34: {  	v7 =	vld [tilespmem:s22+$0x14550];
	v10 =	vmul.f32 v10, v1;
	[tilespmem:s22+$0x144B0] =	vst v3  }
0x35: {  	v5 =	vld [tilespmem:s22+$0x149F0];
	v11 =	vmul.f32 v11, v28;
	[tilespmem:s22+$0x144E0] =	vst v27  }
0x36: {  	v30 =	vld [tilespmem:s22+$0x14570];
	v12 =	vmul.f32 v12, v28;
	[tilespmem:s22+$0x144F0] =	vst v10  }
0x37: {  	v31 =	vld [tilespmem:s22+$0x14580];
	v13 =	vmul.f32 v13, v28;
	[tilespmem:s22+$0x14500] =	vst v11  }
0x38: {  	v32 =	vld [tilespmem:s22+$0x14590];
	v8 =	vmul.f32 v8, v28;
	[tilespmem:s22+$0x14510] =	vst v12  }
0x39: {  	v29 =	vld [tilespmem:s22+$0x14560];
	v6 =	vmul.f32 v6, v28;
	[tilespmem:s22+$0x14520] =	vst v13  }
0x3a: {  	v33 =	vld [tilespmem:s22+$0x145A0];
	v14 =	vbroadcast v0, $0x2;
	v7 =	vmul.f32 v7, v28;
	[tilespmem:s22+$0x14530] =	vst v8  }
0x3b: {  	v34 =	vld [tilespmem:s22+$0x145B0];
	v9 =	vmul.f32 v30, v28;
	[tilespmem:s22+$0x14540] =	vst v6  }
0x3c: {  	v35 =	vld [tilespmem:s22+$0x145C0];
	v4 =	vbroadcast v0, $0xA;
	v37 =	vmul.f32 v31, v14;
	[tilespmem:s22+$0x14550] =	vst v7  }
0x3d: {  	v36 =	vld [tilespmem:s22+$0x145D0];
	v39 =	vmul.f32 v32, v14;
	[tilespmem:s22+$0x14570] =	vst v9  }
0x3e: {  	v38 =	vld [tilespmem:s22+$0x145E0];
	v2 =	vmul.f32 v5, v4;
	[tilespmem:s22+$0x14580] =	vst v37  }
0x3f: {  	v40 =	vld [tilespmem:s22+$0x145F0];
	v10 =	vmul.f32 v29, v28;
	[tilespmem:s22+$0x14590] =	vst v39  }
0x40: {  	v41 =	vld [tilespmem:s22+$0x14600];
	v8 =	vmul.f32 v33, v14;
	[tilespmem:s22+$0x149F0] =	vst v2  }
0x41: {  	v42 =	vld [tilespmem:s22+$0x14610];
	v6 =	vmul.f32 v34, v14;
	[tilespmem:s22+$0x14560] =	vst v10  }
0x42: {  	v43 =	vld [tilespmem:s22+$0x14620];
	v7 =	vmul.f32 v35, v14;
	[tilespmem:s22+$0x145A0] =	vst v8  }
0x43: {  	v44 =	vld [tilespmem:s22+$0x14630];
	v46 =	vbroadcast v0, $0x3;
	v9 =	vmul.f32 v38, v14;
	[tilespmem:s22+$0x145B0] =	vst v6  }
0x44: {  	v45 =	vld [tilespmem:s22+$0x14640];
	v11 =	vmul.f32 v40, v14;
	[tilespmem:s22+$0x145C0] =	vst v7  }
0x45: {  	v47 =	vld [tilespmem:s22+$0x14650];
	v12 =	vmul.f32 v41, v46;
	[tilespmem:s22+$0x145E0] =	vst v9  }
0x46: {  	v48 =	vld [tilespmem:s22+$0x14660];
	v10 =	vmul.f32 v36, v14;
	[tilespmem:s22+$0x145F0] =	vst v11  }
0x47: {  	v49 =	vld [tilespmem:s22+$0x14670];
	v8 =	vmul.f32 v42, v46;
	[tilespmem:s22+$0x14600] =	vst v12  }
0x48: {  	v50 =	vld [tilespmem:s22+$0x14680];
	v6 =	vmul.f32 v43, v46;
	[tilespmem:s22+$0x145D0] =	vst v10  }
0x49: {  	v51 =	vld [tilespmem:s22+$0x14690];
	v7 =	vmul.f32 v44, v46;
	[tilespmem:s22+$0x14610] =	vst v8  }
0x4a: {  	v52 =	vld [tilespmem:s22+$0x146A0];
	v9 =	vmul.f32 v47, v46;
	[tilespmem:s22+$0x14620] =	vst v6  }
0x4b: {  	v53 =	vld [tilespmem:s22+$0x146B0];
	v11 =	vmul.f32 v48, v46;
	[tilespmem:s22+$0x14630] =	vst v7  }
0x4c: {  	v54 =	vld [tilespmem:s22+$0x146C0];
	v55 =	vbroadcast v0, $0x4;
	v12 =	vmul.f32 v49, v46;
	[tilespmem:s22+$0x14650] =	vst v9  }
0x4d: {  	v56 =	vld [tilespmem:s22+$0x146D0];
	v10 =	vmul.f32 v45, v46;
	[tilespmem:s22+$0x14660] =	vst v11  }
0x4e: {  	v57 =	vld [tilespmem:s22+$0x146E0];
	v8 =	vmul.f32 v50, v55;
	[tilespmem:s22+$0x14670] =	vst v12  }
0x4f: {  	v58 =	vld [tilespmem:s22+$0x146F0];
	v6 =	vmul.f32 v51, v55;
	[tilespmem:s22+$0x14640] =	vst v10  }
0x50: {  	v59 =	vld [tilespmem:s22+$0x14700];
	v7 =	vmul.f32 v52, v55;
	[tilespmem:s22+$0x14680] =	vst v8  }
0x51: {  	v60 =	vld [tilespmem:s22+$0x14710];
	v9 =	vmul.f32 v54, v55;
	[tilespmem:s22+$0x14690] =	vst v6  }
0x52: {  	v61 =	vld [tilespmem:s22+$0x14720];
	v11 =	vmul.f32 v56, v55;
	[tilespmem:s22+$0x146A0] =	vst v7  }
0x53: {  	v62 =	vld [tilespmem:s22+$0x14730];
	v12 =	vmul.f32 v57, v55;
	[tilespmem:s22+$0x146C0] =	vst v9  }
0x54: {  	v63 =	vld [tilespmem:s22+$0x14740];
	v16 =	vbroadcast v0, $0x5;
	v10 =	vmul.f32 v53, v55;
	[tilespmem:s22+$0x146D0] =	vst v11  }
0x55: {  	v17 =	vld [tilespmem:s22+$0x14750];
	v8 =	vmul.f32 v58, v55;
	[tilespmem:s22+$0x146E0] =	vst v12  }
0x56: {  	v18 =	vld [tilespmem:s22+$0x14760];
	v6 =	vmul.f32 v59, v16;
	[tilespmem:s22+$0x146B0] =	vst v10  }
0x57: {  	v19 =	vld [tilespmem:s22+$0x14770];
	v7 =	vmul.f32 v60, v16;
	[tilespmem:s22+$0x146F0] =	vst v8  }
0x58: {  	v20 =	vld [tilespmem:s22+$0x14780];
	v9 =	vmul.f32 v62, v16;
	[tilespmem:s22+$0x14700] =	vst v6  }
0x59: {  	v21 =	vld [tilespmem:s22+$0x14790];
	v11 =	vmul.f32 v63, v16;
	[tilespmem:s22+$0x14710] =	vst v7  }
0x5a: {  	v22 =	vld [tilespmem:s22+$0x147A0];
	v12 =	vmul.f32 v17, v16;
	[tilespmem:s22+$0x14730] =	vst v9  }
0x5b: {  	v23 =	vld [tilespmem:s22+$0x147B0];
	v10 =	vmul.f32 v61, v16;
	[tilespmem:s22+$0x14740] =	vst v11  }
0x5c: {  	v24 =	vld [tilespmem:s22+$0x147C0];
	v25 =	vbroadcast v0, $0x6;
	v8 =	vmul.f32 v18, v16;
	[tilespmem:s22+$0x14750] =	vst v12  }
0x5d: {  	v56 =	vld [tilespmem:s22+$0x14980];
	v6 =	vmul.f32 v19, v16;
	[tilespmem:s22+$0x14720] =	vst v10  }
0x5e: {  	v26 =	vld [tilespmem:s22+$0x147D0];
	v7 =	vmul.f32 v20, v25;
	[tilespmem:s22+$0x14760] =	vst v8  }
0x5f: {  	v30 =	vld [tilespmem:s22+$0x14810];
	v9 =	vmul.f32 v22, v25;
	[tilespmem:s22+$0x14770] =	vst v6  }
0x60: {  	v27 =	vld [tilespmem:s22+$0x147E0];
	v11 =	vmul.f32 v23, v25;
	[tilespmem:s22+$0x14780] =	vst v7  }
0x61: {  	v28 =	vld [tilespmem:s22+$0x147F0];
	v12 =	vmul.f32 v24, v25;
	[tilespmem:s22+$0x147A0] =	vst v9  }
0x62: {  	v31 =	vld [tilespmem:s22+$0x14820];
	v62 =	vmul.f32 v56, v4;
	[tilespmem:s22+$0x147B0] =	vst v11  }
0x63: {  	v32 =	vld [tilespmem:s22+$0x14830];
	v10 =	vmul.f32 v21, v25;
	[tilespmem:s22+$0x147C0] =	vst v12  }
0x64: {  	v3 =	vld [tilespmem:s22+$0x14A00];
	v8 =	vmul.f32 v26, v25;
	[tilespmem:s22+$0x14980] =	vst v62  }
0x65: {  	v5 =	vld [tilespmem:s22+$0x14A10];
	v34 =	vbroadcast v0, $0x7;
	v6 =	vmul.f32 v27, v25;
	[tilespmem:s22+$0x14790] =	vst v10  }
0x66: {  	v29 =	vld [tilespmem:s22+$0x14800];
	v7 =	vmul.f32 v28, v25;
	[tilespmem:s22+$0x147D0] =	vst v8  }
0x67: {  	v60 =	vld [tilespmem:s22+$0x149C0];
	v9 =	vmul.f32 v30, v34;
	[tilespmem:s22+$0x147E0] =	vst v6  }
0x68: {  	v33 =	vld [tilespmem:s22+$0x14840];
	v24 =	vbroadcast v0, $0xB;
	v11 =	vmul.f32 v31, v34;
	[tilespmem:s22+$0x147F0] =	vst v7  }
0x69: {  	v35 =	vld [tilespmem:s22+$0x14850];
	v12 =	vmul.f32 v32, v34;
	[tilespmem:s22+$0x14810] =	vst v9  }
0x6a: {  	v38 =	vld [tilespmem:s22+$0x14880];
	v3 =	vmul.f32 v3, v24;
	[tilespmem:s22+$0x14820] =	vst v11  }
0x6b: {  	v36 =	vld [tilespmem:s22+$0x14860];
	v5 =	vmul.f32 v5, v24;
	[tilespmem:s22+$0x14830] =	vst v12  }
0x6c: {  	v2 =	vld [tilespmem:s22+$0x14C50];
	v19 =	vmul.f32 v60, v4;
	[tilespmem:s22+$0x14A00] =	vst v3  }
0x6d: {  	v39 =	vld [tilespmem:s22+$0x14890];
	v10 =	vmul.f32 v29, v34;
	[tilespmem:s22+$0x14A10] =	vst v5  }
0x6e: {  	v40 =	vld [tilespmem:s22+$0x148A0];
	v8 =	vmul.f32 v33, v34;
	[tilespmem:s22+$0x149C0] =	vst v19  }
0x6f: {  	v43 =	vbroadcast v0, $0x8;
	v61 =	vld [tilespmem:s22+$0x149D0];
	v6 =	vmul.f32 v35, v34;
	[tilespmem:s22+$0x14800] =	vst v10  }
0x70: {  	v16 =	vld [tilespmem:s22+$0x14480];
	v7 =	vmul.f32 v36, v34;
	[tilespmem:s22+$0x14840] =	vst v8  }
0x71: {  	v37 =	vld [tilespmem:s22+$0x14870];
	v9 =	vmul.f32 v38, v43;
	[tilespmem:s22+$0x14850] =	vst v6  }
0x72: {  	v41 =	vld [tilespmem:s22+$0x148B0];
	v11 =	vmul.f32 v39, v43;
	[tilespmem:s22+$0x14860] =	vst v7  }
0x73: {  	v42 =	vld [tilespmem:s22+$0x148C0];
	v12 =	vmul.f32 v40, v43;
	[tilespmem:s22+$0x14880] =	vst v9  }
0x74: {  	v44 =	vld [tilespmem:s22+$0x148D0];
	v21 =	vmul.f32 v61, v4;
	[tilespmem:s22+$0x14890] =	vst v11  }
0x75: {  	v46 =	vld [tilespmem:s22+$0x148F0];
	v25 =	vmul.f32 v1, v16;
	[tilespmem:s22+$0x148A0] =	vst v12  }
0x76: {  	v47 =	vld [tilespmem:s22+$0x14900];
	v10 =	vmul.f32 v37, v34;
	[tilespmem:s22+$0x149D0] =	vst v21  }
0x77: {  	v48 =	vld [tilespmem:s22+$0x14910];
	v8 =	vmul.f32 v41, v43;
	[tilespmem:s22+$0x14480] =	vst v25  }
0x78: {  	v6 =	vmul.f32 v42, v43;
	[tilespmem:s22+$0x14870] =	vst v10  }
0x79: {  	v52 =	vbroadcast v0, $0x9;
	v27 =	vld [tilespmem:s22+$0x14A50];
	v7 =	vmul.f32 v44, v43;
	[tilespmem:s22+$0x148B0] =	vst v8  }
0x7a: {  	v30 =	vld [tilespmem:s22+$0x14A80];
	v9 =	vmul.f32 v46, v43;
	[tilespmem:s22+$0x148C0] =	vst v6  }
0x7b: {  	v28 =	vld [tilespmem:s22+$0x14A60];
	v3 =	vbroadcast v0, $0xF;
	v11 =	vmul.f32 v47, v52;
	[tilespmem:s22+$0x148D0] =	vst v7  }
0x7c: {  	v45 =	vld [tilespmem:s22+$0x148E0];
	v12 =	vmul.f32 v48, v52;
	[tilespmem:s22+$0x148F0] =	vst v9  }
0x7d: {  	v49 =	vld [tilespmem:s22+$0x14920];
	v35 =	vbroadcast v0, $0xC;
	v2 =	vmul.f32 v2, v3;
	[tilespmem:s22+$0x14900] =	vst v11  }
0x7e: {  	v50 =	vld [tilespmem:s22+$0x14930];
	v32 =	vmul.f32 v27, v24;
	[tilespmem:s22+$0x14910] =	vst v12  }
0x7f: {  	v51 =	vld [tilespmem:s22+$0x14940];
	v14 =	vmul.f32 v30, v35;
	[tilespmem:s22+$0x14C50] =	vst v2  }
0x80: {  	v54 =	vld [tilespmem:s22+$0x14960];
	v40 =	vmul.f32 v28, v24;
	[tilespmem:s22+$0x14A50] =	vst v32  }
0x81: {  	v55 =	vld [tilespmem:s22+$0x14970];
	v10 =	vmul.f32 v45, v43;
	[tilespmem:s22+$0x14A80] =	vst v14  }
0x82: {  	v18 =	vld [tilespmem:s22+$0x144C0];
	v8 =	vmul.f32 v49, v52;
	[tilespmem:s22+$0x14A60] =	vst v40  }
0x83: {  	v38 =	vld [tilespmem:s22+$0x14AF0];
	v6 =	vmul.f32 v50, v52;
	[tilespmem:s22+$0x148E0] =	vst v10  }
0x84: {  	v29 =	vld [tilespmem:s22+$0x14A70];
	v7 =	vmul.f32 v51, v52;
	[tilespmem:s22+$0x14920] =	vst v8  }
0x85: {  	v33 =	vld [tilespmem:s22+$0x14AB0];
	v9 =	vmul.f32 v54, v52;
	[tilespmem:s22+$0x14930] =	vst v6  }
0x86: {  	v53 =	vld [tilespmem:s22+$0x14950];
	v11 =	vmul.f32 v55, v52;
	[tilespmem:s22+$0x14940] =	vst v7  }
0x87: {  	v57 =	vld [tilespmem:s22+$0x14990];
	v2 =	vmul.f32 v18, v1;
	[tilespmem:s22+$0x14960] =	vst v9  }
0x88: {  	v58 =	vld [tilespmem:s22+$0x149A0];
	v14 =	vmul.f32 v38, v35;
	[tilespmem:s22+$0x14970] =	vst v11  }
0x89: {  	v59 =	vld [tilespmem:s22+$0x149B0];
	v5 =	vmul.f32 v29, v24;
	[tilespmem:s22+$0x144C0] =	vst v2  }
0x8a: {  	v63 =	vld [tilespmem:s22+$0x149E0];
	v62 =	vmul.f32 v33, v35;
	[tilespmem:s22+$0x14AF0] =	vst v14  }
0x8b: {  	v17 =	vld [tilespmem:s22+$0x14490];
	v10 =	vmul.f32 v53, v52;
	[tilespmem:s22+$0x14A70] =	vst v5  }
0x8c: {  	v20 =	vld [tilespmem:s22+$0x144D0];
	v8 =	vmul.f32 v57, v4;
	[tilespmem:s22+$0x14AB0] =	vst v62  }
0x8d: {  	v61 =	vld [tilespmem:s22+$0x14C70];
	v6 =	vmul.f32 v58, v4;
	[tilespmem:s22+$0x14950] =	vst v10  }
0x8e: {  	v46 =	vld [tilespmem:s22+$0x14B60];
	v7 =	vmul.f32 v59, v4;
	[tilespmem:s22+$0x14990] =	vst v8  }
0x8f: {  	v22 =	vld [tilespmem:s22+$0x14A20];
	v4 =	vmul.f32 v63, v4;
	[tilespmem:s22+$0x149A0] =	vst v6  }
0x90: {  	v23 =	vld [tilespmem:s22+$0x14A30];
	v11 =	vmul.f32 v17, v1;
	[tilespmem:s22+$0x149B0] =	vst v7  }
0x91: {  	v26 =	vld [tilespmem:s22+$0x14A40];
	v44 =	vbroadcast v0, $0xD;
	v1 =	vmul.f32 v20, v1;
	[tilespmem:s22+$0x149E0] =	vst v4  }
0x92: {  	v31 =	vld [tilespmem:s22+$0x14A90];
	v63 =	vmul.f32 v61, v3;
	[tilespmem:s22+$0x14490] =	vst v11  }
0x93: {  	v34 =	vld [tilespmem:s22+$0x14AC0];
	v51 =	vmul.f32 v46, v44;
	[tilespmem:s22+$0x144D0] =	vst v1  }
0x94: {  	v41 =	vld [tilespmem:s22+$0x14B20];
	v6 =	vmul.f32 v22, v24;
	[tilespmem:s22+$0x14C70] =	vst v63  }
0x95: {  	v7 =	vmul.f32 v23, v24;
	v1 =	vld [tilespmem:s22+$0x14B10];
	[tilespmem:s22+$0x14B60] =	vst v51  }
0x96: {  	v49 =	vld [tilespmem:s22+$0x14BA0];
	v4 =	vmul.f32 v26, v24;
	[tilespmem:s22+$0x14A20] =	vst v6  }
0x97: {  	v50 =	vld [tilespmem:s22+$0x14BB0];
	v8 =	vmul.f32 v31, v35;
	[tilespmem:s22+$0x14A30] =	vst v7  }
0x98: {  	v36 =	vld [tilespmem:s22+$0x14AD0];
	v11 =	vmul.f32 v34, v35;
	[tilespmem:s22+$0x14A40] =	vst v4  }
0x99: {  	v37 =	vld [tilespmem:s22+$0x14AE0];
	v0 =	vbroadcast v0, $0xE;
	v10 =	vmul.f32 v41, v44;
	[tilespmem:s22+$0x14A90] =	vst v8  }
0x9a: {  	v39 =	vld [tilespmem:s22+$0x14B00];
	[tilespmem:s22+$0x14AC0] =	vst v11;
	v1 =	vmul.f32 v1, v44  }
0x9b: {  	v42 =	vld [tilespmem:s22+$0x14B30];
	v9 =	vmul.f32 v49, v0;
	[tilespmem:s22+$0x14B20] =	vst v10  }
0x9c: {  	v5 =	vmul.f32 v50, v0;
	[tilespmem:s22+$0x14B10] =	vst v1;
	v1 =	vld [tilespmem:s22+$0x14B80]  }
0x9d: {  	v48 =	vld [tilespmem:s22+$0x14B90];
	v7 =	vmul.f32 v36, v35;
	[tilespmem:s22+$0x14BA0] =	vst v9  }
0x9e: {  	v57 =	vld [tilespmem:s22+$0x14C20];
	v4 =	vmul.f32 v37, v35;
	[tilespmem:s22+$0x14BB0] =	vst v5  }
0x9f: {  	v45 =	vld [tilespmem:s22+$0x14B50];
	v8 =	vmul.f32 v39, v44;
	[tilespmem:s22+$0x14AD0] =	vst v7  }
0xa0: {  	v47 =	vld [tilespmem:s22+$0x14B70];
	v11 =	vmul.f32 v42, v44;
	[tilespmem:s22+$0x14AE0] =	vst v4  }
0xa1: {  	v43 =	vld [tilespmem:s22+$0x14B40];
	[tilespmem:s22+$0x14B00] =	vst v8;
	v1 =	vmul.f32 v1, v0  }
0xa2: {  	v55 =	vld [tilespmem:s22+$0x14C00];
	v10 =	vmul.f32 v48, v0;
	[tilespmem:s22+$0x14B30] =	vst v11  }
0xa3: {  	v5 =	vmul.f32 v57, v3;
	[tilespmem:s22+$0x14B80] =	vst v1;
	v1 =	vld [tilespmem:s22+$0x14BF0]  }
0xa4: {  	v52 =	vld [tilespmem:s22+$0x14BC0];
	v4 =	vmul.f32 v45, v44;
	[tilespmem:s22+$0x14B90] =	vst v10  }
0xa5: {  	v56 =	vld [tilespmem:s22+$0x14C10];
	v8 =	vmul.f32 v47, v44;
	[tilespmem:s22+$0x14C20] =	vst v5  }
0xa6: {  	v54 =	vld [tilespmem:s22+$0x14BE0];
	v7 =	vmul.f32 v43, v44;
	[tilespmem:s22+$0x14B50] =	vst v4  }
0xa7: {  	v58 =	vld [tilespmem:s22+$0x14C30];
	v10 =	vmul.f32 v55, v3;
	[tilespmem:s22+$0x14B70] =	vst v8  }
0xa8: {  	v53 =	vld [tilespmem:s22+$0x14BD0];
	[tilespmem:s22+$0x14B40] =	vst v7;
	v1 =	vmul.f32 v1, v0  }
0xa9: {  	v59 =	vld [tilespmem:s22+$0x14C40];
	v4 =	vmul.f32 v52, v0;
	[tilespmem:s22+$0x14C00] =	vst v10  }
0xaa: {  	v60 =	vld [tilespmem:s22+$0x14C60];
	[tilespmem:s22+$0x14BF0] =	vst v1;
	v1 =	vmul.f32 v56, v3  }
0xab: {  	v8 =	vmul.f32 v54, v0;
	[tilespmem:s22+$0x14BC0] =	vst v4  }
0xac: {  	v2 =	vld [tilespmem:s22+$0x14AA0];
	[tilespmem:s22+$0x14C10] =	vst v1;
	v1 =	vmul.f32 v58, v3  }
0xad: {  	[tilespmem:s22+$0x14BE0] =	vst v8;
	v0 =	vmul.f32 v53, v0  }
0xae: {  	[tilespmem:s22+$0x14C30] =	vst v1;
	v1 =	vmul.f32 v59, v3  }
0xaf: {  	[tilespmem:s22+$0x14BD0] =	vst v0;
	v3 =	vmul.f32 v60, v3  }
0xb0: {  	[tilespmem:s22+$0x14C40] =	vst v1  }
0xb1: {  	s23 =	simm.s32 $0x1;
	v1 =	vmul.f32 v2, v35;
	[tilespmem:s22+$0x14C60] =	vst v3  }
.LBB2_3:
0xb2: {  	s24 =	sshll.u32 s23, $0x4  }
0xb3: {  	p0 =	sne.s32 s23, $0x13;
	[tilespmem:s22+$0x14AA0] =	vst v1;
	s22 =	smov.u32 s23;
	s23 =	sadd.s32 $0x1, s23  }
0xb4: {  	s24 =	sand.u32 $0x3FFFFFF0, s24  }
0xb5: {  	s22 =	sshll.u32 s22, $0xB;
	v0 =	vld [tilespmem:s24+$0x14300]  }
0xb6: {  	s22 =	sand.u32 $0x3FFFF800, s22  }
0xb7: {  	v7 =	vld [tilespmem:s22+$0x14540]  }
0xb8: {  	v8 =	vld [tilespmem:s22+$0x14550]  }
0xb9: {  	v9 =	vld [tilespmem:s22+$0x14530]  }
0xba: {  	v1 =	vbroadcast v0, $0x0;
	v2 =	vld [tilespmem:s22+$0x144A0];
	v6 =	vbroadcast v0, $0x4  }
0xbb: {  	v4 =	vld [tilespmem:s22+$0x144B0]  }
0xbc: {  	v5 =	vld [tilespmem:s22+$0x149F0]  }
0xbd: {  	v10 =	vld [tilespmem:s22+$0x144E0]  }
0xbe: {  	v11 =	vld [tilespmem:s22+$0x144F0]  }
0xbf: {  	v3 =	vbroadcast v0, $0xA;
	v2 =	vmul.f32 v2, v1;
	v12 =	vld [tilespmem:s22+$0x14500]  }
0xc0: {  	v4 =	vmul.f32 v4, v1;
	v13 =	vld [tilespmem:s22+$0x14510]  }
0xc1: {  	[tilespmem:s22+$0x144A0] =	vst v2;
	v14 =	vld [tilespmem:s22+$0x14520];
	v2 =	vmul.f32 v5, v3  }
0xc2: {  	[tilespmem:s22+$0x144B0] =	vst v4;
	v5 =	vmul.f32 v10, v1;
	v10 =	vbroadcast v0, $0x1;
	v4 =	vld [tilespmem:s22+$0x14A00]  }
0xc3: {  	v11 =	vmul.f32 v11, v1;
	[tilespmem:s22+$0x149F0] =	vst v2;
	v2 =	vld [tilespmem:s22+$0x14C50]  }
0xc4: {  	[tilespmem:s22+$0x144E0] =	vst v5;
	v12 =	vmul.f32 v12, v10;
	v5 =	vld [tilespmem:s22+$0x14A10]  }
0xc5: {  	[tilespmem:s22+$0x144F0] =	vst v11;
	v11 =	vmul.f32 v13, v10;
	v13 =	vld [tilespmem:s22+$0x14560]  }
0xc6: {  	[tilespmem:s22+$0x14500] =	vst v12;
	v12 =	vmul.f32 v14, v10;
	v14 =	vld [tilespmem:s22+$0x14570]  }
0xc7: {  	v9 =	vmul.f32 v9, v10;
	[tilespmem:s22+$0x14510] =	vst v11;
	v11 =	vld [tilespmem:s22+$0x14580]  }
0xc8: {  	v7 =	vmul.f32 v7, v10;
	[tilespmem:s22+$0x14520] =	vst v12;
	v12 =	vld [tilespmem:s22+$0x14590]  }
0xc9: {  	v8 =	vmul.f32 v8, v10;
	[tilespmem:s22+$0x14530] =	vst v9;
	v9 =	vld [tilespmem:s22+$0x145A0]  }
0xca: {  	[tilespmem:s22+$0x14540] =	vst v7;
	v7 =	vmul.f32 v13, v10;
	v13 =	vbroadcast v0, $0x2;
	v15 =	vld [tilespmem:s22+$0x145B0]  }
0xcb: {  	[tilespmem:s22+$0x14550] =	vst v8;
	v8 =	vmul.f32 v14, v10;
	v10 =	vld [tilespmem:s22+$0x145C0]  }
0xcc: {  	[tilespmem:s22+$0x14560] =	vst v7;
	v7 =	vmul.f32 v11, v13;
	v11 =	vld [tilespmem:s22+$0x145D0]  }
0xcd: {  	[tilespmem:s22+$0x14570] =	vst v8;
	v8 =	vmul.f32 v12, v13;
	v12 =	vld [tilespmem:s22+$0x145E0]  }
0xce: {  	[tilespmem:s22+$0x14580] =	vst v7;
	v7 =	vmul.f32 v9, v13;
	v9 =	vld [tilespmem:s22+$0x145F0]  }
0xcf: {  	[tilespmem:s22+$0x14590] =	vst v8;
	v8 =	vmul.f32 v15, v13;
	v14 =	vld [tilespmem:s22+$0x14600]  }
0xd0: {  	[tilespmem:s22+$0x145A0] =	vst v7;
	v7 =	vmul.f32 v10, v13;
	v10 =	vld [tilespmem:s22+$0x14610]  }
0xd1: {  	[tilespmem:s22+$0x145B0] =	vst v8;
	v8 =	vmul.f32 v11, v13;
	v11 =	vld [tilespmem:s22+$0x14620]  }
0xd2: {  	[tilespmem:s22+$0x145C0] =	vst v7;
	v7 =	vmul.f32 v12, v13;
	v12 =	vbroadcast v0, $0x3;
	v15 =	vld [tilespmem:s22+$0x14630]  }
0xd3: {  	[tilespmem:s22+$0x145D0] =	vst v8;
	v8 =	vmul.f32 v9, v13;
	v9 =	vld [tilespmem:s22+$0x14640]  }
0xd4: {  	[tilespmem:s22+$0x145E0] =	vst v7;
	v7 =	vmul.f32 v14, v12;
	v13 =	vld [tilespmem:s22+$0x14650]  }
0xd5: {  	[tilespmem:s22+$0x145F0] =	vst v8;
	v8 =	vmul.f32 v10, v12;
	v10 =	vld [tilespmem:s22+$0x14660]  }
0xd6: {  	[tilespmem:s22+$0x14600] =	vst v7;
	v7 =	vmul.f32 v11, v12;
	v11 =	vld [tilespmem:s22+$0x14670]  }
0xd7: {  	[tilespmem:s22+$0x14610] =	vst v8;
	v8 =	vmul.f32 v15, v12;
	v14 =	vld [tilespmem:s22+$0x14680]  }
0xd8: {  	[tilespmem:s22+$0x14620] =	vst v7;
	v7 =	vmul.f32 v9, v12;
	v9 =	vld [tilespmem:s22+$0x14690]  }
0xd9: {  	[tilespmem:s22+$0x14630] =	vst v8;
	v8 =	vmul.f32 v13, v12;
	v13 =	vld [tilespmem:s22+$0x146A0]  }
0xda: {  	[tilespmem:s22+$0x14640] =	vst v7;
	v7 =	vmul.f32 v10, v12;
	v10 =	vld [tilespmem:s22+$0x146B0]  }
0xdb: {  	[tilespmem:s22+$0x14650] =	vst v8;
	v8 =	vmul.f32 v11, v12;
	v11 =	vld [tilespmem:s22+$0x146C0]  }
0xdc: {  	[tilespmem:s22+$0x14660] =	vst v7;
	v7 =	vmul.f32 v14, v6;
	v12 =	vld [tilespmem:s22+$0x146D0]  }
0xdd: {  	[tilespmem:s22+$0x14670] =	vst v8;
	v8 =	vmul.f32 v9, v6;
	v9 =	vld [tilespmem:s22+$0x146E0]  }
0xde: {  	[tilespmem:s22+$0x14680] =	vst v7;
	v7 =	vmul.f32 v13, v6;
	v13 =	vld [tilespmem:s22+$0x146F0]  }
0xdf: {  	[tilespmem:s22+$0x14690] =	vst v8;
	v8 =	vmul.f32 v10, v6;
	v10 =	vld [tilespmem:s22+$0x14700]  }
0xe0: {  	[tilespmem:s22+$0x146A0] =	vst v7;
	v7 =	vmul.f32 v11, v6;
	v11 =	vld [tilespmem:s22+$0x14710]  }
0xe1: {  	[tilespmem:s22+$0x146B0] =	vst v8;
	v8 =	vmul.f32 v12, v6;
	v12 =	vld [tilespmem:s22+$0x14720]  }
0xe2: {  	[tilespmem:s22+$0x146C0] =	vst v7;
	v7 =	vmul.f32 v9, v6;
	v9 =	vbroadcast v0, $0x5;
	v14 =	vld [tilespmem:s22+$0x14730]  }
0xe3: {  	[tilespmem:s22+$0x146D0] =	vst v8;
	v6 =	vmul.f32 v13, v6;
	v8 =	vld [tilespmem:s22+$0x14740]  }
0xe4: {  	[tilespmem:s22+$0x146E0] =	vst v7;
	v7 =	vmul.f32 v10, v9;
	v10 =	vld [tilespmem:s22+$0x14750]  }
0xe5: {  	[tilespmem:s22+$0x146F0] =	vst v6;
	v6 =	vmul.f32 v11, v9;
	v11 =	vld [tilespmem:s22+$0x14760]  }
0xe6: {  	[tilespmem:s22+$0x14700] =	vst v7;
	v7 =	vmul.f32 v12, v9;
	v12 =	vld [tilespmem:s22+$0x14770]  }
0xe7: {  	[tilespmem:s22+$0x14710] =	vst v6;
	v6 =	vmul.f32 v14, v9;
	v13 =	vld [tilespmem:s22+$0x14780]  }
0xe8: {  	[tilespmem:s22+$0x14720] =	vst v7;
	v7 =	vmul.f32 v8, v9;
	v8 =	vld [tilespmem:s22+$0x14790]  }
0xe9: {  	[tilespmem:s22+$0x14730] =	vst v6;
	v6 =	vmul.f32 v10, v9;
	v10 =	vld [tilespmem:s22+$0x147A0]  }
0xea: {  	[tilespmem:s22+$0x14740] =	vst v7;
	v7 =	vmul.f32 v11, v9;
	v11 =	vbroadcast v0, $0x6;
	v14 =	vld [tilespmem:s22+$0x147B0]  }
0xeb: {  	[tilespmem:s22+$0x14750] =	vst v6;
	v6 =	vmul.f32 v12, v9;
	v9 =	vld [tilespmem:s22+$0x147C0]  }
0xec: {  	[tilespmem:s22+$0x14760] =	vst v7;
	v7 =	vmul.f32 v13, v11;
	v12 =	vld [tilespmem:s22+$0x147D0]  }
0xed: {  	[tilespmem:s22+$0x14770] =	vst v6;
	v6 =	vmul.f32 v8, v11;
	v8 =	vld [tilespmem:s22+$0x147E0]  }
0xee: {  	[tilespmem:s22+$0x14780] =	vst v7;
	v7 =	vmul.f32 v10, v11;
	v10 =	vld [tilespmem:s22+$0x147F0]  }
0xef: {  	[tilespmem:s22+$0x14790] =	vst v6;
	v6 =	vmul.f32 v14, v11;
	v13 =	vld [tilespmem:s22+$0x14800]  }
0xf0: {  	[tilespmem:s22+$0x147A0] =	vst v7;
	v7 =	vmul.f32 v9, v11;
	v9 =	vld [tilespmem:s22+$0x14810]  }
0xf1: {  	[tilespmem:s22+$0x147B0] =	vst v6;
	v6 =	vmul.f32 v12, v11;
	v12 =	vld [tilespmem:s22+$0x14820]  }
0xf2: {  	[tilespmem:s22+$0x147C0] =	vst v7;
	v7 =	vmul.f32 v8, v11;
	v8 =	vbroadcast v0, $0x7;
	v14 =	vld [tilespmem:s22+$0x14830]  }
0xf3: {  	[tilespmem:s22+$0x147D0] =	vst v6;
	v6 =	vmul.f32 v10, v11;
	v10 =	vld [tilespmem:s22+$0x14840]  }
0xf4: {  	[tilespmem:s22+$0x147E0] =	vst v7;
	v7 =	vmul.f32 v13, v8;
	v11 =	vld [tilespmem:s22+$0x14850]  }
0xf5: {  	[tilespmem:s22+$0x147F0] =	vst v6;
	v6 =	vmul.f32 v9, v8;
	v9 =	vld [tilespmem:s22+$0x14860]  }
0xf6: {  	[tilespmem:s22+$0x14800] =	vst v7;
	v7 =	vmul.f32 v12, v8;
	v12 =	vld [tilespmem:s22+$0x14870]  }
0xf7: {  	[tilespmem:s22+$0x14810] =	vst v6;
	v6 =	vmul.f32 v14, v8;
	v13 =	vld [tilespmem:s22+$0x14880]  }
0xf8: {  	[tilespmem:s22+$0x14820] =	vst v7;
	v7 =	vmul.f32 v10, v8;
	v10 =	vld [tilespmem:s22+$0x14890]  }
0xf9: {  	[tilespmem:s22+$0x14830] =	vst v6;
	v6 =	vmul.f32 v11, v8;
	v11 =	vld [tilespmem:s22+$0x148A0]  }
0xfa: {  	[tilespmem:s22+$0x14840] =	vst v7;
	v7 =	vmul.f32 v9, v8;
	v9 =	vbroadcast v0, $0x8;
	v14 =	vld [tilespmem:s22+$0x148B0]  }
0xfb: {  	[tilespmem:s22+$0x14850] =	vst v6;
	v6 =	vmul.f32 v12, v8;
	v8 =	vld [tilespmem:s22+$0x148C0]  }
0xfc: {  	[tilespmem:s22+$0x14860] =	vst v7;
	v7 =	vmul.f32 v13, v9;
	v12 =	vld [tilespmem:s22+$0x148D0]  }
0xfd: {  	[tilespmem:s22+$0x14870] =	vst v6;
	v6 =	vmul.f32 v10, v9;
	v10 =	vld [tilespmem:s22+$0x148E0]  }
0xfe: {  	[tilespmem:s22+$0x14880] =	vst v7;
	v7 =	vmul.f32 v11, v9;
	v11 =	vld [tilespmem:s22+$0x148F0]  }
0xff: {  	[tilespmem:s22+$0x14890] =	vst v6;
	v6 =	vmul.f32 v14, v9;
	v13 =	vld [tilespmem:s22+$0x14900]  }
0x100: {  	[tilespmem:s22+$0x148A0] =	vst v7;
	v7 =	vmul.f32 v8, v9;
	v8 =	vld [tilespmem:s22+$0x14910]  }
0x101: {  	[tilespmem:s22+$0x148B0] =	vst v6;
	v6 =	vmul.f32 v12, v9;
	v12 =	vld [tilespmem:s22+$0x14920]  }
0x102: {  	[tilespmem:s22+$0x148C0] =	vst v7;
	v7 =	vmul.f32 v10, v9;
	v10 =	vbroadcast v0, $0x9;
	v14 =	vld [tilespmem:s22+$0x14930]  }
0x103: {  	[tilespmem:s22+$0x148D0] =	vst v6;
	v6 =	vmul.f32 v11, v9;
	v9 =	vld [tilespmem:s22+$0x14940]  }
0x104: {  	[tilespmem:s22+$0x148E0] =	vst v7;
	v7 =	vmul.f32 v13, v10;
	v11 =	vld [tilespmem:s22+$0x14950]  }
0x105: {  	[tilespmem:s22+$0x148F0] =	vst v6;
	v6 =	vmul.f32 v8, v10;
	v8 =	vld [tilespmem:s22+$0x14960]  }
0x106: {  	[tilespmem:s22+$0x14900] =	vst v7;
	v7 =	vmul.f32 v12, v10;
	v12 =	vld [tilespmem:s22+$0x14970]  }
0x107: {  	[tilespmem:s22+$0x14910] =	vst v6;
	v6 =	vmul.f32 v14, v10;
	v13 =	vld [tilespmem:s22+$0x14980]  }
0x108: {  	[tilespmem:s22+$0x14920] =	vst v7;
	v7 =	vmul.f32 v9, v10;
	v9 =	vld [tilespmem:s22+$0x14990]  }
0x109: {  	[tilespmem:s22+$0x14930] =	vst v6;
	v6 =	vmul.f32 v11, v10;
	v11 =	vld [tilespmem:s22+$0x149A0]  }
0x10a: {  	[tilespmem:s22+$0x14940] =	vst v7;
	v7 =	vmul.f32 v8, v10;
	v8 =	vld [tilespmem:s22+$0x149B0]  }
0x10b: {  	[tilespmem:s22+$0x14950] =	vst v6;
	v6 =	vmul.f32 v12, v10;
	v10 =	vld [tilespmem:s22+$0x149C0]  }
0x10c: {  	[tilespmem:s22+$0x14960] =	vst v7;
	v7 =	vmul.f32 v13, v3;
	v12 =	vld [tilespmem:s22+$0x149D0]  }
0x10d: {  	[tilespmem:s22+$0x14970] =	vst v6;
	v6 =	vmul.f32 v9, v3;
	v9 =	vld [tilespmem:s22+$0x149E0]  }
0x10e: {  	v13 =	vld [tilespmem:s22+$0x14480];
	[tilespmem:s22+$0x14980] =	vst v7;
	v7 =	vmul.f32 v11, v3  }
0x10f: {  	v11 =	vld [tilespmem:s22+$0x14490];
	[tilespmem:s22+$0x14990] =	vst v6;
	v6 =	vmul.f32 v8, v3  }
0x110: {  	v8 =	vld [tilespmem:s22+$0x144C0];
	[tilespmem:s22+$0x149A0] =	vst v7;
	v7 =	vmul.f32 v10, v3  }
0x111: {  	v10 =	vld [tilespmem:s22+$0x144D0];
	[tilespmem:s22+$0x149B0] =	vst v6;
	v6 =	vmul.f32 v12, v3  }
0x112: {  	[tilespmem:s22+$0x149C0] =	vst v7;
	v7 =	vmul.f32 v9, v3;
	v9 =	vbroadcast v0, $0xB;
	v12 =	vld [tilespmem:s22+$0x14A20]  }
0x113: {  	v3 =	vbroadcast v0, $0xF;
	v13 =	vmul.f32 v1, v13;
	[tilespmem:s22+$0x149D0] =	vst v6;
	v6 =	vld [tilespmem:s22+$0x14A30]  }
0x114: {  	v11 =	vmul.f32 v11, v1;
	[tilespmem:s22+$0x149E0] =	vst v7;
	v4 =	vmul.f32 v4, v9;
	v7 =	vld [tilespmem:s22+$0x14A40]  }
0x115: {  	v5 =	vmul.f32 v5, v9;
	[tilespmem:s22+$0x14480] =	vst v13;
	v8 =	vmul.f32 v8, v1;
	v13 =	vld [tilespmem:s22+$0x14A50]  }
0x116: {  	v2 =	vmul.f32 v2, v3;
	v10 =	vmul.f32 v10, v1;
	[tilespmem:s22+$0x14A00] =	vst v4;
	v1 =	vld [tilespmem:s22+$0x14A60]  }
0x117: {  	[tilespmem:s22+$0x14A10] =	vst v5;
	v4 =	vmul.f32 v12, v9;
	v5 =	vld [tilespmem:s22+$0x14A70]  }
0x118: {  	v6 =	vmul.f32 v6, v9;
	v12 =	vld [tilespmem:s22+$0x14A80];
	[tilespmem:s22+$0x14C50] =	vst v2  }
0x119: {  	[tilespmem:s22+$0x14490] =	vst v11;
	v2 =	vmul.f32 v7, v9;
	v7 =	vld [tilespmem:s22+$0x14A90]  }
0x11a: {  	[tilespmem:s22+$0x144C0] =	vst v8;
	v8 =	vmul.f32 v13, v9;
	v11 =	vld [tilespmem:s22+$0x14AA0]  }
0x11b: {  	v13 =	vbroadcast v0, $0xC;
	[tilespmem:s22+$0x14A20] =	vst v4;
	v4 =	vmul.f32 v1, v9;
	v14 =	vld [tilespmem:s22+$0x14AB0]  }
0x11c: {  	[tilespmem:s22+$0x14A50] =	vst v8;
	v5 =	vmul.f32 v5, v9;
	v8 =	vld [tilespmem:s22+$0x14AC0]  }
0x11d: {  	[tilespmem:s22+$0x14A30] =	vst v6;
	v1 =	vmul.f32 v12, v13;
	v6 =	vld [tilespmem:s22+$0x14AD0]  }
0x11e: {  	[tilespmem:s22+$0x14A40] =	vst v2;
	v2 =	vmul.f32 v7, v13;
	v7 =	vld [tilespmem:s22+$0x14AE0]  }
0x11f: {  	[tilespmem:s22+$0x14A80] =	vst v1;
	v1 =	vmul.f32 v11, v13;
	v9 =	vld [tilespmem:s22+$0x14AF0]  }
0x120: {  	[tilespmem:s22+$0x14A90] =	vst v2;
	v2 =	vld [tilespmem:s22+$0x14B00]  }
0x121: {  	[tilespmem:s22+$0x144D0] =	vst v10;
	v8 =	vmul.f32 v8, v13;
	v10 =	vld [tilespmem:s22+$0x14B10]  }
0x122: {  	[tilespmem:s22+$0x14A60] =	vst v4;
	v4 =	vmul.f32 v6, v13;
	v6 =	vld [tilespmem:s22+$0x14B20]  }
0x123: {  	[tilespmem:s22+$0x14AC0] =	vst v8;
	v7 =	vmul.f32 v7, v13;
	v8 =	vbroadcast v0, $0xD;
	v11 =	vld [tilespmem:s22+$0x14B30]  }
0x124: {  	[tilespmem:s22+$0x14AD0] =	vst v4;
	v4 =	vmul.f32 v9, v13;
	v9 =	vld [tilespmem:s22+$0x14B40]  }
0x125: {  	[tilespmem:s22+$0x14AE0] =	vst v7;
	v2 =	vmul.f32 v2, v8;
	v7 =	vld [tilespmem:s22+$0x14B50]  }
0x126: {  	[tilespmem:s22+$0x14AF0] =	vst v4;
	v4 =	vmul.f32 v10, v8;
	v10 =	vld [tilespmem:s22+$0x14B60]  }
0x127: {  	[tilespmem:s22+$0x14B00] =	vst v2;
	v2 =	vmul.f32 v6, v8;
	v6 =	vld [tilespmem:s22+$0x14B70]  }
0x128: {  	[tilespmem:s22+$0x14B10] =	vst v4;
	v4 =	vmul.f32 v11, v8;
	v11 =	vld [tilespmem:s22+$0x14B80]  }
0x129: {  	[tilespmem:s22+$0x14B20] =	vst v2;
	v2 =	vmul.f32 v9, v8;
	v9 =	vld [tilespmem:s22+$0x14B90]  }
0x12a: {  	[tilespmem:s22+$0x14B30] =	vst v4;
	v4 =	vmul.f32 v7, v8;
	v7 =	vld [tilespmem:s22+$0x14BA0]  }
0x12b: {  	v0 =	vbroadcast v0, $0xE;
	[tilespmem:s22+$0x14A70] =	vst v5;
	v5 =	vmul.f32 v10, v8;
	v10 =	vld [tilespmem:s22+$0x14BB0]  }
0x12c: {  	[tilespmem:s22+$0x14B50] =	vst v4;
	v4 =	vmul.f32 v6, v8;
	v6 =	vld [tilespmem:s22+$0x14BC0]  }
0x12d: {  	[tilespmem:s22+$0x14B60] =	vst v5;
	v5 =	vmul.f32 v11, v0;
	v8 =	vld [tilespmem:s22+$0x14BD0]  }
0x12e: {  	[tilespmem:s22+$0x14B70] =	vst v4;
	v4 =	vmul.f32 v9, v0;
	v9 =	vld [tilespmem:s22+$0x14BE0]  }
0x12f: {  	[tilespmem:s22+$0x14B80] =	vst v5;
	v5 =	vmul.f32 v7, v0;
	v7 =	vld [tilespmem:s22+$0x14BF0]  }
0x130: {  	[tilespmem:s22+$0x14B90] =	vst v4;
	v4 =	vmul.f32 v10, v0;
	v10 =	vld [tilespmem:s22+$0x14C00]  }
0x131: {  	[tilespmem:s22+$0x14BA0] =	vst v5;
	v5 =	vmul.f32 v6, v0;
	v6 =	vld [tilespmem:s22+$0x14C10]  }
0x132: {  	[tilespmem:s22+$0x14BB0] =	vst v4;
	v4 =	vmul.f32 v8, v0;
	v8 =	vld [tilespmem:s22+$0x14C20]  }
0x133: {  	[tilespmem:s22+$0x14BC0] =	vst v5;
	v5 =	vmul.f32 v9, v0;
	v9 =	vld [tilespmem:s22+$0x14C30]  }
0x134: {  	[tilespmem:s22+$0x14B40] =	vst v2;
	v0 =	vmul.f32 v7, v0;
	v2 =	vld [tilespmem:s22+$0x14C40]  }
0x135: {  	[tilespmem:s22+$0x14BE0] =	vst v5;
	v5 =	vmul.f32 v10, v3;
	v7 =	vld [tilespmem:s22+$0x14C60]  }
0x136: {  	[tilespmem:s22+$0x14BF0] =	vst v0;
	v0 =	vmul.f32 v6, v3;
	v6 =	vld [tilespmem:s22+$0x14C70]  }
0x137: {  	[tilespmem:s22+$0x14C00] =	vst v5;
	v5 =	vmul.f32 v8, v3  }
0x138: {  	[tilespmem:s22+$0x14C10] =	vst v0;
	v0 =	vmul.f32 v9, v3  }
0x139: {  	v8 =	vmul.f32 v14, v13;
	[tilespmem:s22+$0x14C20] =	vst v5  }
0x13a: {  	[tilespmem:s22+$0x14C30] =	vst v0;
	v0 =	vmul.f32 v2, v3  }
.Ltmp0:
0x13b: {  	[tilespmem:s22+$0x14AB0] =	vst v8;
	v2 =	vmul.f32 v6, v3;
	(pc) =	sbr.rel @p0 .LBB2_3-.Ltmp0, $4  }
0x13c: {  	[tilespmem:s22+$0x14C40] =	vst v0  }
0x13d: {  	v0 =	vmul.f32 v7, v3;
	[tilespmem:s22+$0x14C70] =	vst v2  }
0x13e: {  	[tilespmem:s22+$0x14BD0] =	vst v4  }
0x13f: {  	[tilespmem:s22+$0x14C60] =	vst v0  }
0x140: {  	s21 =	sadd.s32 $0x1, s21  }
0x141: {  	p0 =	sne.s32 s21, $0x5E  }
.Ltmp1:
0x142: {  	[tilespmem:s22+$0x14AA0] =	vst v1;
	(pc) =	sbr.rel @p0 .LBB2_2-.Ltmp1, $4  }
0x143: {  	[spmem:s3] =	stream.indirect.scatter.add.f32 [tilespmem:s19], [sflag:$0x2], $0x80, s16, s18, $0xb8;
	[tilespmem:$0x1E480] =	vst v63  }
0x144: {  	_ =	swait.ge [sflag:s14], $0xA000  }
0x145: {  	[sflag:s14] =	ssyncset.done $0x0  }
0x146: {  	[sflag:s14] =	ssyncadd.s32 $0xFFFF6000  }
0x147: {  	s4 =	sadd.s32 $0x1, s4  }
0x148: {  	p0 =	sne.s32 s4, s12  }
.Ltmp2:
0x149: {  	[bflag:$0x0] =	sbarrier.arrive $0xFFFF;
	(pc) =	sbr.rel @p0 .LBB2_1-.Ltmp2, $4  }
0x14a: {  	[hbm:s11], [sflag:s9] =	dma.local [spmem:s13], $0x2800  }
0x14b: {  	_ =	swait.ge [sflag:s14], $0x2800  }
0x14c: {  	[sflag:s14] =	ssyncset.done $0x0  }
0x14d: {  	[sflag:s14] =	ssyncadd.s32 $0xFFFFD800  }
0x14e: {  	_ =	sfence.sel $0x180000  }
0x14f: {  	[bflag:$0x0] =	sbarrier.arrive $0xFFFF  }
0x150: {  	p0 =	sne.s32 s1, $0x0;
	_ =	strace $0x90000047  }
0x151: {  	s0 =	sadd.s32 @!p0 $0x100000, s0;
	[bflag:$0x2] =	sbarrier.arrive $0xFFFF  }
0x152: {  	[sflag:s0] =	ssyncadd.tile.s32 @!p0 $0x1;
	_ =	shalt  }
.Lfunc_end2:
_tile_overlayer_lowered:
.L_overlay_start_2:
0x153: {  	(tag) =	ssettag $0x2  }
0x154: {  	s0 =	rddreg [dreg:$0x0];
	s2 =	stileid.u32  }
0x155: {  	s1 =	rddreg [dreg:$0x1];
	p0 =	sne.s32 s2, $0x0  }
0x156: {  	s3 =	rddreg [dreg:$0x2];
	[bflag:$0x3] =	sbarrier.arrive $0xFFFF;
	s2 =	simm.s32 @!p0 $0x1C02  }
0x157: {  	[timem:s3], [sflag:s2] =	dma.local @!p0 [hbm:s0], s1  }
0x158: {  	s0 =	simm.s32 @!p0 $0x2  }
0x159: {  	_ =	swait.ge @!p0 [sflag:s0], s1  }
0x15a: {  	s1 =	ssub.s32 @!p0 $0x0, s1;
	[sflag:s0] =	ssyncset.done @!p0 $0x0  }
0x15b: {  	[sflag:s0] =	ssyncadd.s32 @!p0 s1  }
0x15c: {  	[bflag:$0x3] =	sbarrier.arrive $0xFFFF  }
0x15d: {  	_ =	shalt  }

</sc_bundles>
